<compile_context>
chip_gen: v7x
topology: tpu7x:2x2x1
jax: 0.10.2.dev20260603
libtpu: 0.0.44.dev20260713+nightly
codegen_flags: <defaults>
</compile_context>

<pallas_src>
import functools

import jax
import jax.numpy as jnp
from jax import lax
from jax.experimental import pallas as pl
from jax.experimental.pallas import tpu as pltpu
from jax.experimental.pallas import tpu_sc as plsc

N = 10000
E = 160000
D = 256
H = 256
G = 128
OUT = 10

NC = 2
NS = 16
NW = NC * NS
HH = H // 2

EPT = E // NW
EPS = E // NS
CH = 32
NF = 315
PADE = NF * CH - EPS
RPT = N // NS
BM = 1000


def _make_deg_kernel():
    mesh = plsc.VectorSubcoreMesh(core_axis_name="c", subcore_axis_name="s")

    @functools.partial(
        pl.kernel,
        out_type=jax.ShapeDtypeStruct((NW, N), jnp.float32),
        mesh=mesh,
        scratch_types=[
            pltpu.VMEM((EPT + 16,), jnp.int32),
            pltpu.VMEM((N,), jnp.float32),
        ],
        compiler_params=pltpu.CompilerParams(needs_layout_passes=False,
                                             use_tc_tiling_on_sc=False),
    )
    def deg_kernel(dst_hbm, out_hbm, dst_v, deg_v):
        c = lax.axis_index("c")
        s = lax.axis_index("s")
        wid = s * NC + c
        zeros16 = jnp.zeros((16,), jnp.float32)

        def zero_body(i, carry):
            deg_v[pl.ds(i * 16, 16)] = zeros16
            return carry

        lax.fori_loop(0, N // 16, zero_body, 0)

        full = EPT // 16
        tail = EPT - full * 16
        dst_v[pl.ds(full * 16, 16)] = jnp.zeros((16,), jnp.int32)
        base = pl.multiple_of(wid * EPT, 8)
        pltpu.sync_copy(dst_hbm.at[pl.ds(base, EPT)], dst_v.at[pl.ds(0, EPT)])

        ones16 = jnp.ones((16,), jnp.float32)

        def count_body(i, carry):
            idx = dst_v[pl.ds(i * 16, 16)]
            plsc.addupdate_scatter(deg_v, [idx], ones16)
            return carry

        lax.fori_loop(0, full, count_body, 0)
        idx = dst_v[pl.ds(full * 16, 16)]
        mask = lax.iota(jnp.int32, 16) < tail
        plsc.addupdate_scatter(deg_v, [idx], ones16, mask=mask)

        pltpu.sync_copy(deg_v, out_hbm.at[wid])

    return deg_kernel


def _make_mp_kernel():
    mesh = plsc.VectorSubcoreMesh(core_axis_name="c", subcore_axis_name="s")

    @functools.partial(
        pl.kernel,
        out_type=jax.ShapeDtypeStruct((2 * N, HH), jnp.float32),
        mesh=mesh,
        scratch_types=[
            pltpu.VMEM_SHARED((N + 8, HH), jnp.float32),
            pltpu.VMEM((NF, CH), jnp.int32),
            pltpu.VMEM((NF, CH), jnp.int32),
            pltpu.VMEM((CH, HH), jnp.float32),
            pltpu.VMEM((CH, HH), jnp.float32),
            pltpu.VMEM((CH, HH), jnp.float32),
            pltpu.VMEM((CH, HH), jnp.float32),
            pltpu.VMEM((CH, HH), jnp.float32),
            pltpu.VMEM((CH, HH), jnp.float32),
            pltpu.VMEM((CH, HH), jnp.float32),
            pltpu.SemaphoreType.DMA,
            pltpu.SemaphoreType.DMA,
            pltpu.SemaphoreType.DMA,
            pltpu.SemaphoreType.DMA,
            pltpu.SemaphoreType.DMA,
            pltpu.SemaphoreType.DMA,
            pltpu.SemaphoreType.DMA,
            pltpu.SemaphoreType.DMA,
            pltpu.SemaphoreType.DMA,
            pltpu.SemaphoreType.DMA,
            pltpu.SemaphoreType.DMA,
            pltpu.SemaphoreType.DMA,
            pltpu.SemaphoreType.DMA,
            pltpu.SemaphoreType.DMA,
        ],
        compiler_params=pltpu.CompilerParams(use_tc_tiling_on_sc=False),
    )
    def mp_kernel(t_hbm, src_hbm, dst_hbm, out_hbm, acc_s, src_v, dst_v,
                  rows0, rows1, rows2, rows3, rows4, rows5, rows6,
                  g0, g1, g2, g3, g4, g5, g6, s0, s1, s2, s3, s4, s5, s6):
        c = lax.axis_index("c")
        s = lax.axis_index("s")
        row0 = pl.multiple_of(c * N + s * RPT, 8)
        arow0 = pl.multiple_of(s * RPT, 8)
        pltpu.sync_copy(src_hbm.at[c * NS + s], src_v)
        pltpu.sync_copy(dst_hbm.at[s], dst_v)
        pltpu.sync_copy(t_hbm.at[pl.ds(row0, RPT)], acc_s.at[pl.ds(arow0, RPT)])
        plsc.subcore_barrier()

        bufs = ((rows0, g0, s0), (rows1, g1, s1), (rows2, g2, s2),
                (rows3, g3, s3), (rows4, g4, s4), (rows5, g5, s5),
                (rows6, g6, s6))
        NB = len(bufs)
        for b, (rows_b, gb, _) in enumerate(bufs):
            pltpu.async_copy(t_hbm.at[src_v.at[b]], rows_b, gb)

        def stage(j, rows_b, gb, sb):
            pltpu.make_async_copy(t_hbm.at[src_v.at[j]], rows_b, gb).wait()
            pltpu.async_copy(rows_b, acc_s.at[dst_v.at[j]], sb, add=True)

        def drain_refill(j, rows_b, gb, sb):
            pltpu.make_async_copy(rows_b, acc_s.at[dst_v.at[j]], sb).wait()

            @pl.when(j + NB < NF)
            def _():
                pltpu.async_copy(t_hbm.at[src_v.at[j + NB]], rows_b, gb)

        def body(jn, carry):
            j = jn * NB
            stage(j, *bufs[0])
            stage(j + 1, *bufs[1])
            for b in range(2, NB):
                drain_refill(j + b - 2, *bufs[b - 2])
                stage(j + b, *bufs[b])
            drain_refill(j + NB - 2, *bufs[NB - 2])
            drain_refill(j + NB - 1, *bufs[NB - 1])
            return carry

        lax.fori_loop(0, NF // NB, body, 0)
        plsc.subcore_barrier()
        pltpu.sync_copy(acc_s.at[pl.ds(arow0, RPT)], out_hbm.at[pl.ds(row0, RPT)])

    return mp_kernel


_make_deg_kernel = functools.cache(_make_deg_kernel)
_make_mp_kernel = functools.cache(_make_mp_kernel)


def _mm1_call(x, W, degp4):

    def body(x_ref, w_ref, degp_ref, t_ref, dinv_ref):
        deg = 1.0 + jnp.sum(degp_ref[...].reshape(NW, BM), axis=0)
        dinv = lax.rsqrt(deg)[:, None]
        hw = jnp.dot(x_ref[...], w_ref[...], preferred_element_type=jnp.float32)
        t = hw * dinv
        t_ref[0] = t[:, :HH]
        t_ref[1] = t[:, HH:]
        dinv_ref[...] = dinv

    return pl.pallas_call(
        body,
        grid=(N // BM,),
        in_specs=[
            pl.BlockSpec((BM, D), lambda i: (i, 0)),
            pl.BlockSpec((D, H), lambda i: (0, 0)),
            pl.BlockSpec((NW, 1, 1, BM), lambda i: (0, i, 0, 0)),
        ],
        out_specs=[
            pl.BlockSpec((2, BM, HH), lambda i: (0, i, 0)),
            pl.BlockSpec((BM, 1), lambda i: (i, 0)),
        ],
        out_shape=[
            jax.ShapeDtypeStruct((2, N, HH), jnp.float32),
            jax.ShapeDtypeStruct((N, 1), jnp.float32),
        ],
    )(x, W, degp4)


def _epi_mm_call(m, dinv, b, batch3, W):
    nblk = N // BM

    def body(m_ref, dinv_ref, b_ref, bat_ref, w_ref, t_ref, pool_ref, cnt_ref,
             acc, cnt):
        i = pl.program_id(0)

        @pl.when(i == 0)
        def _():
            acc[...] = jnp.zeros_like(acc)
            cnt[...] = jnp.zeros_like(cnt)

        marr = m_ref[...]
        msg = jnp.concatenate([marr[0], marr[1]], axis=1)
        dinv = dinv_ref[...]
        h = jnp.maximum(msg * dinv + b_ref[...][None, :], 0.0)

        seg = bat_ref[...].reshape(BM)
        gid = lax.broadcasted_iota(jnp.int32, (G, BM), 0)
        sel = (gid == seg[None, :]).astype(jnp.float32)
        acc[...] += jnp.dot(sel, h, preferred_element_type=jnp.float32)
        cnt[...] += jnp.sum(sel, axis=1)[:, None]

        t = jnp.dot(h, w_ref[...], preferred_element_type=jnp.float32) * dinv
        t_ref[0] = t[:, :HH]
        t_ref[1] = t[:, HH:]

        @pl.when(i == nblk - 1)
        def _():
            pool_ref[...] = acc[...]
            cnt_ref[...] = cnt[...]

    return pl.pallas_call(
        body,
        grid=(nblk,),
        in_specs=[
            pl.BlockSpec((2, BM, HH), lambda i: (0, i, 0)),
            pl.BlockSpec((BM, 1), lambda i: (i, 0)),
            pl.BlockSpec((H,), lambda i: (0,)),
            pl.BlockSpec((1, 1, BM), lambda i: (i, 0, 0)),
            pl.BlockSpec((H, H), lambda i: (0, 0)),
        ],
        out_specs=[
            pl.BlockSpec((2, BM, HH), lambda i: (0, i, 0)),
            pl.BlockSpec((G, H), lambda i: (0, 0)),
            pl.BlockSpec((G, 1), lambda i: (0, 0)),
        ],
        out_shape=[
            jax.ShapeDtypeStruct((2, N, HH), jnp.float32),
            jax.ShapeDtypeStruct((G, H), jnp.float32),
            jax.ShapeDtypeStruct((G, 1), jnp.float32),
        ],
        scratch_shapes=[
            pltpu.VMEM((G, H), jnp.float32),
            pltpu.VMEM((G, 1), jnp.float32),
        ],
    )(m, dinv, b, batch3, W)


def _epi_pool_call(m, dinv, b, batch3):
    nblk = N // BM

    def body(m_ref, dinv_ref, b_ref, bat_ref, pool_ref, acc):
        i = pl.program_id(0)

        @pl.when(i == 0)
        def _():
            acc[...] = jnp.zeros_like(acc)

        marr = m_ref[...]
        msg = jnp.concatenate([marr[0], marr[1]], axis=1)
        h = jnp.maximum(msg * dinv_ref[...] + b_ref[...][None, :], 0.0)

        seg = bat_ref[...].reshape(BM)
        gid = lax.broadcasted_iota(jnp.int32, (G, BM), 0)
        sel = (gid == seg[None, :]).astype(jnp.float32)
        acc[...] += jnp.dot(sel, h, preferred_element_type=jnp.float32)

        @pl.when(i == nblk - 1)
        def _():
            pool_ref[...] = acc[...]

    return pl.pallas_call(
        body,
        grid=(nblk,),
        in_specs=[
            pl.BlockSpec((2, BM, HH), lambda i: (0, i, 0)),
            pl.BlockSpec((BM, 1), lambda i: (i, 0)),
            pl.BlockSpec((H,), lambda i: (0,)),
            pl.BlockSpec((1, 1, BM), lambda i: (i, 0, 0)),
        ],
        out_specs=pl.BlockSpec((G, H), lambda i: (0, 0)),
        out_shape=jax.ShapeDtypeStruct((G, H), jnp.float32),
        scratch_shapes=[pltpu.VMEM((G, H), jnp.float32)],
    )(m, dinv, b, batch3)


def _head_call(p1, p2, p3, cnt, LW1, Lb1, LW2, Lb2):

    def body(p1_ref, p2_ref, p3_ref, cnt_ref, lw1_ref, lb1_ref, lw2_ref,
             lb2_ref, out_ref):
        invc = 1.0 / jnp.maximum(cnt_ref[...], 1.0)
        pool = jnp.concatenate(
            [p1_ref[...], p2_ref[...], p3_ref[...]], axis=1) * invc
        z = jnp.dot(pool, lw1_ref[...], preferred_element_type=jnp.float32)
        z = jnp.maximum(z + lb1_ref[...][None, :], 0.0)
        z2 = jnp.dot(z, lw2_ref[...], preferred_element_type=jnp.float32)
        z2 = z2 + lb2_ref[...][None, :]
        mx = jnp.max(z2, axis=1, keepdims=True)
        lse = jnp.log(jnp.sum(jnp.exp(z2 - mx), axis=1, keepdims=True)) + mx
        out_ref[...] = z2 - lse

    return pl.pallas_call(
        body,
        out_shape=jax.ShapeDtypeStruct((G, OUT), jnp.float32),
    )(p1, p2, p3, cnt, LW1, Lb1, LW2, Lb2)


def kernel(x, edge_index, batch, W1, b1, W2, b2, W3, b3, LW1, Lb1, LW2, Lb2):
    src = edge_index[0]
    dst = edge_index[1]

    degp = _make_deg_kernel()(dst)
    degp4 = degp.reshape(NW, N // BM, 1, BM)

    srcp = jnp.concatenate(
        [src.reshape(NS, EPS), jnp.zeros((NS, PADE), jnp.int32)], axis=1)
    src4 = jnp.concatenate([srcp, srcp + N], axis=0).reshape(2 * NS, NF, CH)
    dst3 = jnp.concatenate(
        [dst.reshape(NS, EPS), jnp.full((NS, PADE), N, jnp.int32)],
        axis=1).reshape(NS, NF, CH)

    batch3 = batch.reshape(N // BM, 1, BM)
    mp = _make_mp_kernel()
    t1, dinv = _mm1_call(x, W1, degp4)
    m1 = mp(t1.reshape(2 * N, HH), src4, dst3)
    t2, p1, cnt = _epi_mm_call(m1.reshape(2, N, HH), dinv, b1, batch3, W2)
    m2 = mp(t2.reshape(2 * N, HH), src4, dst3)
    t3, p2, _ = _epi_mm_call(m2.reshape(2, N, HH), dinv, b2, batch3, W3)
    m3 = mp(t3.reshape(2 * N, HH), src4, dst3)
    p3 = _epi_pool_call(m3.reshape(2, N, HH), dinv, b3, batch3)

    return _head_call(p1, p2, p3, cnt, LW1, Lb1, LW2, Lb2)

# --- scband reference (transcript-rebuilt; emitter-appended) ---
"""Pipeline reference for scband-gcnmodel-78374563217908 (READ-ONLY COPY).

The authoritative reference and input builder live on the scoring server;
editing this copy changes nothing except your own understanding.
"""

import jax, jax.numpy as jnp
import numpy as np

N = 10000   # nodes
E = 160000  # edges
D = 256     # input_dim
H = 256     # dim_h
G = 128     # number of graphs in batch
OUT = 10    # final_dim


def setup_inputs(seed: int = 0) -> dict:
    key = jax.random.key(seed)
    ks = jax.random.split(key, 16)
    x = jax.random.normal(ks[0], (N, D), dtype=jnp.float32)
    edge_index = jax.random.randint(ks[1], (2, E), 0, N, dtype=jnp.int32)
    batch = jnp.sort(jax.random.randint(ks[2], (N,), 0, G, dtype=jnp.int32))
    def lin(k, fi, fo):
        kw, kb = jax.random.split(k)
        s = 1.0 / np.sqrt(fi)
        return (jax.random.uniform(kw, (fi, fo), jnp.float32, -s, s),
                jax.random.uniform(kb, (fo,), jnp.float32, -s, s))
    W1, b1 = lin(ks[3], D, H)
    W2, b2 = lin(ks[4], H, H)
    W3, b3 = lin(ks[5], H, H)
    LW1, Lb1 = lin(ks[6], 3 * H, 3 * H)
    LW2, Lb2 = lin(ks[7], 3 * H, OUT)
    return {"x": x, "edge_index": edge_index, "batch": batch,
            "W1": W1, "b1": b1, "W2": W2, "b2": b2, "W3": W3, "b3": b3,
            "LW1": LW1, "Lb1": Lb1, "LW2": LW2, "Lb2": Lb2}


def gcn_conv(x, edge_index, W, b):
    # GCNConv: h = D^{-1/2} (A + I) D^{-1/2} X W + b
    h = x @ W
    loop = jnp.arange(N, dtype=edge_index.dtype)
    src = jnp.concatenate([edge_index[0], loop])
    dst = jnp.concatenate([edge_index[1], loop])
    deg = jnp.zeros((N,), dtype=h.dtype).at[dst].add(1.0)
    dinv = jnp.where(deg > 0, deg ** -0.5, 0.0)
    norm = dinv[src] * dinv[dst]
    msg = h[src] * norm[:, None]
    out = jnp.zeros_like(h).at[dst].add(msg)
    return out + b


def global_mean_pool(h, batch):
    sums = jax.ops.segment_sum(h, batch, num_segments=G)
    cnt = jax.ops.segment_sum(jnp.ones((h.shape[0],), h.dtype), batch, num_segments=G)
    return sums / jnp.clip(cnt, 1.0)[:, None]


def reference(x, edge_index, batch, W1, b1, W2, b2, W3, b3, LW1, Lb1, LW2, Lb2):
    h1 = jax.nn.relu(gcn_conv(x, edge_index, W1, b1))
    h2 = jax.nn.relu(gcn_conv(h1, edge_index, W2, b2))
    h3 = jax.nn.relu(gcn_conv(h2, edge_index, W3, b3))
    p1 = global_mean_pool(h1, batch)
    p2 = global_mean_pool(h2, batch)
    p3 = global_mean_pool(h3, batch)
    h = jnp.concatenate([p1, p2, p3], axis=1)
    h = jax.nn.relu(h @ LW1 + Lb1)
    # dropout is identity in eval mode
    h = h @ LW2 + Lb2
    return jax.nn.log_softmax(h, axis=1)

if __name__ == "__main__":
    import jax
    _d = setup_inputs()
    print(jax.jit(kernel)(*tuple(_d.values())))

</pallas_src>

<mosaic_0001>
#map = affine_map<(d0, d1) -> (0)>
#map1 = affine_map<(d0, d1) -> (0, 0)>
module attributes {stable_mosaic.version = 14 : i64} {
  func.func @deg_kernel(%arg0: i32, %arg1: i32, %arg2: memref<160000xi32, #tpu.memory_space<hbm>>, %arg3: memref<32x10000xf32, #tpu.memory_space<hbm>>, %arg4: memref<5016xi32, #tpu.memory_space<vmem>>, %arg5: memref<10000xf32, #tpu.memory_space<vmem>>) attributes {dimension_semantics = [#tpu.dimension_semantics<core_parallel>, #tpu.dimension_semantics<subcore_parallel>], iteration_bounds = array<i64: 2, 16>, scalar_prefetch = 0 : i64, scratch_operands = 2 : i64, tpu.core_type = #tpu.core_type<sc_vector_subcore>, window_params = [{transform_indices = #map}, {transform_indices = #map1}]} {
    %mul3A = arith.constant 2 : i32
    %mul3A_0 = arith.muli %arg1, %mul3A : i32
    %add3A = arith.addi %mul3A_0, %arg0 : i32
    %broadcast_in_dim3A = arith.constant 0.000000e+00 : f32
    %broadcast_in_dim3A_1 = vector.broadcast %broadcast_in_dim3A : f32 to vector<16xf32>
    %scan3A = arith.constant 0 : i32
    %scan3A_2 = arith.constant 0 : i32
    %scan3A_3 = arith.constant 625 : i32
    %scan3A_4 = arith.addi %scan3A_2, %scan3A_3 : i32
    %scan3A_5 = arith.constant 1 : i32
    scf.for %scan3A_23 = %scan3A_2 to %scan3A_4 step %scan3A_5  : i32 {
      %mul3A_24 = arith.constant 16 : i32
      %mul3A_25 = arith.muli %scan3A_23, %mul3A_24 : i32
      %swap3A_26 = arith.index_cast %mul3A_25 : i32 to index
      %swap3A_27 = tpu.vector_load %arg5[%swap3A_26] {strides = array<i32>} : memref<10000xf32, #tpu.memory_space<vmem>>, vector<16xf32>,
      tpu.vector_store %arg5[%swap3A_26], %broadcast_in_dim3A_1 {strides = array<i32>} : memref<10000xf32, #tpu.memory_space<vmem>>, vector<16xf32>,
    }
    %scan3A_6 = arith.constant 625 : i32
    %broadcast_in_dim3A_7 = arith.constant 0 : i32
    %broadcast_in_dim3A_8 = vector.broadcast %broadcast_in_dim3A_7 : i32 to vector<16xi32>
    %swap3A = arith.constant 4992 : index
    %swap3A_9 = tpu.vector_load %arg4[%swap3A] {strides = array<i32>} : memref<5016xi32, #tpu.memory_space<vmem>>, vector<16xi32>,
    tpu.vector_store %arg4[%swap3A], %broadcast_in_dim3A_8 {strides = array<i32>} : memref<5016xi32, #tpu.memory_space<vmem>>, vector<16xi32>,
    %mul3A_10 = arith.constant 5000 : i32
    %mul3A_11 = arith.muli %add3A, %mul3A_10 : i32
    %multiple_of3A = tpu.assume_multiple %mul3A_11, 8 : i32
    "tpu.region"() ({
      %run_scoped3A = tpu.sem_alloc : memref<!tpu.dma_semaphore, #tpu.memory_space<semaphore_mem>>
      %dma_start3A = arith.constant 0 : i32
      %dma_start3A_23 = tpu.memref_slice %arg4[%dma_start3A] : memref<5016xi32, #tpu.memory_space<vmem>> -> memref<5000xi32, #tpu.memory_space<vmem>>
      %dma_start3A_24 = tpu.memref_slice %arg2[%multiple_of3A] : memref<160000xi32, #tpu.memory_space<hbm>> -> memref<5000xi32, #tpu.memory_space<hbm>>
      %dma_start3A_25 = arith.constant 0 : i32
      %dma_start3A_26 = tpu.memref_slice %arg4[%dma_start3A_25] : memref<5016xi32, #tpu.memory_space<vmem>> -> memref<5000xi32, #tpu.memory_space<vmem>>
      %dma_start3A_27 = tpu.memref_slice %arg2[%multiple_of3A] : memref<160000xi32, #tpu.memory_space<hbm>> -> memref<5000xi32, #tpu.memory_space<hbm>>
      tpu.enqueue_dma source(%dma_start3A_27 : memref<5000xi32, #tpu.memory_space<hbm>>) target(%dma_start3A_26 : memref<5000xi32, #tpu.memory_space<vmem>>) target_semaphore(%run_scoped3A : memref<!tpu.dma_semaphore, #tpu.memory_space<semaphore_mem>>)
      %dma_wait3A = arith.constant 0 : i32
      %dma_wait3A_28 = tpu.memref_slice %arg4[%dma_wait3A] : memref<5016xi32, #tpu.memory_space<vmem>> -> memref<5000xi32, #tpu.memory_space<vmem>>
      %dma_wait3A_29 = tpu.memref_slice %arg2[%multiple_of3A] : memref<160000xi32, #tpu.memory_space<hbm>> -> memref<5000xi32, #tpu.memory_space<hbm>>
      %dma_wait3A_30 = arith.constant 0 : i32
      %dma_wait3A_31 = tpu.memref_slice %arg4[%dma_wait3A_30] : memref<5016xi32, #tpu.memory_space<vmem>> -> memref<5000xi32, #tpu.memory_space<vmem>>
      %dma_wait3A_32 = tpu.memref_slice %arg2[%multiple_of3A] : memref<160000xi32, #tpu.memory_space<hbm>> -> memref<5000xi32, #tpu.memory_space<hbm>>
      tpu.wait_dma2 semaphore(%run_scoped3A : memref<!tpu.dma_semaphore, #tpu.memory_space<semaphore_mem>>) src(%dma_wait3A_32 : memref<5000xi32, #tpu.memory_space<hbm>>) dst(%dma_wait3A_31 : memref<5000xi32, #tpu.memory_space<vmem>>)
      tpu.yield
    }) : () -> ()
    %broadcast_in_dim3A_12 = arith.constant 1.000000e+00 : f32
    %broadcast_in_dim3A_13 = vector.broadcast %broadcast_in_dim3A_12 : f32 to vector<16xf32>
    %scan3A_14 = arith.constant 0 : i32
    %scan3A_15 = arith.constant 0 : i32
    %scan3A_16 = arith.constant 312 : i32
    %scan3A_17 = arith.addi %scan3A_15, %scan3A_16 : i32
    %scan3A_18 = arith.constant 1 : i32
    scf.for %scan3A_23 = %scan3A_15 to %scan3A_17 step %scan3A_18  : i32 {
      %mul3A_24 = arith.constant 16 : i32
      %mul3A_25 = arith.muli %scan3A_23, %mul3A_24 : i32
      %get3A_26 = arith.index_cast %mul3A_25 : i32 to index
      %get3A_27 = tpu.vector_load %arg4[%get3A_26] {strides = array<i32>} : memref<5016xi32, #tpu.memory_space<vmem>>, vector<16xi32>,
      tpu.vector_store_idx %arg5[%get3A_27], %broadcast_in_dim3A_13 {add = true} : memref<10000xf32, #tpu.memory_space<vmem>>[vector<16xi32>], vector<16xf32>,
    }
    %scan3A_19 = arith.constant 312 : i32
    %get3A = arith.constant 4992 : index
    %get3A_20 = tpu.vector_load %arg4[%get3A] {strides = array<i32>} : memref<5016xi32, #tpu.memory_space<vmem>>, vector<16xi32>,
    %iota3A = tpu.iota {dimensions = array<i32: 0>} : vector<16xi32>
    %lt3A = arith.constant 8 : i32
    %lt3A_21 = vector.broadcast %lt3A : i32 to vector<16xi32>
    %lt3A_22 = arith.cmpi slt, %iota3A, %lt3A_21 : vector<16xi32>
    tpu.vector_store_idx %arg5[%get3A_20], %broadcast_in_dim3A_13 masked %lt3A_22 {add = true} : memref<10000xf32, #tpu.memory_space<vmem>>[vector<16xi32>], vector<16xf32>, vector<16xi1>
    "tpu.region"() ({
      %run_scoped3A = tpu.sem_alloc : memref<!tpu.dma_semaphore, #tpu.memory_space<semaphore_mem>>
      %dma_start3A = arith.constant 0 : i32
      %dma_start3A_23 = tpu.memref_slice %arg3[%add3A, %dma_start3A] : memref<32x10000xf32, #tpu.memory_space<hbm>> -> memref<1x10000xf32, #tpu.memory_space<hbm>>
      %dma_start3A_24 = tpu.memref_squeeze %dma_start3A_23 : memref<1x10000xf32, #tpu.memory_space<hbm>> -> memref<10000xf32, #tpu.memory_space<hbm>>
      %dma_start3A_25 = arith.constant 0 : i32
      %dma_start3A_26 = tpu.memref_slice %arg3[%add3A, %dma_start3A_25] : memref<32x10000xf32, #tpu.memory_space<hbm>> -> memref<1x10000xf32, #tpu.memory_space<hbm>>
      %dma_start3A_27 = tpu.memref_squeeze %dma_start3A_26 : memref<1x10000xf32, #tpu.memory_space<hbm>> -> memref<10000xf32, #tpu.memory_space<hbm>>
      tpu.enqueue_dma source(%arg5 : memref<10000xf32, #tpu.memory_space<vmem>>) target(%dma_start3A_27 : memref<10000xf32, #tpu.memory_space<hbm>>) target_semaphore(%run_scoped3A : memref<!tpu.dma_semaphore, #tpu.memory_space<semaphore_mem>>)
      %dma_wait3A = arith.constant 0 : i32
      %dma_wait3A_28 = tpu.memref_slice %arg3[%add3A, %dma_wait3A] : memref<32x10000xf32, #tpu.memory_space<hbm>> -> memref<1x10000xf32, #tpu.memory_space<hbm>>
      %dma_wait3A_29 = tpu.memref_squeeze %dma_wait3A_28 : memref<1x10000xf32, #tpu.memory_space<hbm>> -> memref<10000xf32, #tpu.memory_space<hbm>>
      %dma_wait3A_30 = arith.constant 0 : i32
      %dma_wait3A_31 = tpu.memref_slice %arg3[%add3A, %dma_wait3A_30] : memref<32x10000xf32, #tpu.memory_space<hbm>> -> memref<1x10000xf32, #tpu.memory_space<hbm>>
      %dma_wait3A_32 = tpu.memref_squeeze %dma_wait3A_31 : memref<1x10000xf32, #tpu.memory_space<hbm>> -> memref<10000xf32, #tpu.memory_space<hbm>>
      tpu.wait_dma2 semaphore(%run_scoped3A : memref<!tpu.dma_semaphore, #tpu.memory_space<semaphore_mem>>) src(%arg5 : memref<10000xf32, #tpu.memory_space<vmem>>) dst(%dma_wait3A_32 : memref<10000xf32, #tpu.memory_space<hbm>>)
      tpu.yield
    }) : () -> ()
    return
  }
}

#map = affine_map<(d0, d1) -> (0, 0)>
#map1 = affine_map<(d0, d1) -> (0, 0, 0)>
module attributes {stable_mosaic.version = 14 : i64} {
  func.func @mp_kernel(%arg0: i32, %arg1: i32, %arg2: memref<20000x128xf32, #tpu.memory_space<hbm>>, %arg3: memref<32x315x32xi32, #tpu.memory_space<hbm>>, %arg4: memref<16x315x32xi32, #tpu.memory_space<hbm>>, %arg5: memref<20000x128xf32, #tpu.memory_space<hbm>>, %arg6: memref<10008x128xf32, #tpu.memory_space<vmem_shared>>, %arg7: memref<315x32xi32, #tpu.memory_space<vmem>>, %arg8: memref<315x32xi32, #tpu.memory_space<vmem>>, %arg9: memref<32x128xf32, #tpu.memory_space<vmem>>, %arg10: memref<32x128xf32, #tpu.memory_space<vmem>>, %arg11: memref<32x128xf32, #tpu.memory_space<vmem>>, %arg12: memref<32x128xf32, #tpu.memory_space<vmem>>, %arg13: memref<32x128xf32, #tpu.memory_space<vmem>>, %arg14: memref<32x128xf32, #tpu.memory_space<vmem>>, %arg15: memref<32x128xf32, #tpu.memory_space<vmem>>, %arg16: memref<!tpu.dma_semaphore, #tpu.memory_space<semaphore_mem>>, %arg17: memref<!tpu.dma_semaphore, #tpu.memory_space<semaphore_mem>>, %arg18: memref<!tpu.dma_semaphore, #tpu.memory_space<semaphore_mem>>, %arg19: memref<!tpu.dma_semaphore, #tpu.memory_space<semaphore_mem>>, %arg20: memref<!tpu.dma_semaphore, #tpu.memory_space<semaphore_mem>>, %arg21: memref<!tpu.dma_semaphore, #tpu.memory_space<semaphore_mem>>, %arg22: memref<!tpu.dma_semaphore, #tpu.memory_space<semaphore_mem>>, %arg23: memref<!tpu.dma_semaphore, #tpu.memory_space<semaphore_mem>>, %arg24: memref<!tpu.dma_semaphore, #tpu.memory_space<semaphore_mem>>, %arg25: memref<!tpu.dma_semaphore, #tpu.memory_space<semaphore_mem>>, %arg26: memref<!tpu.dma_semaphore, #tpu.memory_space<semaphore_mem>>, %arg27: memref<!tpu.dma_semaphore, #tpu.memory_space<semaphore_mem>>, %arg28: memref<!tpu.dma_semaphore, #tpu.memory_space<semaphore_mem>>, %arg29: memref<!tpu.dma_semaphore, #tpu.memory_space<semaphore_mem>>) attributes {dimension_semantics = [#tpu.dimension_semantics<core_parallel>, #tpu.dimension_semantics<subcore_parallel>], iteration_bounds = array<i64: 2, 16>, scalar_prefetch = 0 : i64, scratch_operands = 24 : i64, tpu.core_type = #tpu.core_type<sc_vector_subcore>, window_params = [{transform_indices = #map}, {transform_indices = #map1}, {transform_indices = #map1}, {transform_indices = #map}]} {
    %mul3A = arith.constant 10000 : i32
    %mul3A_0 = arith.muli %arg0, %mul3A : i32
    %mul3A_1 = arith.constant 625 : i32
    %mul3A_2 = arith.muli %arg1, %mul3A_1 : i32
    %add3A = arith.addi %mul3A_0, %mul3A_2 : i32
    %multiple_of3A = tpu.assume_multiple %add3A, 8 : i32
    %mul3A_3 = arith.constant 625 : i32
    %mul3A_4 = arith.muli %arg1, %mul3A_3 : i32
    %multiple_of3A_5 = tpu.assume_multiple %mul3A_4, 8 : i32
    %mul3A_6 = arith.constant 16 : i32
    %mul3A_7 = arith.muli %arg0, %mul3A_6 : i32
    %add3A_8 = arith.addi %mul3A_7, %arg1 : i32
    "tpu.region"() ({
      %run_scoped3A = tpu.sem_alloc : memref<!tpu.dma_semaphore, #tpu.memory_space<semaphore_mem>>
      %dma_start3A_63 = arith.constant 0 : i32
      %dma_start3A_64 = arith.constant 0 : i32
      %dma_start3A_65 = tpu.memref_slice %arg3[%add3A_8, %dma_start3A_63, %dma_start3A_64] : memref<32x315x32xi32, #tpu.memory_space<hbm>> -> memref<1x315x32xi32, #tpu.memory_space<hbm>>
      %dma_start3A_66 = tpu.memref_squeeze %dma_start3A_65 : memref<1x315x32xi32, #tpu.memory_space<hbm>> -> memref<315x32xi32, #tpu.memory_space<hbm>>
      %dma_start3A_67 = arith.constant 0 : i32
      %dma_start3A_68 = arith.constant 0 : i32
      %dma_start3A_69 = tpu.memref_slice %arg3[%add3A_8, %dma_start3A_67, %dma_start3A_68] : memref<32x315x32xi32, #tpu.memory_space<hbm>> -> memref<1x315x32xi32, #tpu.memory_space<hbm>>
      %dma_start3A_70 = tpu.memref_squeeze %dma_start3A_69 : memref<1x315x32xi32, #tpu.memory_space<hbm>> -> memref<315x32xi32, #tpu.memory_space<hbm>>
      tpu.enqueue_dma source(%dma_start3A_70 : memref<315x32xi32, #tpu.memory_space<hbm>>) target(%arg7 : memref<315x32xi32, #tpu.memory_space<vmem>>) target_semaphore(%run_scoped3A : memref<!tpu.dma_semaphore, #tpu.memory_space<semaphore_mem>>)
      %dma_wait3A = arith.constant 0 : i32
      %dma_wait3A_71 = arith.constant 0 : i32
      %dma_wait3A_72 = tpu.memref_slice %arg3[%add3A_8, %dma_wait3A, %dma_wait3A_71] : memref<32x315x32xi32, #tpu.memory_space<hbm>> -> memref<1x315x32xi32, #tpu.memory_space<hbm>>
      %dma_wait3A_73 = tpu.memref_squeeze %dma_wait3A_72 : memref<1x315x32xi32, #tpu.memory_space<hbm>> -> memref<315x32xi32, #tpu.memory_space<hbm>>
      %dma_wait3A_74 = arith.constant 0 : i32
      %dma_wait3A_75 = arith.constant 0 : i32
      %dma_wait3A_76 = tpu.memref_slice %arg3[%add3A_8, %dma_wait3A_74, %dma_wait3A_75] : memref<32x315x32xi32, #tpu.memory_space<hbm>> -> memref<1x315x32xi32, #tpu.memory_space<hbm>>
      %dma_wait3A_77 = tpu.memref_squeeze %dma_wait3A_76 : memref<1x315x32xi32, #tpu.memory_space<hbm>> -> memref<315x32xi32, #tpu.memory_space<hbm>>
      tpu.wait_dma2 semaphore(%run_scoped3A : memref<!tpu.dma_semaphore, #tpu.memory_space<semaphore_mem>>) src(%dma_wait3A_77 : memref<315x32xi32, #tpu.memory_space<hbm>>) dst(%arg7 : memref<315x32xi32, #tpu.memory_space<vmem>>)
      tpu.yield
    }) : () -> ()
    "tpu.region"() ({
      %run_scoped3A = tpu.sem_alloc : memref<!tpu.dma_semaphore, #tpu.memory_space<semaphore_mem>>
      %dma_start3A_63 = arith.constant 0 : i32
      %dma_start3A_64 = arith.constant 0 : i32
      %dma_start3A_65 = tpu.memref_slice %arg4[%arg1, %dma_start3A_63, %dma_start3A_64] : memref<16x315x32xi32, #tpu.memory_space<hbm>> -> memref<1x315x32xi32, #tpu.memory_space<hbm>>
      %dma_start3A_66 = tpu.memref_squeeze %dma_start3A_65 : memref<1x315x32xi32, #tpu.memory_space<hbm>> -> memref<315x32xi32, #tpu.memory_space<hbm>>
      %dma_start3A_67 = arith.constant 0 : i32
      %dma_start3A_68 = arith.constant 0 : i32
      %dma_start3A_69 = tpu.memref_slice %arg4[%arg1, %dma_start3A_67, %dma_start3A_68] : memref<16x315x32xi32, #tpu.memory_space<hbm>> -> memref<1x315x32xi32, #tpu.memory_space<hbm>>
      %dma_start3A_70 = tpu.memref_squeeze %dma_start3A_69 : memref<1x315x32xi32, #tpu.memory_space<hbm>> -> memref<315x32xi32, #tpu.memory_space<hbm>>
      tpu.enqueue_dma source(%dma_start3A_70 : memref<315x32xi32, #tpu.memory_space<hbm>>) target(%arg8 : memref<315x32xi32, #tpu.memory_space<vmem>>) target_semaphore(%run_scoped3A : memref<!tpu.dma_semaphore, #tpu.memory_space<semaphore_mem>>)
      %dma_wait3A = arith.constant 0 : i32
      %dma_wait3A_71 = arith.constant 0 : i32
      %dma_wait3A_72 = tpu.memref_slice %arg4[%arg1, %dma_wait3A, %dma_wait3A_71] : memref<16x315x32xi32, #tpu.memory_space<hbm>> -> memref<1x315x32xi32, #tpu.memory_space<hbm>>
      %dma_wait3A_73 = tpu.memref_squeeze %dma_wait3A_72 : memref<1x315x32xi32, #tpu.memory_space<hbm>> -> memref<315x32xi32, #tpu.memory_space<hbm>>
      %dma_wait3A_74 = arith.constant 0 : i32
      %dma_wait3A_75 = arith.constant 0 : i32
      %dma_wait3A_76 = tpu.memref_slice %arg4[%arg1, %dma_wait3A_74, %dma_wait3A_75] : memref<16x315x32xi32, #tpu.memory_space<hbm>> -> memref<1x315x32xi32, #tpu.memory_space<hbm>>
      %dma_wait3A_77 = tpu.memref_squeeze %dma_wait3A_76 : memref<1x315x32xi32, #tpu.memory_space<hbm>> -> memref<315x32xi32, #tpu.memory_space<hbm>>
      tpu.wait_dma2 semaphore(%run_scoped3A : memref<!tpu.dma_semaphore, #tpu.memory_space<semaphore_mem>>) src(%dma_wait3A_77 : memref<315x32xi32, #tpu.memory_space<hbm>>) dst(%arg8 : memref<315x32xi32, #tpu.memory_space<vmem>>)
      tpu.yield
    }) : () -> ()
    "tpu.region"() ({
      %run_scoped3A = tpu.sem_alloc : memref<!tpu.dma_semaphore, #tpu.memory_space<semaphore_mem>>
      %dma_start3A_63 = arith.constant 0 : i32
      %dma_start3A_64 = tpu.memref_slice %arg6[%multiple_of3A_5, %dma_start3A_63] : memref<10008x128xf32, #tpu.memory_space<vmem_shared>> -> memref<625x128xf32, #tpu.memory_space<vmem_shared>>
      %dma_start3A_65 = arith.constant 0 : i32
      %dma_start3A_66 = tpu.memref_slice %arg2[%multiple_of3A, %dma_start3A_65] : memref<20000x128xf32, #tpu.memory_space<hbm>> -> memref<625x128xf32, #tpu.memory_space<hbm>>
      tpu.enqueue_dma source(%dma_start3A_66 : memref<625x128xf32, #tpu.memory_space<hbm>>) target(%dma_start3A_64 : memref<625x128xf32, #tpu.memory_space<vmem_shared>>) target_semaphore(%run_scoped3A : memref<!tpu.dma_semaphore, #tpu.memory_space<semaphore_mem>>)
      %dma_wait3A = arith.constant 0 : i32
      %dma_wait3A_67 = tpu.memref_slice %arg6[%multiple_of3A_5, %dma_wait3A] : memref<10008x128xf32, #tpu.memory_space<vmem_shared>> -> memref<625x128xf32, #tpu.memory_space<vmem_shared>>
      %dma_wait3A_68 = arith.constant 0 : i32
      %dma_wait3A_69 = tpu.memref_slice %arg2[%multiple_of3A, %dma_wait3A_68] : memref<20000x128xf32, #tpu.memory_space<hbm>> -> memref<625x128xf32, #tpu.memory_space<hbm>>
      tpu.wait_dma2 semaphore(%run_scoped3A : memref<!tpu.dma_semaphore, #tpu.memory_space<semaphore_mem>>) src(%dma_wait3A_69 : memref<625x128xf32, #tpu.memory_space<hbm>>) dst(%dma_wait3A_67 : memref<625x128xf32, #tpu.memory_space<vmem_shared>>)
      tpu.yield
    }) : () -> ()
    %barrier3A = arith.constant 0 : index
    tpu.barrier barrier_id(%barrier3A)
    %dma_start3A = arith.constant 0 : i32
    %dma_start3A_9 = arith.constant 0 : i32
    %dma_start3A_10 = tpu.memref_slice %arg7[%dma_start3A, %dma_start3A_9] : memref<315x32xi32, #tpu.memory_space<vmem>> -> memref<1x32xi32, #tpu.memory_space<vmem>>
    %dma_start3A_11 = tpu.memref_squeeze %dma_start3A_10 : memref<1x32xi32, #tpu.memory_space<vmem>> -> memref<32xi32, #tpu.memory_space<vmem>>
    %dma_start3A_12 = arith.constant 0 : i32
    %dma_start3A_13 = arith.constant 0 : i32
    %dma_start3A_14 = tpu.memref_slice %arg2[%dma_start3A_12, %dma_start3A_13] : memref<20000x128xf32, #tpu.memory_space<hbm>> -> memref<20000x128xf32, #tpu.memory_space<hbm>>
    tpu.enqueue_indirect_dma source(%dma_start3A_14 : memref<20000x128xf32, #tpu.memory_space<hbm>>) target(%arg9 : memref<32x128xf32, #tpu.memory_space<vmem>>) offsets(%dma_start3A_11 : memref<32xi32, #tpu.memory_space<vmem>>) semaphore(%arg16 : memref<!tpu.dma_semaphore, #tpu.memory_space<semaphore_mem>>)
    %dma_start3A_15 = arith.constant 1 : i32
    %dma_start3A_16 = arith.constant 0 : i32
    %dma_start3A_17 = tpu.memref_slice %arg7[%dma_start3A_15, %dma_start3A_16] : memref<315x32xi32, #tpu.memory_space<vmem>> -> memref<1x32xi32, #tpu.memory_space<vmem>>
    %dma_start3A_18 = tpu.memref_squeeze %dma_start3A_17 : memref<1x32xi32, #tpu.memory_space<vmem>> -> memref<32xi32, #tpu.memory_space<vmem>>
    %dma_start3A_19 = arith.constant 0 : i32
    %dma_start3A_20 = arith.constant 0 : i32
    %dma_start3A_21 = tpu.memref_slice %arg2[%dma_start3A_19, %dma_start3A_20] : memref<20000x128xf32, #tpu.memory_space<hbm>> -> memref<20000x128xf32, #tpu.memory_space<hbm>>
    tpu.enqueue_indirect_dma source(%dma_start3A_21 : memref<20000x128xf32, #tpu.memory_space<hbm>>) target(%arg10 : memref<32x128xf32, #tpu.memory_space<vmem>>) offsets(%dma_start3A_18 : memref<32xi32, #tpu.memory_space<vmem>>) semaphore(%arg17 : memref<!tpu.dma_semaphore, #tpu.memory_space<semaphore_mem>>)
    %dma_start3A_22 = arith.constant 2 : i32
    %dma_start3A_23 = arith.constant 0 : i32
    %dma_start3A_24 = tpu.memref_slice %arg7[%dma_start3A_22, %dma_start3A_23] : memref<315x32xi32, #tpu.memory_space<vmem>> -> memref<1x32xi32, #tpu.memory_space<vmem>>
    %dma_start3A_25 = tpu.memref_squeeze %dma_start3A_24 : memref<1x32xi32, #tpu.memory_space<vmem>> -> memref<32xi32, #tpu.memory_space<vmem>>
    %dma_start3A_26 = arith.constant 0 : i32
    %dma_start3A_27 = arith.constant 0 : i32
    %dma_start3A_28 = tpu.memref_slice %arg2[%dma_start3A_26, %dma_start3A_27] : memref<20000x128xf32, #tpu.memory_space<hbm>> -> memref<20000x128xf32, #tpu.memory_space<hbm>>
    tpu.enqueue_indirect_dma source(%dma_start3A_28 : memref<20000x128xf32, #tpu.memory_space<hbm>>) target(%arg11 : memref<32x128xf32, #tpu.memory_space<vmem>>) offsets(%dma_start3A_25 : memref<32xi32, #tpu.memory_space<vmem>>) semaphore(%arg18 : memref<!tpu.dma_semaphore, #tpu.memory_space<semaphore_mem>>)
    %dma_start3A_29 = arith.constant 3 : i32
    %dma_start3A_30 = arith.constant 0 : i32
    %dma_start3A_31 = tpu.memref_slice %arg7[%dma_start3A_29, %dma_start3A_30] : memref<315x32xi32, #tpu.memory_space<vmem>> -> memref<1x32xi32, #tpu.memory_space<vmem>>
    %dma_start3A_32 = tpu.memref_squeeze %dma_start3A_31 : memref<1x32xi32, #tpu.memory_space<vmem>> -> memref<32xi32, #tpu.memory_space<vmem>>
    %dma_start3A_33 = arith.constant 0 : i32
    %dma_start3A_34 = arith.constant 0 : i32
    %dma_start3A_35 = tpu.memref_slice %arg2[%dma_start3A_33, %dma_start3A_34] : memref<20000x128xf32, #tpu.memory_space<hbm>> -> memref<20000x128xf32, #tpu.memory_space<hbm>>
    tpu.enqueue_indirect_dma source(%dma_start3A_35 : memref<20000x128xf32, #tpu.memory_space<hbm>>) target(%arg12 : memref<32x128xf32, #tpu.memory_space<vmem>>) offsets(%dma_start3A_32 : memref<32xi32, #tpu.memory_space<vmem>>) semaphore(%arg19 : memref<!tpu.dma_semaphore, #tpu.memory_space<semaphore_mem>>)
    %dma_start3A_36 = arith.constant 4 : i32
    %dma_start3A_37 = arith.constant 0 : i32
    %dma_start3A_38 = tpu.memref_slice %arg7[%dma_start3A_36, %dma_start3A_37] : memref<315x32xi32, #tpu.memory_space<vmem>> -> memref<1x32xi32, #tpu.memory_space<vmem>>
    %dma_start3A_39 = tpu.memref_squeeze %dma_start3A_38 : memref<1x32xi32, #tpu.memory_space<vmem>> -> memref<32xi32, #tpu.memory_space<vmem>>
    %dma_start3A_40 = arith.constant 0 : i32
    %dma_start3A_41 = arith.constant 0 : i32
    %dma_start3A_42 = tpu.memref_slice %arg2[%dma_start3A_40, %dma_start3A_41] : memref<20000x128xf32, #tpu.memory_space<hbm>> -> memref<20000x128xf32, #tpu.memory_space<hbm>>
    tpu.enqueue_indirect_dma source(%dma_start3A_42 : memref<20000x128xf32, #tpu.memory_space<hbm>>) target(%arg13 : memref<32x128xf32, #tpu.memory_space<vmem>>) offsets(%dma_start3A_39 : memref<32xi32, #tpu.memory_space<vmem>>) semaphore(%arg20 : memref<!tpu.dma_semaphore, #tpu.memory_space<semaphore_mem>>)
    %dma_start3A_43 = arith.constant 5 : i32
    %dma_start3A_44 = arith.constant 0 : i32
    %dma_start3A_45 = tpu.memref_slice %arg7[%dma_start3A_43, %dma_start3A_44] : memref<315x32xi32, #tpu.memory_space<vmem>> -> memref<1x32xi32, #tpu.memory_space<vmem>>
    %dma_start3A_46 = tpu.memref_squeeze %dma_start3A_45 : memref<1x32xi32, #tpu.memory_space<vmem>> -> memref<32xi32, #tpu.memory_space<vmem>>
    %dma_start3A_47 = arith.constant 0 : i32
    %dma_start3A_48 = arith.constant 0 : i32
    %dma_start3A_49 = tpu.memref_slice %arg2[%dma_start3A_47, %dma_start3A_48] : memref<20000x128xf32, #tpu.memory_space<hbm>> -> memref<20000x128xf32, #tpu.memory_space<hbm>>
    tpu.enqueue_indirect_dma source(%dma_start3A_49 : memref<20000x128xf32, #tpu.memory_space<hbm>>) target(%arg14 : memref<32x128xf32, #tpu.memory_space<vmem>>) offsets(%dma_start3A_46 : memref<32xi32, #tpu.memory_space<vmem>>) semaphore(%arg21 : memref<!tpu.dma_semaphore, #tpu.memory_space<semaphore_mem>>)
    %dma_start3A_50 = arith.constant 6 : i32
    %dma_start3A_51 = arith.constant 0 : i32
    %dma_start3A_52 = tpu.memref_slice %arg7[%dma_start3A_50, %dma_start3A_51] : memref<315x32xi32, #tpu.memory_space<vmem>> -> memref<1x32xi32, #tpu.memory_space<vmem>>
    %dma_start3A_53 = tpu.memref_squeeze %dma_start3A_52 : memref<1x32xi32, #tpu.memory_space<vmem>> -> memref<32xi32, #tpu.memory_space<vmem>>
    %dma_start3A_54 = arith.constant 0 : i32
    %dma_start3A_55 = arith.constant 0 : i32
    %dma_start3A_56 = tpu.memref_slice %arg2[%dma_start3A_54, %dma_start3A_55] : memref<20000x128xf32, #tpu.memory_space<hbm>> -> memref<20000x128xf32, #tpu.memory_space<hbm>>
    tpu.enqueue_indirect_dma source(%dma_start3A_56 : memref<20000x128xf32, #tpu.memory_space<hbm>>) target(%arg15 : memref<32x128xf32, #tpu.memory_space<vmem>>) offsets(%dma_start3A_53 : memref<32xi32, #tpu.memory_space<vmem>>) semaphore(%arg22 : memref<!tpu.dma_semaphore, #tpu.memory_space<semaphore_mem>>)
    %scan3A = arith.constant 0 : i32
    %scan3A_57 = arith.constant 0 : i32
    %scan3A_58 = arith.constant 45 : i32
    %scan3A_59 = arith.addi %scan3A_57, %scan3A_58 : i32
    %scan3A_60 = arith.constant 1 : i32
    scf.for %scan3A_63 = %scan3A_57 to %scan3A_59 step %scan3A_60  : i32 {
      %mul3A_64 = arith.constant 7 : i32
      %mul3A_65 = arith.muli %scan3A_63, %mul3A_64 : i32
      %dma_wait3A = arith.constant 0 : i32
      %dma_wait3A_66 = tpu.memref_slice %arg7[%mul3A_65, %dma_wait3A] : memref<315x32xi32, #tpu.memory_space<vmem>> -> memref<1x32xi32, #tpu.memory_space<vmem>>
      %dma_wait3A_67 = tpu.memref_squeeze %dma_wait3A_66 : memref<1x32xi32, #tpu.memory_space<vmem>> -> memref<32xi32, #tpu.memory_space<vmem>>
      %dma_wait3A_68 = arith.constant 0 : i32
      %dma_wait3A_69 = arith.constant 0 : i32
      %dma_wait3A_70 = tpu.memref_slice %arg2[%dma_wait3A_68, %dma_wait3A_69] : memref<20000x128xf32, #tpu.memory_space<hbm>> -> memref<20000x128xf32, #tpu.memory_space<hbm>>
      tpu.wait_indirect_dma semaphore(%arg16 : memref<!tpu.dma_semaphore, #tpu.memory_space<semaphore_mem>>) src(%dma_wait3A_70 : memref<20000x128xf32, #tpu.memory_space<hbm>>) dst(%arg9 : memref<32x128xf32, #tpu.memory_space<vmem>>)
      %dma_start3A_71 = arith.constant 0 : i32
      %dma_start3A_72 = tpu.memref_slice %arg8[%mul3A_65, %dma_start3A_71] : memref<315x32xi32, #tpu.memory_space<vmem>> -> memref<1x32xi32, #tpu.memory_space<vmem>>
      %dma_start3A_73 = tpu.memref_squeeze %dma_start3A_72 : memref<1x32xi32, #tpu.memory_space<vmem>> -> memref<32xi32, #tpu.memory_space<vmem>>
      %dma_start3A_74 = arith.constant 0 : i32
      %dma_start3A_75 = arith.constant 0 : i32
      %dma_start3A_76 = tpu.memref_slice %arg6[%dma_start3A_74, %dma_start3A_75] : memref<10008x128xf32, #tpu.memory_space<vmem_shared>> -> memref<10008x128xf32, #tpu.memory_space<vmem_shared>>
      tpu.enqueue_indirect_dma source(%arg9 : memref<32x128xf32, #tpu.memory_space<vmem>>) target(%dma_start3A_76 : memref<10008x128xf32, #tpu.memory_space<vmem_shared>>) offsets(%dma_start3A_73 : memref<32xi32, #tpu.memory_space<vmem>>) semaphore(%arg23 : memref<!tpu.dma_semaphore, #tpu.memory_space<semaphore_mem>>) {add = true}
      %add3A_77 = arith.constant 1 : i32
      %add3A_78 = arith.addi %mul3A_65, %add3A_77 : i32
      %dma_wait3A_79 = arith.constant 0 : i32
      %dma_wait3A_80 = tpu.memref_slice %arg7[%add3A_78, %dma_wait3A_79] : memref<315x32xi32, #tpu.memory_space<vmem>> -> memref<1x32xi32, #tpu.memory_space<vmem>>
      %dma_wait3A_81 = tpu.memref_squeeze %dma_wait3A_80 : memref<1x32xi32, #tpu.memory_space<vmem>> -> memref<32xi32, #tpu.memory_space<vmem>>
      %dma_wait3A_82 = arith.constant 0 : i32
      %dma_wait3A_83 = arith.constant 0 : i32
      %dma_wait3A_84 = tpu.memref_slice %arg2[%dma_wait3A_82, %dma_wait3A_83] : memref<20000x128xf32, #tpu.memory_space<hbm>> -> memref<20000x128xf32, #tpu.memory_space<hbm>>
      tpu.wait_indirect_dma semaphore(%arg17 : memref<!tpu.dma_semaphore, #tpu.memory_space<semaphore_mem>>) src(%dma_wait3A_84 : memref<20000x128xf32, #tpu.memory_space<hbm>>) dst(%arg10 : memref<32x128xf32, #tpu.memory_space<vmem>>)
      %dma_start3A_85 = arith.constant 0 : i32
      %dma_start3A_86 = tpu.memref_slice %arg8[%add3A_78, %dma_start3A_85] : memref<315x32xi32, #tpu.memory_space<vmem>> -> memref<1x32xi32, #tpu.memory_space<vmem>>
      %dma_start3A_87 = tpu.memref_squeeze %dma_start3A_86 : memref<1x32xi32, #tpu.memory_space<vmem>> -> memref<32xi32, #tpu.memory_space<vmem>>
      %dma_start3A_88 = arith.constant 0 : i32
      %dma_start3A_89 = arith.constant 0 : i32
      %dma_start3A_90 = tpu.memref_slice %arg6[%dma_start3A_88, %dma_start3A_89] : memref<10008x128xf32, #tpu.memory_space<vmem_shared>> -> memref<10008x128xf32, #tpu.memory_space<vmem_shared>>
      tpu.enqueue_indirect_dma source(%arg10 : memref<32x128xf32, #tpu.memory_space<vmem>>) target(%dma_start3A_90 : memref<10008x128xf32, #tpu.memory_space<vmem_shared>>) offsets(%dma_start3A_87 : memref<32xi32, #tpu.memory_space<vmem>>) semaphore(%arg24 : memref<!tpu.dma_semaphore, #tpu.memory_space<semaphore_mem>>) {add = true}
      %add3A_91 = arith.constant 2 : i32
      %add3A_92 = arith.addi %mul3A_65, %add3A_91 : i32
      %sub3A = arith.constant 2 : i32
      %sub3A_93 = arith.subi %add3A_92, %sub3A : i32
      %dma_wait3A_94 = arith.constant 0 : i32
      %dma_wait3A_95 = tpu.memref_slice %arg8[%sub3A_93, %dma_wait3A_94] : memref<315x32xi32, #tpu.memory_space<vmem>> -> memref<1x32xi32, #tpu.memory_space<vmem>>
      %dma_wait3A_96 = tpu.memref_squeeze %dma_wait3A_95 : memref<1x32xi32, #tpu.memory_space<vmem>> -> memref<32xi32, #tpu.memory_space<vmem>>
      %dma_wait3A_97 = arith.constant 0 : i32
      %dma_wait3A_98 = arith.constant 0 : i32
      %dma_wait3A_99 = tpu.memref_slice %arg6[%dma_wait3A_97, %dma_wait3A_98] : memref<10008x128xf32, #tpu.memory_space<vmem_shared>> -> memref<10008x128xf32, #tpu.memory_space<vmem_shared>>
      tpu.wait_indirect_dma semaphore(%arg23 : memref<!tpu.dma_semaphore, #tpu.memory_space<semaphore_mem>>) src(%arg9 : memref<32x128xf32, #tpu.memory_space<vmem>>) dst(%dma_wait3A_99 : memref<10008x128xf32, #tpu.memory_space<vmem_shared>>)
      %add3A_100 = arith.constant 7 : i32
      %add3A_101 = arith.addi %sub3A_93, %add3A_100 : i32
      %lt3A = arith.constant 315 : i32
      %lt3A_102 = arith.cmpi slt, %add3A_101, %lt3A : i32
      %convert_element_type3A = arith.extui %lt3A_102 : i1 to i32
      %cond3A = arith.constant 0 : i32
      %cond3A_103 = arith.cmpi ne, %convert_element_type3A, %cond3A : i32
      scf.if %cond3A_103 {
        %add3A_276 = arith.constant 7 : i32
        %add3A_277 = arith.addi %sub3A_93, %add3A_276 : i32
        %dma_start3A_278 = arith.constant 0 : i32
        %dma_start3A_279 = tpu.memref_slice %arg7[%add3A_277, %dma_start3A_278] : memref<315x32xi32, #tpu.memory_space<vmem>> -> memref<1x32xi32, #tpu.memory_space<vmem>>
        %dma_start3A_280 = tpu.memref_squeeze %dma_start3A_279 : memref<1x32xi32, #tpu.memory_space<vmem>> -> memref<32xi32, #tpu.memory_space<vmem>>
        %dma_start3A_281 = arith.constant 0 : i32
        %dma_start3A_282 = arith.constant 0 : i32
        %dma_start3A_283 = tpu.memref_slice %arg2[%dma_start3A_281, %dma_start3A_282] : memref<20000x128xf32, #tpu.memory_space<hbm>> -> memref<20000x128xf32, #tpu.memory_space<hbm>>
        tpu.enqueue_indirect_dma source(%dma_start3A_283 : memref<20000x128xf32, #tpu.memory_space<hbm>>) target(%arg9 : memref<32x128xf32, #tpu.memory_space<vmem>>) offsets(%dma_start3A_280 : memref<32xi32, #tpu.memory_space<vmem>>) semaphore(%arg16 : memref<!tpu.dma_semaphore, #tpu.memory_space<semaphore_mem>>)
      } else {
      }
      %add3A_104 = arith.constant 2 : i32
      %add3A_105 = arith.addi %mul3A_65, %add3A_104 : i32
      %dma_wait3A_106 = arith.constant 0 : i32
      %dma_wait3A_107 = tpu.memref_slice %arg7[%add3A_105, %dma_wait3A_106] : memref<315x32xi32, #tpu.memory_space<vmem>> -> memref<1x32xi32, #tpu.memory_space<vmem>>
      %dma_wait3A_108 = tpu.memref_squeeze %dma_wait3A_107 : memref<1x32xi32, #tpu.memory_space<vmem>> -> memref<32xi32, #tpu.memory_space<vmem>>
      %dma_wait3A_109 = arith.constant 0 : i32
      %dma_wait3A_110 = arith.constant 0 : i32
      %dma_wait3A_111 = tpu.memref_slice %arg2[%dma_wait3A_109, %dma_wait3A_110] : memref<20000x128xf32, #tpu.memory_space<hbm>> -> memref<20000x128xf32, #tpu.memory_space<hbm>>
      tpu.wait_indirect_dma semaphore(%arg18 : memref<!tpu.dma_semaphore, #tpu.memory_space<semaphore_mem>>) src(%dma_wait3A_111 : memref<20000x128xf32, #tpu.memory_space<hbm>>) dst(%arg11 : memref<32x128xf32, #tpu.memory_space<vmem>>)
      %dma_start3A_112 = arith.constant 0 : i32
      %dma_start3A_113 = tpu.memref_slice %arg8[%add3A_105, %dma_start3A_112] : memref<315x32xi32, #tpu.memory_space<vmem>> -> memref<1x32xi32, #tpu.memory_space<vmem>>
      %dma_start3A_114 = tpu.memref_squeeze %dma_start3A_113 : memref<1x32xi32, #tpu.memory_space<vmem>> -> memref<32xi32, #tpu.memory_space<vmem>>
      %dma_start3A_115 = arith.constant 0 : i32
      %dma_start3A_116 = arith.constant 0 : i32
      %dma_start3A_117 = tpu.memref_slice %arg6[%dma_start3A_115, %dma_start3A_116] : memref<10008x128xf32, #tpu.memory_space<vmem_shared>> -> memref<10008x128xf32, #tpu.memory_space<vmem_shared>>
      tpu.enqueue_indirect_dma source(%arg11 : memref<32x128xf32, #tpu.memory_space<vmem>>) target(%dma_start3A_117 : memref<10008x128xf32, #tpu.memory_space<vmem_shared>>) offsets(%dma_start3A_114 : memref<32xi32, #tpu.memory_space<vmem>>) semaphore(%arg25 : memref<!tpu.dma_semaphore, #tpu.memory_space<semaphore_mem>>) {add = true}
      %add3A_118 = arith.constant 3 : i32
      %add3A_119 = arith.addi %mul3A_65, %add3A_118 : i32
      %sub3A_120 = arith.constant 2 : i32
      %sub3A_121 = arith.subi %add3A_119, %sub3A_120 : i32
      %dma_wait3A_122 = arith.constant 0 : i32
      %dma_wait3A_123 = tpu.memref_slice %arg8[%sub3A_121, %dma_wait3A_122] : memref<315x32xi32, #tpu.memory_space<vmem>> -> memref<1x32xi32, #tpu.memory_space<vmem>>
      %dma_wait3A_124 = tpu.memref_squeeze %dma_wait3A_123 : memref<1x32xi32, #tpu.memory_space<vmem>> -> memref<32xi32, #tpu.memory_space<vmem>>
      %dma_wait3A_125 = arith.constant 0 : i32
      %dma_wait3A_126 = arith.constant 0 : i32
      %dma_wait3A_127 = tpu.memref_slice %arg6[%dma_wait3A_125, %dma_wait3A_126] : memref<10008x128xf32, #tpu.memory_space<vmem_shared>> -> memref<10008x128xf32, #tpu.memory_space<vmem_shared>>
      tpu.wait_indirect_dma semaphore(%arg24 : memref<!tpu.dma_semaphore, #tpu.memory_space<semaphore_mem>>) src(%arg10 : memref<32x128xf32, #tpu.memory_space<vmem>>) dst(%dma_wait3A_127 : memref<10008x128xf32, #tpu.memory_space<vmem_shared>>)
      %add3A_128 = arith.constant 7 : i32
      %add3A_129 = arith.addi %sub3A_121, %add3A_128 : i32
      %lt3A_130 = arith.constant 315 : i32
      %lt3A_131 = arith.cmpi slt, %add3A_129, %lt3A_130 : i32
      %convert_element_type3A_132 = arith.extui %lt3A_131 : i1 to i32
      %cond3A_133 = arith.constant 0 : i32
      %cond3A_134 = arith.cmpi ne, %convert_element_type3A_132, %cond3A_133 : i32
      scf.if %cond3A_134 {
        %add3A_276 = arith.constant 7 : i32
        %add3A_277 = arith.addi %sub3A_121, %add3A_276 : i32
        %dma_start3A_278 = arith.constant 0 : i32
        %dma_start3A_279 = tpu.memref_slice %arg7[%add3A_277, %dma_start3A_278] : memref<315x32xi32, #tpu.memory_space<vmem>> -> memref<1x32xi32, #tpu.memory_space<vmem>>
        %dma_start3A_280 = tpu.memref_squeeze %dma_start3A_279 : memref<1x32xi32, #tpu.memory_space<vmem>> -> memref<32xi32, #tpu.memory_space<vmem>>
        %dma_start3A_281 = arith.constant 0 : i32
        %dma_start3A_282 = arith.constant 0 : i32
        %dma_start3A_283 = tpu.memref_slice %arg2[%dma_start3A_281, %dma_start3A_282] : memref<20000x128xf32, #tpu.memory_space<hbm>> -> memref<20000x128xf32, #tpu.memory_space<hbm>>
        tpu.enqueue_indirect_dma source(%dma_start3A_283 : memref<20000x128xf32, #tpu.memory_space<hbm>>) target(%arg10 : memref<32x128xf32, #tpu.memory_space<vmem>>) offsets(%dma_start3A_280 : memref<32xi32, #tpu.memory_space<vmem>>) semaphore(%arg17 : memref<!tpu.dma_semaphore, #tpu.memory_space<semaphore_mem>>)
      } else {
      }
      %add3A_135 = arith.constant 3 : i32
      %add3A_136 = arith.addi %mul3A_65, %add3A_135 : i32
      %dma_wait3A_137 = arith.constant 0 : i32
      %dma_wait3A_138 = tpu.memref_slice %arg7[%add3A_136, %dma_wait3A_137] : memref<315x32xi32, #tpu.memory_space<vmem>> -> memref<1x32xi32, #tpu.memory_space<vmem>>
      %dma_wait3A_139 = tpu.memref_squeeze %dma_wait3A_138 : memref<1x32xi32, #tpu.memory_space<vmem>> -> memref<32xi32, #tpu.memory_space<vmem>>
      %dma_wait3A_140 = arith.constant 0 : i32
      %dma_wait3A_141 = arith.constant 0 : i32
      %dma_wait3A_142 = tpu.memref_slice %arg2[%dma_wait3A_140, %dma_wait3A_141] : memref<20000x128xf32, #tpu.memory_space<hbm>> -> memref<20000x128xf32, #tpu.memory_space<hbm>>
      tpu.wait_indirect_dma semaphore(%arg19 : memref<!tpu.dma_semaphore, #tpu.memory_space<semaphore_mem>>) src(%dma_wait3A_142 : memref<20000x128xf32, #tpu.memory_space<hbm>>) dst(%arg12 : memref<32x128xf32, #tpu.memory_space<vmem>>)
      %dma_start3A_143 = arith.constant 0 : i32
      %dma_start3A_144 = tpu.memref_slice %arg8[%add3A_136, %dma_start3A_143] : memref<315x32xi32, #tpu.memory_space<vmem>> -> memref<1x32xi32, #tpu.memory_space<vmem>>
      %dma_start3A_145 = tpu.memref_squeeze %dma_start3A_144 : memref<1x32xi32, #tpu.memory_space<vmem>> -> memref<32xi32, #tpu.memory_space<vmem>>
      %dma_start3A_146 = arith.constant 0 : i32
      %dma_start3A_147 = arith.constant 0 : i32
      %dma_start3A_148 = tpu.memref_slice %arg6[%dma_start3A_146, %dma_start3A_147] : memref<10008x128xf32, #tpu.memory_space<vmem_shared>> -> memref<10008x128xf32, #tpu.memory_space<vmem_shared>>
      tpu.enqueue_indirect_dma source(%arg12 : memref<32x128xf32, #tpu.memory_space<vmem>>) target(%dma_start3A_148 : memref<10008x128xf32, #tpu.memory_space<vmem_shared>>) offsets(%dma_start3A_145 : memref<32xi32, #tpu.memory_space<vmem>>) semaphore(%arg26 : memref<!tpu.dma_semaphore, #tpu.memory_space<semaphore_mem>>) {add = true}
      %add3A_149 = arith.constant 4 : i32
      %add3A_150 = arith.addi %mul3A_65, %add3A_149 : i32
      %sub3A_151 = arith.constant 2 : i32
      %sub3A_152 = arith.subi %add3A_150, %sub3A_151 : i32
      %dma_wait3A_153 = arith.constant 0 : i32
      %dma_wait3A_154 = tpu.memref_slice %arg8[%sub3A_152, %dma_wait3A_153] : memref<315x32xi32, #tpu.memory_space<vmem>> -> memref<1x32xi32, #tpu.memory_space<vmem>>
      %dma_wait3A_155 = tpu.memref_squeeze %dma_wait3A_154 : memref<1x32xi32, #tpu.memory_space<vmem>> -> memref<32xi32, #tpu.memory_space<vmem>>
      %dma_wait3A_156 = arith.constant 0 : i32
      %dma_wait3A_157 = arith.constant 0 : i32
      %dma_wait3A_158 = tpu.memref_slice %arg6[%dma_wait3A_156, %dma_wait3A_157] : memref<10008x128xf32, #tpu.memory_space<vmem_shared>> -> memref<10008x128xf32, #tpu.memory_space<vmem_shared>>
      tpu.wait_indirect_dma semaphore(%arg25 : memref<!tpu.dma_semaphore, #tpu.memory_space<semaphore_mem>>) src(%arg11 : memref<32x128xf32, #tpu.memory_space<vmem>>) dst(%dma_wait3A_158 : memref<10008x128xf32, #tpu.memory_space<vmem_shared>>)
      %add3A_159 = arith.constant 7 : i32
      %add3A_160 = arith.addi %sub3A_152, %add3A_159 : i32
      %lt3A_161 = arith.constant 315 : i32
      %lt3A_162 = arith.cmpi slt, %add3A_160, %lt3A_161 : i32
      %convert_element_type3A_163 = arith.extui %lt3A_162 : i1 to i32
      %cond3A_164 = arith.constant 0 : i32
      %cond3A_165 = arith.cmpi ne, %convert_element_type3A_163, %cond3A_164 : i32
      scf.if %cond3A_165 {
        %add3A_276 = arith.constant 7 : i32
        %add3A_277 = arith.addi %sub3A_152, %add3A_276 : i32
        %dma_start3A_278 = arith.constant 0 : i32
        %dma_start3A_279 = tpu.memref_slice %arg7[%add3A_277, %dma_start3A_278] : memref<315x32xi32, #tpu.memory_space<vmem>> -> memref<1x32xi32, #tpu.memory_space<vmem>>
        %dma_start3A_280 = tpu.memref_squeeze %dma_start3A_279 : memref<1x32xi32, #tpu.memory_space<vmem>> -> memref<32xi32, #tpu.memory_space<vmem>>
        %dma_start3A_281 = arith.constant 0 : i32
        %dma_start3A_282 = arith.constant 0 : i32
        %dma_start3A_283 = tpu.memref_slice %arg2[%dma_start3A_281, %dma_start3A_282] : memref<20000x128xf32, #tpu.memory_space<hbm>> -> memref<20000x128xf32, #tpu.memory_space<hbm>>
        tpu.enqueue_indirect_dma source(%dma_start3A_283 : memref<20000x128xf32, #tpu.memory_space<hbm>>) target(%arg11 : memref<32x128xf32, #tpu.memory_space<vmem>>) offsets(%dma_start3A_280 : memref<32xi32, #tpu.memory_space<vmem>>) semaphore(%arg18 : memref<!tpu.dma_semaphore, #tpu.memory_space<semaphore_mem>>)
      } else {
      }
      %add3A_166 = arith.constant 4 : i32
      %add3A_167 = arith.addi %mul3A_65, %add3A_166 : i32
      %dma_wait3A_168 = arith.constant 0 : i32
      %dma_wait3A_169 = tpu.memref_slice %arg7[%add3A_167, %dma_wait3A_168] : memref<315x32xi32, #tpu.memory_space<vmem>> -> memref<1x32xi32, #tpu.memory_space<vmem>>
      %dma_wait3A_170 = tpu.memref_squeeze %dma_wait3A_169 : memref<1x32xi32, #tpu.memory_space<vmem>> -> memref<32xi32, #tpu.memory_space<vmem>>
      %dma_wait3A_171 = arith.constant 0 : i32
      %dma_wait3A_172 = arith.constant 0 : i32
      %dma_wait3A_173 = tpu.memref_slice %arg2[%dma_wait3A_171, %dma_wait3A_172] : memref<20000x128xf32, #tpu.memory_space<hbm>> -> memref<20000x128xf32, #tpu.memory_space<hbm>>
      tpu.wait_indirect_dma semaphore(%arg20 : memref<!tpu.dma_semaphore, #tpu.memory_space<semaphore_mem>>) src(%dma_wait3A_173 : memref<20000x128xf32, #tpu.memory_space<hbm>>) dst(%arg13 : memref<32x128xf32, #tpu.memory_space<vmem>>)
      %dma_start3A_174 = arith.constant 0 : i32
      %dma_start3A_175 = tpu.memref_slice %arg8[%add3A_167, %dma_start3A_174] : memref<315x32xi32, #tpu.memory_space<vmem>> -> memref<1x32xi32, #tpu.memory_space<vmem>>
      %dma_start3A_176 = tpu.memref_squeeze %dma_start3A_175 : memref<1x32xi32, #tpu.memory_space<vmem>> -> memref<32xi32, #tpu.memory_space<vmem>>
      %dma_start3A_177 = arith.constant 0 : i32
      %dma_start3A_178 = arith.constant 0 : i32
      %dma_start3A_179 = tpu.memref_slice %arg6[%dma_start3A_177, %dma_start3A_178] : memref<10008x128xf32, #tpu.memory_space<vmem_shared>> -> memref<10008x128xf32, #tpu.memory_space<vmem_shared>>
      tpu.enqueue_indirect_dma source(%arg13 : memref<32x128xf32, #tpu.memory_space<vmem>>) target(%dma_start3A_179 : memref<10008x128xf32, #tpu.memory_space<vmem_shared>>) offsets(%dma_start3A_176 : memref<32xi32, #tpu.memory_space<vmem>>) semaphore(%arg27 : memref<!tpu.dma_semaphore, #tpu.memory_space<semaphore_mem>>) {add = true}
      %add3A_180 = arith.constant 5 : i32
      %add3A_181 = arith.addi %mul3A_65, %add3A_180 : i32
      %sub3A_182 = arith.constant 2 : i32
      %sub3A_183 = arith.subi %add3A_181, %sub3A_182 : i32
      %dma_wait3A_184 = arith.constant 0 : i32
      %dma_wait3A_185 = tpu.memref_slice %arg8[%sub3A_183, %dma_wait3A_184] : memref<315x32xi32, #tpu.memory_space<vmem>> -> memref<1x32xi32, #tpu.memory_space<vmem>>
      %dma_wait3A_186 = tpu.memref_squeeze %dma_wait3A_185 : memref<1x32xi32, #tpu.memory_space<vmem>> -> memref<32xi32, #tpu.memory_space<vmem>>
      %dma_wait3A_187 = arith.constant 0 : i32
      %dma_wait3A_188 = arith.constant 0 : i32
      %dma_wait3A_189 = tpu.memref_slice %arg6[%dma_wait3A_187, %dma_wait3A_188] : memref<10008x128xf32, #tpu.memory_space<vmem_shared>> -> memref<10008x128xf32, #tpu.memory_space<vmem_shared>>
      tpu.wait_indirect_dma semaphore(%arg26 : memref<!tpu.dma_semaphore, #tpu.memory_space<semaphore_mem>>) src(%arg12 : memref<32x128xf32, #tpu.memory_space<vmem>>) dst(%dma_wait3A_189 : memref<10008x128xf32, #tpu.memory_space<vmem_shared>>)
      %add3A_190 = arith.constant 7 : i32
      %add3A_191 = arith.addi %sub3A_183, %add3A_190 : i32
      %lt3A_192 = arith.constant 315 : i32
      %lt3A_193 = arith.cmpi slt, %add3A_191, %lt3A_192 : i32
      %convert_element_type3A_194 = arith.extui %lt3A_193 : i1 to i32
      %cond3A_195 = arith.constant 0 : i32
      %cond3A_196 = arith.cmpi ne, %convert_element_type3A_194, %cond3A_195 : i32
      scf.if %cond3A_196 {
        %add3A_276 = arith.constant 7 : i32
        %add3A_277 = arith.addi %sub3A_183, %add3A_276 : i32
        %dma_start3A_278 = arith.constant 0 : i32
        %dma_start3A_279 = tpu.memref_slice %arg7[%add3A_277, %dma_start3A_278] : memref<315x32xi32, #tpu.memory_space<vmem>> -> memref<1x32xi32, #tpu.memory_space<vmem>>
        %dma_start3A_280 = tpu.memref_squeeze %dma_start3A_279 : memref<1x32xi32, #tpu.memory_space<vmem>> -> memref<32xi32, #tpu.memory_space<vmem>>
        %dma_start3A_281 = arith.constant 0 : i32
        %dma_start3A_282 = arith.constant 0 : i32
        %dma_start3A_283 = tpu.memref_slice %arg2[%dma_start3A_281, %dma_start3A_282] : memref<20000x128xf32, #tpu.memory_space<hbm>> -> memref<20000x128xf32, #tpu.memory_space<hbm>>
        tpu.enqueue_indirect_dma source(%dma_start3A_283 : memref<20000x128xf32, #tpu.memory_space<hbm>>) target(%arg12 : memref<32x128xf32, #tpu.memory_space<vmem>>) offsets(%dma_start3A_280 : memref<32xi32, #tpu.memory_space<vmem>>) semaphore(%arg19 : memref<!tpu.dma_semaphore, #tpu.memory_space<semaphore_mem>>)
      } else {
      }
      %add3A_197 = arith.constant 5 : i32
      %add3A_198 = arith.addi %mul3A_65, %add3A_197 : i32
      %dma_wait3A_199 = arith.constant 0 : i32
      %dma_wait3A_200 = tpu.memref_slice %arg7[%add3A_198, %dma_wait3A_199] : memref<315x32xi32, #tpu.memory_space<vmem>> -> memref<1x32xi32, #tpu.memory_space<vmem>>
      %dma_wait3A_201 = tpu.memref_squeeze %dma_wait3A_200 : memref<1x32xi32, #tpu.memory_space<vmem>> -> memref<32xi32, #tpu.memory_space<vmem>>
      %dma_wait3A_202 = arith.constant 0 : i32
      %dma_wait3A_203 = arith.constant 0 : i32
      %dma_wait3A_204 = tpu.memref_slice %arg2[%dma_wait3A_202, %dma_wait3A_203] : memref<20000x128xf32, #tpu.memory_space<hbm>> -> memref<20000x128xf32, #tpu.memory_space<hbm>>
      tpu.wait_indirect_dma semaphore(%arg21 : memref<!tpu.dma_semaphore, #tpu.memory_space<semaphore_mem>>) src(%dma_wait3A_204 : memref<20000x128xf32, #tpu.memory_space<hbm>>) dst(%arg14 : memref<32x128xf32, #tpu.memory_space<vmem>>)
      %dma_start3A_205 = arith.constant 0 : i32
      %dma_start3A_206 = tpu.memref_slice %arg8[%add3A_198, %dma_start3A_205] : memref<315x32xi32, #tpu.memory_space<vmem>> -> memref<1x32xi32, #tpu.memory_space<vmem>>
      %dma_start3A_207 = tpu.memref_squeeze %dma_start3A_206 : memref<1x32xi32, #tpu.memory_space<vmem>> -> memref<32xi32, #tpu.memory_space<vmem>>
      %dma_start3A_208 = arith.constant 0 : i32
      %dma_start3A_209 = arith.constant 0 : i32
      %dma_start3A_210 = tpu.memref_slice %arg6[%dma_start3A_208, %dma_start3A_209] : memref<10008x128xf32, #tpu.memory_space<vmem_shared>> -> memref<10008x128xf32, #tpu.memory_space<vmem_shared>>
      tpu.enqueue_indirect_dma source(%arg14 : memref<32x128xf32, #tpu.memory_space<vmem>>) target(%dma_start3A_210 : memref<10008x128xf32, #tpu.memory_space<vmem_shared>>) offsets(%dma_start3A_207 : memref<32xi32, #tpu.memory_space<vmem>>) semaphore(%arg28 : memref<!tpu.dma_semaphore, #tpu.memory_space<semaphore_mem>>) {add = true}
      %add3A_211 = arith.constant 6 : i32
      %add3A_212 = arith.addi %mul3A_65, %add3A_211 : i32
      %sub3A_213 = arith.constant 2 : i32
      %sub3A_214 = arith.subi %add3A_212, %sub3A_213 : i32
      %dma_wait3A_215 = arith.constant 0 : i32
      %dma_wait3A_216 = tpu.memref_slice %arg8[%sub3A_214, %dma_wait3A_215] : memref<315x32xi32, #tpu.memory_space<vmem>> -> memref<1x32xi32, #tpu.memory_space<vmem>>
      %dma_wait3A_217 = tpu.memref_squeeze %dma_wait3A_216 : memref<1x32xi32, #tpu.memory_space<vmem>> -> memref<32xi32, #tpu.memory_space<vmem>>
      %dma_wait3A_218 = arith.constant 0 : i32
      %dma_wait3A_219 = arith.constant 0 : i32
      %dma_wait3A_220 = tpu.memref_slice %arg6[%dma_wait3A_218, %dma_wait3A_219] : memref<10008x128xf32, #tpu.memory_space<vmem_shared>> -> memref<10008x128xf32, #tpu.memory_space<vmem_shared>>
      tpu.wait_indirect_dma semaphore(%arg27 : memref<!tpu.dma_semaphore, #tpu.memory_space<semaphore_mem>>) src(%arg13 : memref<32x128xf32, #tpu.memory_space<vmem>>) dst(%dma_wait3A_220 : memref<10008x128xf32, #tpu.memory_space<vmem_shared>>)
      %add3A_221 = arith.constant 7 : i32
      %add3A_222 = arith.addi %sub3A_214, %add3A_221 : i32
      %lt3A_223 = arith.constant 315 : i32
      %lt3A_224 = arith.cmpi slt, %add3A_222, %lt3A_223 : i32
      %convert_element_type3A_225 = arith.extui %lt3A_224 : i1 to i32
      %cond3A_226 = arith.constant 0 : i32
      %cond3A_227 = arith.cmpi ne, %convert_element_type3A_225, %cond3A_226 : i32
      scf.if %cond3A_227 {
        %add3A_276 = arith.constant 7 : i32
        %add3A_277 = arith.addi %sub3A_214, %add3A_276 : i32
        %dma_start3A_278 = arith.constant 0 : i32
        %dma_start3A_279 = tpu.memref_slice %arg7[%add3A_277, %dma_start3A_278] : memref<315x32xi32, #tpu.memory_space<vmem>> -> memref<1x32xi32, #tpu.memory_space<vmem>>
        %dma_start3A_280 = tpu.memref_squeeze %dma_start3A_279 : memref<1x32xi32, #tpu.memory_space<vmem>> -> memref<32xi32, #tpu.memory_space<vmem>>
        %dma_start3A_281 = arith.constant 0 : i32
        %dma_start3A_282 = arith.constant 0 : i32
        %dma_start3A_283 = tpu.memref_slice %arg2[%dma_start3A_281, %dma_start3A_282] : memref<20000x128xf32, #tpu.memory_space<hbm>> -> memref<20000x128xf32, #tpu.memory_space<hbm>>
        tpu.enqueue_indirect_dma source(%dma_start3A_283 : memref<20000x128xf32, #tpu.memory_space<hbm>>) target(%arg13 : memref<32x128xf32, #tpu.memory_space<vmem>>) offsets(%dma_start3A_280 : memref<32xi32, #tpu.memory_space<vmem>>) semaphore(%arg20 : memref<!tpu.dma_semaphore, #tpu.memory_space<semaphore_mem>>)
      } else {
      }
      %add3A_228 = arith.constant 6 : i32
      %add3A_229 = arith.addi %mul3A_65, %add3A_228 : i32
      %dma_wait3A_230 = arith.constant 0 : i32
      %dma_wait3A_231 = tpu.memref_slice %arg7[%add3A_229, %dma_wait3A_230] : memref<315x32xi32, #tpu.memory_space<vmem>> -> memref<1x32xi32, #tpu.memory_space<vmem>>
      %dma_wait3A_232 = tpu.memref_squeeze %dma_wait3A_231 : memref<1x32xi32, #tpu.memory_space<vmem>> -> memref<32xi32, #tpu.memory_space<vmem>>
      %dma_wait3A_233 = arith.constant 0 : i32
      %dma_wait3A_234 = arith.constant 0 : i32
      %dma_wait3A_235 = tpu.memref_slice %arg2[%dma_wait3A_233, %dma_wait3A_234] : memref<20000x128xf32, #tpu.memory_space<hbm>> -> memref<20000x128xf32, #tpu.memory_space<hbm>>
      tpu.wait_indirect_dma semaphore(%arg22 : memref<!tpu.dma_semaphore, #tpu.memory_space<semaphore_mem>>) src(%dma_wait3A_235 : memref<20000x128xf32, #tpu.memory_space<hbm>>) dst(%arg15 : memref<32x128xf32, #tpu.memory_space<vmem>>)
      %dma_start3A_236 = arith.constant 0 : i32
      %dma_start3A_237 = tpu.memref_slice %arg8[%add3A_229, %dma_start3A_236] : memref<315x32xi32, #tpu.memory_space<vmem>> -> memref<1x32xi32, #tpu.memory_space<vmem>>
      %dma_start3A_238 = tpu.memref_squeeze %dma_start3A_237 : memref<1x32xi32, #tpu.memory_space<vmem>> -> memref<32xi32, #tpu.memory_space<vmem>>
      %dma_start3A_239 = arith.constant 0 : i32
      %dma_start3A_240 = arith.constant 0 : i32
      %dma_start3A_241 = tpu.memref_slice %arg6[%dma_start3A_239, %dma_start3A_240] : memref<10008x128xf32, #tpu.memory_space<vmem_shared>> -> memref<10008x128xf32, #tpu.memory_space<vmem_shared>>
      tpu.enqueue_indirect_dma source(%arg15 : memref<32x128xf32, #tpu.memory_space<vmem>>) target(%dma_start3A_241 : memref<10008x128xf32, #tpu.memory_space<vmem_shared>>) offsets(%dma_start3A_238 : memref<32xi32, #tpu.memory_space<vmem>>) semaphore(%arg29 : memref<!tpu.dma_semaphore, #tpu.memory_space<semaphore_mem>>) {add = true}
      %add3A_242 = arith.constant 7 : i32
      %add3A_243 = arith.addi %mul3A_65, %add3A_242 : i32
      %sub3A_244 = arith.constant 2 : i32
      %sub3A_245 = arith.subi %add3A_243, %sub3A_244 : i32
      %dma_wait3A_246 = arith.constant 0 : i32
      %dma_wait3A_247 = tpu.memref_slice %arg8[%sub3A_245, %dma_wait3A_246] : memref<315x32xi32, #tpu.memory_space<vmem>> -> memref<1x32xi32, #tpu.memory_space<vmem>>
      %dma_wait3A_248 = tpu.memref_squeeze %dma_wait3A_247 : memref<1x32xi32, #tpu.memory_space<vmem>> -> memref<32xi32, #tpu.memory_space<vmem>>
      %dma_wait3A_249 = arith.constant 0 : i32
      %dma_wait3A_250 = arith.constant 0 : i32
      %dma_wait3A_251 = tpu.memref_slice %arg6[%dma_wait3A_249, %dma_wait3A_250] : memref<10008x128xf32, #tpu.memory_space<vmem_shared>> -> memref<10008x128xf32, #tpu.memory_space<vmem_shared>>
      tpu.wait_indirect_dma semaphore(%arg28 : memref<!tpu.dma_semaphore, #tpu.memory_space<semaphore_mem>>) src(%arg14 : memref<32x128xf32, #tpu.memory_space<vmem>>) dst(%dma_wait3A_251 : memref<10008x128xf32, #tpu.memory_space<vmem_shared>>)
      %add3A_252 = arith.constant 7 : i32
      %add3A_253 = arith.addi %sub3A_245, %add3A_252 : i32
      %lt3A_254 = arith.constant 315 : i32
      %lt3A_255 = arith.cmpi slt, %add3A_253, %lt3A_254 : i32
      %convert_element_type3A_256 = arith.extui %lt3A_255 : i1 to i32
      %cond3A_257 = arith.constant 0 : i32
      %cond3A_258 = arith.cmpi ne, %convert_element_type3A_256, %cond3A_257 : i32
      scf.if %cond3A_258 {
        %add3A_276 = arith.constant 7 : i32
        %add3A_277 = arith.addi %sub3A_245, %add3A_276 : i32
        %dma_start3A_278 = arith.constant 0 : i32
        %dma_start3A_279 = tpu.memref_slice %arg7[%add3A_277, %dma_start3A_278] : memref<315x32xi32, #tpu.memory_space<vmem>> -> memref<1x32xi32, #tpu.memory_space<vmem>>
        %dma_start3A_280 = tpu.memref_squeeze %dma_start3A_279 : memref<1x32xi32, #tpu.memory_space<vmem>> -> memref<32xi32, #tpu.memory_space<vmem>>
        %dma_start3A_281 = arith.constant 0 : i32
        %dma_start3A_282 = arith.constant 0 : i32
        %dma_start3A_283 = tpu.memref_slice %arg2[%dma_start3A_281, %dma_start3A_282] : memref<20000x128xf32, #tpu.memory_space<hbm>> -> memref<20000x128xf32, #tpu.memory_space<hbm>>
        tpu.enqueue_indirect_dma source(%dma_start3A_283 : memref<20000x128xf32, #tpu.memory_space<hbm>>) target(%arg14 : memref<32x128xf32, #tpu.memory_space<vmem>>) offsets(%dma_start3A_280 : memref<32xi32, #tpu.memory_space<vmem>>) semaphore(%arg21 : memref<!tpu.dma_semaphore, #tpu.memory_space<semaphore_mem>>)
      } else {
      }
      %add3A_259 = arith.constant 7 : i32
      %add3A_260 = arith.addi %mul3A_65, %add3A_259 : i32
      %sub3A_261 = arith.constant 1 : i32
      %sub3A_262 = arith.subi %add3A_260, %sub3A_261 : i32
      %dma_wait3A_263 = arith.constant 0 : i32
      %dma_wait3A_264 = tpu.memref_slice %arg8[%sub3A_262, %dma_wait3A_263] : memref<315x32xi32, #tpu.memory_space<vmem>> -> memref<1x32xi32, #tpu.memory_space<vmem>>
      %dma_wait3A_265 = tpu.memref_squeeze %dma_wait3A_264 : memref<1x32xi32, #tpu.memory_space<vmem>> -> memref<32xi32, #tpu.memory_space<vmem>>
      %dma_wait3A_266 = arith.constant 0 : i32
      %dma_wait3A_267 = arith.constant 0 : i32
      %dma_wait3A_268 = tpu.memref_slice %arg6[%dma_wait3A_266, %dma_wait3A_267] : memref<10008x128xf32, #tpu.memory_space<vmem_shared>> -> memref<10008x128xf32, #tpu.memory_space<vmem_shared>>
      tpu.wait_indirect_dma semaphore(%arg29 : memref<!tpu.dma_semaphore, #tpu.memory_space<semaphore_mem>>) src(%arg15 : memref<32x128xf32, #tpu.memory_space<vmem>>) dst(%dma_wait3A_268 : memref<10008x128xf32, #tpu.memory_space<vmem_shared>>)
      %add3A_269 = arith.constant 7 : i32
      %add3A_270 = arith.addi %sub3A_262, %add3A_269 : i32
      %lt3A_271 = arith.constant 315 : i32
      %lt3A_272 = arith.cmpi slt, %add3A_270, %lt3A_271 : i32
      %convert_element_type3A_273 = arith.extui %lt3A_272 : i1 to i32
      %cond3A_274 = arith.constant 0 : i32
      %cond3A_275 = arith.cmpi ne, %convert_element_type3A_273, %cond3A_274 : i32
      scf.if %cond3A_275 {
        %add3A_276 = arith.constant 7 : i32
        %add3A_277 = arith.addi %sub3A_262, %add3A_276 : i32
        %dma_start3A_278 = arith.constant 0 : i32
        %dma_start3A_279 = tpu.memref_slice %arg7[%add3A_277, %dma_start3A_278] : memref<315x32xi32, #tpu.memory_space<vmem>> -> memref<1x32xi32, #tpu.memory_space<vmem>>
        %dma_start3A_280 = tpu.memref_squeeze %dma_start3A_279 : memref<1x32xi32, #tpu.memory_space<vmem>> -> memref<32xi32, #tpu.memory_space<vmem>>
        %dma_start3A_281 = arith.constant 0 : i32
        %dma_start3A_282 = arith.constant 0 : i32
        %dma_start3A_283 = tpu.memref_slice %arg2[%dma_start3A_281, %dma_start3A_282] : memref<20000x128xf32, #tpu.memory_space<hbm>> -> memref<20000x128xf32, #tpu.memory_space<hbm>>
        tpu.enqueue_indirect_dma source(%dma_start3A_283 : memref<20000x128xf32, #tpu.memory_space<hbm>>) target(%arg15 : memref<32x128xf32, #tpu.memory_space<vmem>>) offsets(%dma_start3A_280 : memref<32xi32, #tpu.memory_space<vmem>>) semaphore(%arg22 : memref<!tpu.dma_semaphore, #tpu.memory_space<semaphore_mem>>)
      } else {
      }
    }
    %scan3A_61 = arith.constant 45 : i32
    %barrier3A_62 = arith.constant 0 : index
    tpu.barrier barrier_id(%barrier3A_62)
    "tpu.region"() ({
      %run_scoped3A = tpu.sem_alloc : memref<!tpu.dma_semaphore, #tpu.memory_space<semaphore_mem>>
      %dma_start3A_63 = arith.constant 0 : i32
      %dma_start3A_64 = tpu.memref_slice %arg5[%multiple_of3A, %dma_start3A_63] : memref<20000x128xf32, #tpu.memory_space<hbm>> -> memref<625x128xf32, #tpu.memory_space<hbm>>
      %dma_start3A_65 = arith.constant 0 : i32
      %dma_start3A_66 = tpu.memref_slice %arg6[%multiple_of3A_5, %dma_start3A_65] : memref<10008x128xf32, #tpu.memory_space<vmem_shared>> -> memref<625x128xf32, #tpu.memory_space<vmem_shared>>
      tpu.enqueue_dma source(%dma_start3A_66 : memref<625x128xf32, #tpu.memory_space<vmem_shared>>) target(%dma_start3A_64 : memref<625x128xf32, #tpu.memory_space<hbm>>) target_semaphore(%run_scoped3A : memref<!tpu.dma_semaphore, #tpu.memory_space<semaphore_mem>>)
      %dma_wait3A = arith.constant 0 : i32
      %dma_wait3A_67 = tpu.memref_slice %arg5[%multiple_of3A, %dma_wait3A] : memref<20000x128xf32, #tpu.memory_space<hbm>> -> memref<625x128xf32, #tpu.memory_space<hbm>>
      %dma_wait3A_68 = arith.constant 0 : i32
      %dma_wait3A_69 = tpu.memref_slice %arg6[%multiple_of3A_5, %dma_wait3A_68] : memref<10008x128xf32, #tpu.memory_space<vmem_shared>> -> memref<625x128xf32, #tpu.memory_space<vmem_shared>>
      tpu.wait_dma2 semaphore(%run_scoped3A : memref<!tpu.dma_semaphore, #tpu.memory_space<semaphore_mem>>) src(%dma_wait3A_69 : memref<625x128xf32, #tpu.memory_space<vmem_shared>>) dst(%dma_wait3A_67 : memref<625x128xf32, #tpu.memory_space<hbm>>)
      tpu.yield
    }) : () -> ()
    return
  }
}

#map = affine_map<(d0, d1) -> (0, 0)>
#map1 = affine_map<(d0, d1) -> (0, 0, 0)>
module attributes {stable_mosaic.version = 14 : i64} {
  func.func @mp_kernel(%arg0: i32, %arg1: i32, %arg2: memref<20000x128xf32, #tpu.memory_space<hbm>>, %arg3: memref<32x315x32xi32, #tpu.memory_space<hbm>>, %arg4: memref<16x315x32xi32, #tpu.memory_space<hbm>>, %arg5: memref<20000x128xf32, #tpu.memory_space<hbm>>, %arg6: memref<10008x128xf32, #tpu.memory_space<vmem_shared>>, %arg7: memref<315x32xi32, #tpu.memory_space<vmem>>, %arg8: memref<315x32xi32, #tpu.memory_space<vmem>>, %arg9: memref<32x128xf32, #tpu.memory_space<vmem>>, %arg10: memref<32x128xf32, #tpu.memory_space<vmem>>, %arg11: memref<32x128xf32, #tpu.memory_space<vmem>>, %arg12: memref<32x128xf32, #tpu.memory_space<vmem>>, %arg13: memref<32x128xf32, #tpu.memory_space<vmem>>, %arg14: memref<32x128xf32, #tpu.memory_space<vmem>>, %arg15: memref<32x128xf32, #tpu.memory_space<vmem>>, %arg16: memref<!tpu.dma_semaphore, #tpu.memory_space<semaphore_mem>>, %arg17: memref<!tpu.dma_semaphore, #tpu.memory_space<semaphore_mem>>, %arg18: memref<!tpu.dma_semaphore, #tpu.memory_space<semaphore_mem>>, %arg19: memref<!tpu.dma_semaphore, #tpu.memory_space<semaphore_mem>>, %arg20: memref<!tpu.dma_semaphore, #tpu.memory_space<semaphore_mem>>, %arg21: memref<!tpu.dma_semaphore, #tpu.memory_space<semaphore_mem>>, %arg22: memref<!tpu.dma_semaphore, #tpu.memory_space<semaphore_mem>>, %arg23: memref<!tpu.dma_semaphore, #tpu.memory_space<semaphore_mem>>, %arg24: memref<!tpu.dma_semaphore, #tpu.memory_space<semaphore_mem>>, %arg25: memref<!tpu.dma_semaphore, #tpu.memory_space<semaphore_mem>>, %arg26: memref<!tpu.dma_semaphore, #tpu.memory_space<semaphore_mem>>, %arg27: memref<!tpu.dma_semaphore, #tpu.memory_space<semaphore_mem>>, %arg28: memref<!tpu.dma_semaphore, #tpu.memory_space<semaphore_mem>>, %arg29: memref<!tpu.dma_semaphore, #tpu.memory_space<semaphore_mem>>) attributes {dimension_semantics = [#tpu.dimension_semantics<core_parallel>, #tpu.dimension_semantics<subcore_parallel>], iteration_bounds = array<i64: 2, 16>, scalar_prefetch = 0 : i64, scratch_operands = 24 : i64, tpu.core_type = #tpu.core_type<sc_vector_subcore>, window_params = [{transform_indices = #map}, {transform_indices = #map1}, {transform_indices = #map1}, {transform_indices = #map}]} {
    %mul3A = arith.constant 10000 : i32
    %mul3A_0 = arith.muli %arg0, %mul3A : i32
    %mul3A_1 = arith.constant 625 : i32
    %mul3A_2 = arith.muli %arg1, %mul3A_1 : i32
    %add3A = arith.addi %mul3A_0, %mul3A_2 : i32
    %multiple_of3A = tpu.assume_multiple %add3A, 8 : i32
    %mul3A_3 = arith.constant 625 : i32
    %mul3A_4 = arith.muli %arg1, %mul3A_3 : i32
    %multiple_of3A_5 = tpu.assume_multiple %mul3A_4, 8 : i32
    %mul3A_6 = arith.constant 16 : i32
    %mul3A_7 = arith.muli %arg0, %mul3A_6 : i32
    %add3A_8 = arith.addi %mul3A_7, %arg1 : i32
    "tpu.region"() ({
      %run_scoped3A = tpu.sem_alloc : memref<!tpu.dma_semaphore, #tpu.memory_space<semaphore_mem>>
      %dma_start3A_63 = arith.constant 0 : i32
      %dma_start3A_64 = arith.constant 0 : i32
      %dma_start3A_65 = tpu.memref_slice %arg3[%add3A_8, %dma_start3A_63, %dma_start3A_64] : memref<32x315x32xi32, #tpu.memory_space<hbm>> -> memref<1x315x32xi32, #tpu.memory_space<hbm>>
      %dma_start3A_66 = tpu.memref_squeeze %dma_start3A_65 : memref<1x315x32xi32, #tpu.memory_space<hbm>> -> memref<315x32xi32, #tpu.memory_space<hbm>>
      %dma_start3A_67 = arith.constant 0 : i32
      %dma_start3A_68 = arith.constant 0 : i32
      %dma_start3A_69 = tpu.memref_slice %arg3[%add3A_8, %dma_start3A_67, %dma_start3A_68] : memref<32x315x32xi32, #tpu.memory_space<hbm>> -> memref<1x315x32xi32, #tpu.memory_space<hbm>>
      %dma_start3A_70 = tpu.memref_squeeze %dma_start3A_69 : memref<1x315x32xi32, #tpu.memory_space<hbm>> -> memref<315x32xi32, #tpu.memory_space<hbm>>
      tpu.enqueue_dma source(%dma_start3A_70 : memref<315x32xi32, #tpu.memory_space<hbm>>) target(%arg7 : memref<315x32xi32, #tpu.memory_space<vmem>>) target_semaphore(%run_scoped3A : memref<!tpu.dma_semaphore, #tpu.memory_space<semaphore_mem>>)
      %dma_wait3A = arith.constant 0 : i32
      %dma_wait3A_71 = arith.constant 0 : i32
      %dma_wait3A_72 = tpu.memref_slice %arg3[%add3A_8, %dma_wait3A, %dma_wait3A_71] : memref<32x315x32xi32, #tpu.memory_space<hbm>> -> memref<1x315x32xi32, #tpu.memory_space<hbm>>
      %dma_wait3A_73 = tpu.memref_squeeze %dma_wait3A_72 : memref<1x315x32xi32, #tpu.memory_space<hbm>> -> memref<315x32xi32, #tpu.memory_space<hbm>>
      %dma_wait3A_74 = arith.constant 0 : i32
      %dma_wait3A_75 = arith.constant 0 : i32
      %dma_wait3A_76 = tpu.memref_slice %arg3[%add3A_8, %dma_wait3A_74, %dma_wait3A_75] : memref<32x315x32xi32, #tpu.memory_space<hbm>> -> memref<1x315x32xi32, #tpu.memory_space<hbm>>
      %dma_wait3A_77 = tpu.memref_squeeze %dma_wait3A_76 : memref<1x315x32xi32, #tpu.memory_space<hbm>> -> memref<315x32xi32, #tpu.memory_space<hbm>>
      tpu.wait_dma2 semaphore(%run_scoped3A : memref<!tpu.dma_semaphore, #tpu.memory_space<semaphore_mem>>) src(%dma_wait3A_77 : memref<315x32xi32, #tpu.memory_space<hbm>>) dst(%arg7 : memref<315x32xi32, #tpu.memory_space<vmem>>)
      tpu.yield
    }) : () -> ()
    "tpu.region"() ({
      %run_scoped3A = tpu.sem_alloc : memref<!tpu.dma_semaphore, #tpu.memory_space<semaphore_mem>>
      %dma_start3A_63 = arith.constant 0 : i32
      %dma_start3A_64 = arith.constant 0 : i32
      %dma_start3A_65 = tpu.memref_slice %arg4[%arg1, %dma_start3A_63, %dma_start3A_64] : memref<16x315x32xi32, #tpu.memory_space<hbm>> -> memref<1x315x32xi32, #tpu.memory_space<hbm>>
      %dma_start3A_66 = tpu.memref_squeeze %dma_start3A_65 : memref<1x315x32xi32, #tpu.memory_space<hbm>> -> memref<315x32xi32, #tpu.memory_space<hbm>>
      %dma_start3A_67 = arith.constant 0 : i32
      %dma_start3A_68 = arith.constant 0 : i32
      %dma_start3A_69 = tpu.memref_slice %arg4[%arg1, %dma_start3A_67, %dma_start3A_68] : memref<16x315x32xi32, #tpu.memory_space<hbm>> -> memref<1x315x32xi32, #tpu.memory_space<hbm>>
      %dma_start3A_70 = tpu.memref_squeeze %dma_start3A_69 : memref<1x315x32xi32, #tpu.memory_space<hbm>> -> memref<315x32xi32, #tpu.memory_space<hbm>>
      tpu.enqueue_dma source(%dma_start3A_70 : memref<315x32xi32, #tpu.memory_space<hbm>>) target(%arg8 : memref<315x32xi32, #tpu.memory_space<vmem>>) target_semaphore(%run_scoped3A : memref<!tpu.dma_semaphore, #tpu.memory_space<semaphore_mem>>)
      %dma_wait3A = arith.constant 0 : i32
      %dma_wait3A_71 = arith.constant 0 : i32
      %dma_wait3A_72 = tpu.memref_slice %arg4[%arg1, %dma_wait3A, %dma_wait3A_71] : memref<16x315x32xi32, #tpu.memory_space<hbm>> -> memref<1x315x32xi32, #tpu.memory_space<hbm>>
      %dma_wait3A_73 = tpu.memref_squeeze %dma_wait3A_72 : memref<1x315x32xi32, #tpu.memory_space<hbm>> -> memref<315x32xi32, #tpu.memory_space<hbm>>
      %dma_wait3A_74 = arith.constant 0 : i32
      %dma_wait3A_75 = arith.constant 0 : i32
      %dma_wait3A_76 = tpu.memref_slice %arg4[%arg1, %dma_wait3A_74, %dma_wait3A_75] : memref<16x315x32xi32, #tpu.memory_space<hbm>> -> memref<1x315x32xi32, #tpu.memory_space<hbm>>
      %dma_wait3A_77 = tpu.memref_squeeze %dma_wait3A_76 : memref<1x315x32xi32, #tpu.memory_space<hbm>> -> memref<315x32xi32, #tpu.memory_space<hbm>>
      tpu.wait_dma2 semaphore(%run_scoped3A : memref<!tpu.dma_semaphore, #tpu.memory_space<semaphore_mem>>) src(%dma_wait3A_77 : memref<315x32xi32, #tpu.memory_space<hbm>>) dst(%arg8 : memref<315x32xi32, #tpu.memory_space<vmem>>)
      tpu.yield
    }) : () -> ()
    "tpu.region"() ({
      %run_scoped3A = tpu.sem_alloc : memref<!tpu.dma_semaphore, #tpu.memory_space<semaphore_mem>>
      %dma_start3A_63 = arith.constant 0 : i32
      %dma_start3A_64 = tpu.memref_slice %arg6[%multiple_of3A_5, %dma_start3A_63] : memref<10008x128xf32, #tpu.memory_space<vmem_shared>> -> memref<625x128xf32, #tpu.memory_space<vmem_shared>>
      %dma_start3A_65 = arith.constant 0 : i32
      %dma_start3A_66 = tpu.memref_slice %arg2[%multiple_of3A, %dma_start3A_65] : memref<20000x128xf32, #tpu.memory_space<hbm>> -> memref<625x128xf32, #tpu.memory_space<hbm>>
      tpu.enqueue_dma source(%dma_start3A_66 : memref<625x128xf32, #tpu.memory_space<hbm>>) target(%dma_start3A_64 : memref<625x128xf32, #tpu.memory_space<vmem_shared>>) target_semaphore(%run_scoped3A : memref<!tpu.dma_semaphore, #tpu.memory_space<semaphore_mem>>)
      %dma_wait3A = arith.constant 0 : i32
      %dma_wait3A_67 = tpu.memref_slice %arg6[%multiple_of3A_5, %dma_wait3A] : memref<10008x128xf32, #tpu.memory_space<vmem_shared>> -> memref<625x128xf32, #tpu.memory_space<vmem_shared>>
      %dma_wait3A_68 = arith.constant 0 : i32
      %dma_wait3A_69 = tpu.memref_slice %arg2[%multiple_of3A, %dma_wait3A_68] : memref<20000x128xf32, #tpu.memory_space<hbm>> -> memref<625x128xf32, #tpu.memory_space<hbm>>
      tpu.wait_dma2 semaphore(%run_scoped3A : memref<!tpu.dma_semaphore, #tpu.memory_space<semaphore_mem>>) src(%dma_wait3A_69 : memref<625x128xf32, #tpu.memory_space<hbm>>) dst(%dma_wait3A_67 : memref<625x128xf32, #tpu.memory_space<vmem_shared>>)
      tpu.yield
    }) : () -> ()
    %barrier3A = arith.constant 0 : index
    tpu.barrier barrier_id(%barrier3A)
    %dma_start3A = arith.constant 0 : i32
    %dma_start3A_9 = arith.constant 0 : i32
    %dma_start3A_10 = tpu.memref_slice %arg7[%dma_start3A, %dma_start3A_9] : memref<315x32xi32, #tpu.memory_space<vmem>> -> memref<1x32xi32, #tpu.memory_space<vmem>>
    %dma_start3A_11 = tpu.memref_squeeze %dma_start3A_10 : memref<1x32xi32, #tpu.memory_space<vmem>> -> memref<32xi32, #tpu.memory_space<vmem>>
    %dma_start3A_12 = arith.constant 0 : i32
    %dma_start3A_13 = arith.constant 0 : i32
    %dma_start3A_14 = tpu.memref_slice %arg2[%dma_start3A_12, %dma_start3A_13] : memref<20000x128xf32, #tpu.memory_space<hbm>> -> memref<20000x128xf32, #tpu.memory_space<hbm>>
    tpu.enqueue_indirect_dma source(%dma_start3A_14 : memref<20000x128xf32, #tpu.memory_space<hbm>>) target(%arg9 : memref<32x128xf32, #tpu.memory_space<vmem>>) offsets(%dma_start3A_11 : memref<32xi32, #tpu.memory_space<vmem>>) semaphore(%arg16 : memref<!tpu.dma_semaphore, #tpu.memory_space<semaphore_mem>>)
    %dma_start3A_15 = arith.constant 1 : i32
    %dma_start3A_16 = arith.constant 0 : i32
    %dma_start3A_17 = tpu.memref_slice %arg7[%dma_start3A_15, %dma_start3A_16] : memref<315x32xi32, #tpu.memory_space<vmem>> -> memref<1x32xi32, #tpu.memory_space<vmem>>
    %dma_start3A_18 = tpu.memref_squeeze %dma_start3A_17 : memref<1x32xi32, #tpu.memory_space<vmem>> -> memref<32xi32, #tpu.memory_space<vmem>>
    %dma_start3A_19 = arith.constant 0 : i32
    %dma_start3A_20 = arith.constant 0 : i32
    %dma_start3A_21 = tpu.memref_slice %arg2[%dma_start3A_19, %dma_start3A_20] : memref<20000x128xf32, #tpu.memory_space<hbm>> -> memref<20000x128xf32, #tpu.memory_space<hbm>>
    tpu.enqueue_indirect_dma source(%dma_start3A_21 : memref<20000x128xf32, #tpu.memory_space<hbm>>) target(%arg10 : memref<32x128xf32, #tpu.memory_space<vmem>>) offsets(%dma_start3A_18 : memref<32xi32, #tpu.memory_space<vmem>>) semaphore(%arg17 : memref<!tpu.dma_semaphore, #tpu.memory_space<semaphore_mem>>)
    %dma_start3A_22 = arith.constant 2 : i32
    %dma_start3A_23 = arith.constant 0 : i32
    %dma_start3A_24 = tpu.memref_slice %arg7[%dma_start3A_22, %dma_start3A_23] : memref<315x32xi32, #tpu.memory_space<vmem>> -> memref<1x32xi32, #tpu.memory_space<vmem>>
    %dma_start3A_25 = tpu.memref_squeeze %dma_start3A_24 : memref<1x32xi32, #tpu.memory_space<vmem>> -> memref<32xi32, #tpu.memory_space<vmem>>
    %dma_start3A_26 = arith.constant 0 : i32
    %dma_start3A_27 = arith.constant 0 : i32
    %dma_start3A_28 = tpu.memref_slice %arg2[%dma_start3A_26, %dma_start3A_27] : memref<20000x128xf32, #tpu.memory_space<hbm>> -> memref<20000x128xf32, #tpu.memory_space<hbm>>
    tpu.enqueue_indirect_dma source(%dma_start3A_28 : memref<20000x128xf32, #tpu.memory_space<hbm>>) target(%arg11 : memref<32x128xf32, #tpu.memory_space<vmem>>) offsets(%dma_start3A_25 : memref<32xi32, #tpu.memory_space<vmem>>) semaphore(%arg18 : memref<!tpu.dma_semaphore, #tpu.memory_space<semaphore_mem>>)
    %dma_start3A_29 = arith.constant 3 : i32
    %dma_start3A_30 = arith.constant 0 : i32
    %dma_start3A_31 = tpu.memref_slice %arg7[%dma_start3A_29, %dma_start3A_30] : memref<315x32xi32, #tpu.memory_space<vmem>> -> memref<1x32xi32, #tpu.memory_space<vmem>>
    %dma_start3A_32 = tpu.memref_squeeze %dma_start3A_31 : memref<1x32xi32, #tpu.memory_space<vmem>> -> memref<32xi32, #tpu.memory_space<vmem>>
    %dma_start3A_33 = arith.constant 0 : i32
    %dma_start3A_34 = arith.constant 0 : i32
    %dma_start3A_35 = tpu.memref_slice %arg2[%dma_start3A_33, %dma_start3A_34] : memref<20000x128xf32, #tpu.memory_space<hbm>> -> memref<20000x128xf32, #tpu.memory_space<hbm>>
    tpu.enqueue_indirect_dma source(%dma_start3A_35 : memref<20000x128xf32, #tpu.memory_space<hbm>>) target(%arg12 : memref<32x128xf32, #tpu.memory_space<vmem>>) offsets(%dma_start3A_32 : memref<32xi32, #tpu.memory_space<vmem>>) semaphore(%arg19 : memref<!tpu.dma_semaphore, #tpu.memory_space<semaphore_mem>>)
    %dma_start3A_36 = arith.constant 4 : i32
    %dma_start3A_37 = arith.constant 0 : i32
    %dma_start3A_38 = tpu.memref_slice %arg7[%dma_start3A_36, %dma_start3A_37] : memref<315x32xi32, #tpu.memory_space<vmem>> -> memref<1x32xi32, #tpu.memory_space<vmem>>
    %dma_start3A_39 = tpu.memref_squeeze %dma_start3A_38 : memref<1x32xi32, #tpu.memory_space<vmem>> -> memref<32xi32, #tpu.memory_space<vmem>>
    %dma_start3A_40 = arith.constant 0 : i32
    %dma_start3A_41 = arith.constant 0 : i32
    %dma_start3A_42 = tpu.memref_slice %arg2[%dma_start3A_40, %dma_start3A_41] : memref<20000x128xf32, #tpu.memory_space<hbm>> -> memref<20000x128xf32, #tpu.memory_space<hbm>>
    tpu.enqueue_indirect_dma source(%dma_start3A_42 : memref<20000x128xf32, #tpu.memory_space<hbm>>) target(%arg13 : memref<32x128xf32, #tpu.memory_space<vmem>>) offsets(%dma_start3A_39 : memref<32xi32, #tpu.memory_space<vmem>>) semaphore(%arg20 : memref<!tpu.dma_semaphore, #tpu.memory_space<semaphore_mem>>)
    %dma_start3A_43 = arith.constant 5 : i32
    %dma_start3A_44 = arith.constant 0 : i32
    %dma_start3A_45 = tpu.memref_slice %arg7[%dma_start3A_43, %dma_start3A_44] : memref<315x32xi32, #tpu.memory_space<vmem>> -> memref<1x32xi32, #tpu.memory_space<vmem>>
    %dma_start3A_46 = tpu.memref_squeeze %dma_start3A_45 : memref<1x32xi32, #tpu.memory_space<vmem>> -> memref<32xi32, #tpu.memory_space<vmem>>
    %dma_start3A_47 = arith.constant 0 : i32
    %dma_start3A_48 = arith.constant 0 : i32
    %dma_start3A_49 = tpu.memref_slice %arg2[%dma_start3A_47, %dma_start3A_48] : memref<20000x128xf32, #tpu.memory_space<hbm>> -> memref<20000x128xf32, #tpu.memory_space<hbm>>
    tpu.enqueue_indirect_dma source(%dma_start3A_49 : memref<20000x128xf32, #tpu.memory_space<hbm>>) target(%arg14 : memref<32x128xf32, #tpu.memory_space<vmem>>) offsets(%dma_start3A_46 : memref<32xi32, #tpu.memory_space<vmem>>) semaphore(%arg21 : memref<!tpu.dma_semaphore, #tpu.memory_space<semaphore_mem>>)
    %dma_start3A_50 = arith.constant 6 : i32
    %dma_start3A_51 = arith.constant 0 : i32
    %dma_start3A_52 = tpu.memref_slice %arg7[%dma_start3A_50, %dma_start3A_51] : memref<315x32xi32, #tpu.memory_space<vmem>> -> memref<1x32xi32, #tpu.memory_space<vmem>>
    %dma_start3A_53 = tpu.memref_squeeze %dma_start3A_52 : memref<1x32xi32, #tpu.memory_space<vmem>> -> memref<32xi32, #tpu.memory_space<vmem>>
    %dma_start3A_54 = arith.constant 0 : i32
    %dma_start3A_55 = arith.constant 0 : i32
    %dma_start3A_56 = tpu.memref_slice %arg2[%dma_start3A_54, %dma_start3A_55] : memref<20000x128xf32, #tpu.memory_space<hbm>> -> memref<20000x128xf32, #tpu.memory_space<hbm>>
    tpu.enqueue_indirect_dma source(%dma_start3A_56 : memref<20000x128xf32, #tpu.memory_space<hbm>>) target(%arg15 : memref<32x128xf32, #tpu.memory_space<vmem>>) offsets(%dma_start3A_53 : memref<32xi32, #tpu.memory_space<vmem>>) semaphore(%arg22 : memref<!tpu.dma_semaphore, #tpu.memory_space<semaphore_mem>>)
    %scan3A = arith.constant 0 : i32
    %scan3A_57 = arith.constant 0 : i32
    %scan3A_58 = arith.constant 45 : i32
    %scan3A_59 = arith.addi %scan3A_57, %scan3A_58 : i32
    %scan3A_60 = arith.constant 1 : i32
    scf.for %scan3A_63 = %scan3A_57 to %scan3A_59 step %scan3A_60  : i32 {
      %mul3A_64 = arith.constant 7 : i32
      %mul3A_65 = arith.muli %scan3A_63, %mul3A_64 : i32
      %dma_wait3A = arith.constant 0 : i32
      %dma_wait3A_66 = tpu.memref_slice %arg7[%mul3A_65, %dma_wait3A] : memref<315x32xi32, #tpu.memory_space<vmem>> -> memref<1x32xi32, #tpu.memory_space<vmem>>
      %dma_wait3A_67 = tpu.memref_squeeze %dma_wait3A_66 : memref<1x32xi32, #tpu.memory_space<vmem>> -> memref<32xi32, #tpu.memory_space<vmem>>
      %dma_wait3A_68 = arith.constant 0 : i32
      %dma_wait3A_69 = arith.constant 0 : i32
      %dma_wait3A_70 = tpu.memref_slice %arg2[%dma_wait3A_68, %dma_wait3A_69] : memref<20000x128xf32, #tpu.memory_space<hbm>> -> memref<20000x128xf32, #tpu.memory_space<hbm>>
      tpu.wait_indirect_dma semaphore(%arg16 : memref<!tpu.dma_semaphore, #tpu.memory_space<semaphore_mem>>) src(%dma_wait3A_70 : memref<20000x128xf32, #tpu.memory_space<hbm>>) dst(%arg9 : memref<32x128xf32, #tpu.memory_space<vmem>>)
      %dma_start3A_71 = arith.constant 0 : i32
      %dma_start3A_72 = tpu.memref_slice %arg8[%mul3A_65, %dma_start3A_71] : memref<315x32xi32, #tpu.memory_space<vmem>> -> memref<1x32xi32, #tpu.memory_space<vmem>>
      %dma_start3A_73 = tpu.memref_squeeze %dma_start3A_72 : memref<1x32xi32, #tpu.memory_space<vmem>> -> memref<32xi32, #tpu.memory_space<vmem>>
      %dma_start3A_74 = arith.constant 0 : i32
      %dma_start3A_75 = arith.constant 0 : i32
      %dma_start3A_76 = tpu.memref_slice %arg6[%dma_start3A_74, %dma_start3A_75] : memref<10008x128xf32, #tpu.memory_space<vmem_shared>> -> memref<10008x128xf32, #tpu.memory_space<vmem_shared>>
      tpu.enqueue_indirect_dma source(%arg9 : memref<32x128xf32, #tpu.memory_space<vmem>>) target(%dma_start3A_76 : memref<10008x128xf32, #tpu.memory_space<vmem_shared>>) offsets(%dma_start3A_73 : memref<32xi32, #tpu.memory_space<vmem>>) semaphore(%arg23 : memref<!tpu.dma_semaphore, #tpu.memory_space<semaphore_mem>>) {add = true}
      %add3A_77 = arith.constant 1 : i32
      %add3A_78 = arith.addi %mul3A_65, %add3A_77 : i32
      %dma_wait3A_79 = arith.constant 0 : i32
      %dma_wait3A_80 = tpu.memref_slice %arg7[%add3A_78, %dma_wait3A_79] : memref<315x32xi32, #tpu.memory_space<vmem>> -> memref<1x32xi32, #tpu.memory_space<vmem>>
      %dma_wait3A_81 = tpu.memref_squeeze %dma_wait3A_80 : memref<1x32xi32, #tpu.memory_space<vmem>> -> memref<32xi32, #tpu.memory_space<vmem>>
      %dma_wait3A_82 = arith.constant 0 : i32
      %dma_wait3A_83 = arith.constant 0 : i32
      %dma_wait3A_84 = tpu.memref_slice %arg2[%dma_wait3A_82, %dma_wait3A_83] : memref<20000x128xf32, #tpu.memory_space<hbm>> -> memref<20000x128xf32, #tpu.memory_space<hbm>>
      tpu.wait_indirect_dma semaphore(%arg17 : memref<!tpu.dma_semaphore, #tpu.memory_space<semaphore_mem>>) src(%dma_wait3A_84 : memref<20000x128xf32, #tpu.memory_space<hbm>>) dst(%arg10 : memref<32x128xf32, #tpu.memory_space<vmem>>)
      %dma_start3A_85 = arith.constant 0 : i32
      %dma_start3A_86 = tpu.memref_slice %arg8[%add3A_78, %dma_start3A_85] : memref<315x32xi32, #tpu.memory_space<vmem>> -> memref<1x32xi32, #tpu.memory_space<vmem>>
      %dma_start3A_87 = tpu.memref_squeeze %dma_start3A_86 : memref<1x32xi32, #tpu.memory_space<vmem>> -> memref<32xi32, #tpu.memory_space<vmem>>
      %dma_start3A_88 = arith.constant 0 : i32
      %dma_start3A_89 = arith.constant 0 : i32
      %dma_start3A_90 = tpu.memref_slice %arg6[%dma_start3A_88, %dma_start3A_89] : memref<10008x128xf32, #tpu.memory_space<vmem_shared>> -> memref<10008x128xf32, #tpu.memory_space<vmem_shared>>
      tpu.enqueue_indirect_dma source(%arg10 : memref<32x128xf32, #tpu.memory_space<vmem>>) target(%dma_start3A_90 : memref<10008x128xf32, #tpu.memory_space<vmem_shared>>) offsets(%dma_start3A_87 : memref<32xi32, #tpu.memory_space<vmem>>) semaphore(%arg24 : memref<!tpu.dma_semaphore, #tpu.memory_space<semaphore_mem>>) {add = true}
      %add3A_91 = arith.constant 2 : i32
      %add3A_92 = arith.addi %mul3A_65, %add3A_91 : i32
      %sub3A = arith.constant 2 : i32
      %sub3A_93 = arith.subi %add3A_92, %sub3A : i32
      %dma_wait3A_94 = arith.constant 0 : i32
      %dma_wait3A_95 = tpu.memref_slice %arg8[%sub3A_93, %dma_wait3A_94] : memref<315x32xi32, #tpu.memory_space<vmem>> -> memref<1x32xi32, #tpu.memory_space<vmem>>
      %dma_wait3A_96 = tpu.memref_squeeze %dma_wait3A_95 : memref<1x32xi32, #tpu.memory_space<vmem>> -> memref<32xi32, #tpu.memory_space<vmem>>
      %dma_wait3A_97 = arith.constant 0 : i32
      %dma_wait3A_98 = arith.constant 0 : i32
      %dma_wait3A_99 = tpu.memref_slice %arg6[%dma_wait3A_97, %dma_wait3A_98] : memref<10008x128xf32, #tpu.memory_space<vmem_shared>> -> memref<10008x128xf32, #tpu.memory_space<vmem_shared>>
      tpu.wait_indirect_dma semaphore(%arg23 : memref<!tpu.dma_semaphore, #tpu.memory_space<semaphore_mem>>) src(%arg9 : memref<32x128xf32, #tpu.memory_space<vmem>>) dst(%dma_wait3A_99 : memref<10008x128xf32, #tpu.memory_space<vmem_shared>>)
      %add3A_100 = arith.constant 7 : i32
      %add3A_101 = arith.addi %sub3A_93, %add3A_100 : i32
      %lt3A = arith.constant 315 : i32
      %lt3A_102 = arith.cmpi slt, %add3A_101, %lt3A : i32
      %convert_element_type3A = arith.extui %lt3A_102 : i1 to i32
      %cond3A = arith.constant 0 : i32
      %cond3A_103 = arith.cmpi ne, %convert_element_type3A, %cond3A : i32
      scf.if %cond3A_103 {
        %add3A_276 = arith.constant 7 : i32
        %add3A_277 = arith.addi %sub3A_93, %add3A_276 : i32
        %dma_start3A_278 = arith.constant 0 : i32
        %dma_start3A_279 = tpu.memref_slice %arg7[%add3A_277, %dma_start3A_278] : memref<315x32xi32, #tpu.memory_space<vmem>> -> memref<1x32xi32, #tpu.memory_space<vmem>>
        %dma_start3A_280 = tpu.memref_squeeze %dma_start3A_279 : memref<1x32xi32, #tpu.memory_space<vmem>> -> memref<32xi32, #tpu.memory_space<vmem>>
        %dma_start3A_281 = arith.constant 0 : i32
        %dma_start3A_282 = arith.constant 0 : i32
        %dma_start3A_283 = tpu.memref_slice %arg2[%dma_start3A_281, %dma_start3A_282] : memref<20000x128xf32, #tpu.memory_space<hbm>> -> memref<20000x128xf32, #tpu.memory_space<hbm>>
        tpu.enqueue_indirect_dma source(%dma_start3A_283 : memref<20000x128xf32, #tpu.memory_space<hbm>>) target(%arg9 : memref<32x128xf32, #tpu.memory_space<vmem>>) offsets(%dma_start3A_280 : memref<32xi32, #tpu.memory_space<vmem>>) semaphore(%arg16 : memref<!tpu.dma_semaphore, #tpu.memory_space<semaphore_mem>>)
      } else {
      }
      %add3A_104 = arith.constant 2 : i32
      %add3A_105 = arith.addi %mul3A_65, %add3A_104 : i32
      %dma_wait3A_106 = arith.constant 0 : i32
      %dma_wait3A_107 = tpu.memref_slice %arg7[%add3A_105, %dma_wait3A_106] : memref<315x32xi32, #tpu.memory_space<vmem>> -> memref<1x32xi32, #tpu.memory_space<vmem>>
      %dma_wait3A_108 = tpu.memref_squeeze %dma_wait3A_107 : memref<1x32xi32, #tpu.memory_space<vmem>> -> memref<32xi32, #tpu.memory_space<vmem>>
      %dma_wait3A_109 = arith.constant 0 : i32
      %dma_wait3A_110 = arith.constant 0 : i32
      %dma_wait3A_111 = tpu.memref_slice %arg2[%dma_wait3A_109, %dma_wait3A_110] : memref<20000x128xf32, #tpu.memory_space<hbm>> -> memref<20000x128xf32, #tpu.memory_space<hbm>>
      tpu.wait_indirect_dma semaphore(%arg18 : memref<!tpu.dma_semaphore, #tpu.memory_space<semaphore_mem>>) src(%dma_wait3A_111 : memref<20000x128xf32, #tpu.memory_space<hbm>>) dst(%arg11 : memref<32x128xf32, #tpu.memory_space<vmem>>)
      %dma_start3A_112 = arith.constant 0 : i32
      %dma_start3A_113 = tpu.memref_slice %arg8[%add3A_105, %dma_start3A_112] : memref<315x32xi32, #tpu.memory_space<vmem>> -> memref<1x32xi32, #tpu.memory_space<vmem>>
      %dma_start3A_114 = tpu.memref_squeeze %dma_start3A_113 : memref<1x32xi32, #tpu.memory_space<vmem>> -> memref<32xi32, #tpu.memory_space<vmem>>
      %dma_start3A_115 = arith.constant 0 : i32
      %dma_start3A_116 = arith.constant 0 : i32
      %dma_start3A_117 = tpu.memref_slice %arg6[%dma_start3A_115, %dma_start3A_116] : memref<10008x128xf32, #tpu.memory_space<vmem_shared>> -> memref<10008x128xf32, #tpu.memory_space<vmem_shared>>
      tpu.enqueue_indirect_dma source(%arg11 : memref<32x128xf32, #tpu.memory_space<vmem>>) target(%dma_start3A_117 : memref<10008x128xf32, #tpu.memory_space<vmem_shared>>) offsets(%dma_start3A_114 : memref<32xi32, #tpu.memory_space<vmem>>) semaphore(%arg25 : memref<!tpu.dma_semaphore, #tpu.memory_space<semaphore_mem>>) {add = true}
      %add3A_118 = arith.constant 3 : i32
      %add3A_119 = arith.addi %mul3A_65, %add3A_118 : i32
      %sub3A_120 = arith.constant 2 : i32
      %sub3A_121 = arith.subi %add3A_119, %sub3A_120 : i32
      %dma_wait3A_122 = arith.constant 0 : i32
      %dma_wait3A_123 = tpu.memref_slice %arg8[%sub3A_121, %dma_wait3A_122] : memref<315x32xi32, #tpu.memory_space<vmem>> -> memref<1x32xi32, #tpu.memory_space<vmem>>
      %dma_wait3A_124 = tpu.memref_squeeze %dma_wait3A_123 : memref<1x32xi32, #tpu.memory_space<vmem>> -> memref<32xi32, #tpu.memory_space<vmem>>
      %dma_wait3A_125 = arith.constant 0 : i32
      %dma_wait3A_126 = arith.constant 0 : i32
      %dma_wait3A_127 = tpu.memref_slice %arg6[%dma_wait3A_125, %dma_wait3A_126] : memref<10008x128xf32, #tpu.memory_space<vmem_shared>> -> memref<10008x128xf32, #tpu.memory_space<vmem_shared>>
      tpu.wait_indirect_dma semaphore(%arg24 : memref<!tpu.dma_semaphore, #tpu.memory_space<semaphore_mem>>) src(%arg10 : memref<32x128xf32, #tpu.memory_space<vmem>>) dst(%dma_wait3A_127 : memref<10008x128xf32, #tpu.memory_space<vmem_shared>>)
      %add3A_128 = arith.constant 7 : i32
      %add3A_129 = arith.addi %sub3A_121, %add3A_128 : i32
      %lt3A_130 = arith.constant 315 : i32
      %lt3A_131 = arith.cmpi slt, %add3A_129, %lt3A_130 : i32
      %convert_element_type3A_132 = arith.extui %lt3A_131 : i1 to i32
      %cond3A_133 = arith.constant 0 : i32
      %cond3A_134 = arith.cmpi ne, %convert_element_type3A_132, %cond3A_133 : i32
      scf.if %cond3A_134 {
        %add3A_276 = arith.constant 7 : i32
        %add3A_277 = arith.addi %sub3A_121, %add3A_276 : i32
        %dma_start3A_278 = arith.constant 0 : i32
        %dma_start3A_279 = tpu.memref_slice %arg7[%add3A_277, %dma_start3A_278] : memref<315x32xi32, #tpu.memory_space<vmem>> -> memref<1x32xi32, #tpu.memory_space<vmem>>
        %dma_start3A_280 = tpu.memref_squeeze %dma_start3A_279 : memref<1x32xi32, #tpu.memory_space<vmem>> -> memref<32xi32, #tpu.memory_space<vmem>>
        %dma_start3A_281 = arith.constant 0 : i32
        %dma_start3A_282 = arith.constant 0 : i32
        %dma_start3A_283 = tpu.memref_slice %arg2[%dma_start3A_281, %dma_start3A_282] : memref<20000x128xf32, #tpu.memory_space<hbm>> -> memref<20000x128xf32, #tpu.memory_space<hbm>>
        tpu.enqueue_indirect_dma source(%dma_start3A_283 : memref<20000x128xf32, #tpu.memory_space<hbm>>) target(%arg10 : memref<32x128xf32, #tpu.memory_space<vmem>>) offsets(%dma_start3A_280 : memref<32xi32, #tpu.memory_space<vmem>>) semaphore(%arg17 : memref<!tpu.dma_semaphore, #tpu.memory_space<semaphore_mem>>)
      } else {
      }
      %add3A_135 = arith.constant 3 : i32
      %add3A_136 = arith.addi %mul3A_65, %add3A_135 : i32
      %dma_wait3A_137 = arith.constant 0 : i32
      %dma_wait3A_138 = tpu.memref_slice %arg7[%add3A_136, %dma_wait3A_137] : memref<315x32xi32, #tpu.memory_space<vmem>> -> memref<1x32xi32, #tpu.memory_space<vmem>>
      %dma_wait3A_139 = tpu.memref_squeeze %dma_wait3A_138 : memref<1x32xi32, #tpu.memory_space<vmem>> -> memref<32xi32, #tpu.memory_space<vmem>>
      %dma_wait3A_140 = arith.constant 0 : i32
      %dma_wait3A_141 = arith.constant 0 : i32
      %dma_wait3A_142 = tpu.memref_slice %arg2[%dma_wait3A_140, %dma_wait3A_141] : memref<20000x128xf32, #tpu.memory_space<hbm>> -> memref<20000x128xf32, #tpu.memory_space<hbm>>
      tpu.wait_indirect_dma semaphore(%arg19 : memref<!tpu.dma_semaphore, #tpu.memory_space<semaphore_mem>>) src(%dma_wait3A_142 : memref<20000x128xf32, #tpu.memory_space<hbm>>) dst(%arg12 : memref<32x128xf32, #tpu.memory_space<vmem>>)
      %dma_start3A_143 = arith.constant 0 : i32
      %dma_start3A_144 = tpu.memref_slice %arg8[%add3A_136, %dma_start3A_143] : memref<315x32xi32, #tpu.memory_space<vmem>> -> memref<1x32xi32, #tpu.memory_space<vmem>>
      %dma_start3A_145 = tpu.memref_squeeze %dma_start3A_144 : memref<1x32xi32, #tpu.memory_space<vmem>> -> memref<32xi32, #tpu.memory_space<vmem>>
      %dma_start3A_146 = arith.constant 0 : i32
      %dma_start3A_147 = arith.constant 0 : i32
      %dma_start3A_148 = tpu.memref_slice %arg6[%dma_start3A_146, %dma_start3A_147] : memref<10008x128xf32, #tpu.memory_space<vmem_shared>> -> memref<10008x128xf32, #tpu.memory_space<vmem_shared>>
      tpu.enqueue_indirect_dma source(%arg12 : memref<32x128xf32, #tpu.memory_space<vmem>>) target(%dma_start3A_148 : memref<10008x128xf32, #tpu.memory_space<vmem_shared>>) offsets(%dma_start3A_145 : memref<32xi32, #tpu.memory_space<vmem>>) semaphore(%arg26 : memref<!tpu.dma_semaphore, #tpu.memory_space<semaphore_mem>>) {add = true}
      %add3A_149 = arith.constant 4 : i32
      %add3A_150 = arith.addi %mul3A_65, %add3A_149 : i32
      %sub3A_151 = arith.constant 2 : i32
      %sub3A_152 = arith.subi %add3A_150, %sub3A_151 : i32
      %dma_wait3A_153 = arith.constant 0 : i32
      %dma_wait3A_154 = tpu.memref_slice %arg8[%sub3A_152, %dma_wait3A_153] : memref<315x32xi32, #tpu.memory_space<vmem>> -> memref<1x32xi32, #tpu.memory_space<vmem>>
      %dma_wait3A_155 = tpu.memref_squeeze %dma_wait3A_154 : memref<1x32xi32, #tpu.memory_space<vmem>> -> memref<32xi32, #tpu.memory_space<vmem>>
      %dma_wait3A_156 = arith.constant 0 : i32
      %dma_wait3A_157 = arith.constant 0 : i32
      %dma_wait3A_158 = tpu.memref_slice %arg6[%dma_wait3A_156, %dma_wait3A_157] : memref<10008x128xf32, #tpu.memory_space<vmem_shared>> -> memref<10008x128xf32, #tpu.memory_space<vmem_shared>>
      tpu.wait_indirect_dma semaphore(%arg25 : memref<!tpu.dma_semaphore, #tpu.memory_space<semaphore_mem>>) src(%arg11 : memref<32x128xf32, #tpu.memory_space<vmem>>) dst(%dma_wait3A_158 : memref<10008x128xf32, #tpu.memory_space<vmem_shared>>)
      %add3A_159 = arith.constant 7 : i32
      %add3A_160 = arith.addi %sub3A_152, %add3A_159 : i32
      %lt3A_161 = arith.constant 315 : i32
      %lt3A_162 = arith.cmpi slt, %add3A_160, %lt3A_161 : i32
      %convert_element_type3A_163 = arith.extui %lt3A_162 : i1 to i32
      %cond3A_164 = arith.constant 0 : i32
      %cond3A_165 = arith.cmpi ne, %convert_element_type3A_163, %cond3A_164 : i32
      scf.if %cond3A_165 {
        %add3A_276 = arith.constant 7 : i32
        %add3A_277 = arith.addi %sub3A_152, %add3A_276 : i32
        %dma_start3A_278 = arith.constant 0 : i32
        %dma_start3A_279 = tpu.memref_slice %arg7[%add3A_277, %dma_start3A_278] : memref<315x32xi32, #tpu.memory_space<vmem>> -> memref<1x32xi32, #tpu.memory_space<vmem>>
        %dma_start3A_280 = tpu.memref_squeeze %dma_start3A_279 : memref<1x32xi32, #tpu.memory_space<vmem>> -> memref<32xi32, #tpu.memory_space<vmem>>
        %dma_start3A_281 = arith.constant 0 : i32
        %dma_start3A_282 = arith.constant 0 : i32
        %dma_start3A_283 = tpu.memref_slice %arg2[%dma_start3A_281, %dma_start3A_282] : memref<20000x128xf32, #tpu.memory_space<hbm>> -> memref<20000x128xf32, #tpu.memory_space<hbm>>
        tpu.enqueue_indirect_dma source(%dma_start3A_283 : memref<20000x128xf32, #tpu.memory_space<hbm>>) target(%arg11 : memref<32x128xf32, #tpu.memory_space<vmem>>) offsets(%dma_start3A_280 : memref<32xi32, #tpu.memory_space<vmem>>) semaphore(%arg18 : memref<!tpu.dma_semaphore, #tpu.memory_space<semaphore_mem>>)
      } else {
      }
      %add3A_166 = arith.constant 4 : i32
      %add3A_167 = arith.addi %mul3A_65, %add3A_166 : i32
      %dma_wait3A_168 = arith.constant 0 : i32
      %dma_wait3A_169 = tpu.memref_slice %arg7[%add3A_167, %dma_wait3A_168] : memref<315x32xi32, #tpu.memory_space<vmem>> -> memref<1x32xi32, #tpu.memory_space<vmem>>
      %dma_wait3A_170 = tpu.memref_squeeze %dma_wait3A_169 : memref<1x32xi32, #tpu.memory_space<vmem>> -> memref<32xi32, #tpu.memory_space<vmem>>
      %dma_wait3A_171 = arith.constant 0 : i32
      %dma_wait3A_172 = arith.constant 0 : i32
      %dma_wait3A_173 = tpu.memref_slice %arg2[%dma_wait3A_171, %dma_wait3A_172] : memref<20000x128xf32, #tpu.memory_space<hbm>> -> memref<20000x128xf32, #tpu.memory_space<hbm>>
      tpu.wait_indirect_dma semaphore(%arg20 : memref<!tpu.dma_semaphore, #tpu.memory_space<semaphore_mem>>) src(%dma_wait3A_173 : memref<20000x128xf32, #tpu.memory_space<hbm>>) dst(%arg13 : memref<32x128xf32, #tpu.memory_space<vmem>>)
      %dma_start3A_174 = arith.constant 0 : i32
      %dma_start3A_175 = tpu.memref_slice %arg8[%add3A_167, %dma_start3A_174] : memref<315x32xi32, #tpu.memory_space<vmem>> -> memref<1x32xi32, #tpu.memory_space<vmem>>
      %dma_start3A_176 = tpu.memref_squeeze %dma_start3A_175 : memref<1x32xi32, #tpu.memory_space<vmem>> -> memref<32xi32, #tpu.memory_space<vmem>>
      %dma_start3A_177 = arith.constant 0 : i32
      %dma_start3A_178 = arith.constant 0 : i32
      %dma_start3A_179 = tpu.memref_slice %arg6[%dma_start3A_177, %dma_start3A_178] : memref<10008x128xf32, #tpu.memory_space<vmem_shared>> -> memref<10008x128xf32, #tpu.memory_space<vmem_shared>>
      tpu.enqueue_indirect_dma source(%arg13 : memref<32x128xf32, #tpu.memory_space<vmem>>) target(%dma_start3A_179 : memref<10008x128xf32, #tpu.memory_space<vmem_shared>>) offsets(%dma_start3A_176 : memref<32xi32, #tpu.memory_space<vmem>>) semaphore(%arg27 : memref<!tpu.dma_semaphore, #tpu.memory_space<semaphore_mem>>) {add = true}
      %add3A_180 = arith.constant 5 : i32
      %add3A_181 = arith.addi %mul3A_65, %add3A_180 : i32
      %sub3A_182 = arith.constant 2 : i32
      %sub3A_183 = arith.subi %add3A_181, %sub3A_182 : i32
      %dma_wait3A_184 = arith.constant 0 : i32
      %dma_wait3A_185 = tpu.memref_slice %arg8[%sub3A_183, %dma_wait3A_184] : memref<315x32xi32, #tpu.memory_space<vmem>> -> memref<1x32xi32, #tpu.memory_space<vmem>>
      %dma_wait3A_186 = tpu.memref_squeeze %dma_wait3A_185 : memref<1x32xi32, #tpu.memory_space<vmem>> -> memref<32xi32, #tpu.memory_space<vmem>>
      %dma_wait3A_187 = arith.constant 0 : i32
      %dma_wait3A_188 = arith.constant 0 : i32
      %dma_wait3A_189 = tpu.memref_slice %arg6[%dma_wait3A_187, %dma_wait3A_188] : memref<10008x128xf32, #tpu.memory_space<vmem_shared>> -> memref<10008x128xf32, #tpu.memory_space<vmem_shared>>
      tpu.wait_indirect_dma semaphore(%arg26 : memref<!tpu.dma_semaphore, #tpu.memory_space<semaphore_mem>>) src(%arg12 : memref<32x128xf32, #tpu.memory_space<vmem>>) dst(%dma_wait3A_189 : memref<10008x128xf32, #tpu.memory_space<vmem_shared>>)
      %add3A_190 = arith.constant 7 : i32
      %add3A_191 = arith.addi %sub3A_183, %add3A_190 : i32
      %lt3A_192 = arith.constant 315 : i32
      %lt3A_193 = arith.cmpi slt, %add3A_191, %lt3A_192 : i32
      %convert_element_type3A_194 = arith.extui %lt3A_193 : i1 to i32
      %cond3A_195 = arith.constant 0 : i32
      %cond3A_196 = arith.cmpi ne, %convert_element_type3A_194, %cond3A_195 : i32
      scf.if %cond3A_196 {
        %add3A_276 = arith.constant 7 : i32
        %add3A_277 = arith.addi %sub3A_183, %add3A_276 : i32
        %dma_start3A_278 = arith.constant 0 : i32
        %dma_start3A_279 = tpu.memref_slice %arg7[%add3A_277, %dma_start3A_278] : memref<315x32xi32, #tpu.memory_space<vmem>> -> memref<1x32xi32, #tpu.memory_space<vmem>>
        %dma_start3A_280 = tpu.memref_squeeze %dma_start3A_279 : memref<1x32xi32, #tpu.memory_space<vmem>> -> memref<32xi32, #tpu.memory_space<vmem>>
        %dma_start3A_281 = arith.constant 0 : i32
        %dma_start3A_282 = arith.constant 0 : i32
        %dma_start3A_283 = tpu.memref_slice %arg2[%dma_start3A_281, %dma_start3A_282] : memref<20000x128xf32, #tpu.memory_space<hbm>> -> memref<20000x128xf32, #tpu.memory_space<hbm>>
        tpu.enqueue_indirect_dma source(%dma_start3A_283 : memref<20000x128xf32, #tpu.memory_space<hbm>>) target(%arg12 : memref<32x128xf32, #tpu.memory_space<vmem>>) offsets(%dma_start3A_280 : memref<32xi32, #tpu.memory_space<vmem>>) semaphore(%arg19 : memref<!tpu.dma_semaphore, #tpu.memory_space<semaphore_mem>>)
      } else {
      }
      %add3A_197 = arith.constant 5 : i32
      %add3A_198 = arith.addi %mul3A_65, %add3A_197 : i32
      %dma_wait3A_199 = arith.constant 0 : i32
      %dma_wait3A_200 = tpu.memref_slice %arg7[%add3A_198, %dma_wait3A_199] : memref<315x32xi32, #tpu.memory_space<vmem>> -> memref<1x32xi32, #tpu.memory_space<vmem>>
      %dma_wait3A_201 = tpu.memref_squeeze %dma_wait3A_200 : memref<1x32xi32, #tpu.memory_space<vmem>> -> memref<32xi32, #tpu.memory_space<vmem>>
      %dma_wait3A_202 = arith.constant 0 : i32
      %dma_wait3A_203 = arith.constant 0 : i32
      %dma_wait3A_204 = tpu.memref_slice %arg2[%dma_wait3A_202, %dma_wait3A_203] : memref<20000x128xf32, #tpu.memory_space<hbm>> -> memref<20000x128xf32, #tpu.memory_space<hbm>>
      tpu.wait_indirect_dma semaphore(%arg21 : memref<!tpu.dma_semaphore, #tpu.memory_space<semaphore_mem>>) src(%dma_wait3A_204 : memref<20000x128xf32, #tpu.memory_space<hbm>>) dst(%arg14 : memref<32x128xf32, #tpu.memory_space<vmem>>)
      %dma_start3A_205 = arith.constant 0 : i32
      %dma_start3A_206 = tpu.memref_slice %arg8[%add3A_198, %dma_start3A_205] : memref<315x32xi32, #tpu.memory_space<vmem>> -> memref<1x32xi32, #tpu.memory_space<vmem>>
      %dma_start3A_207 = tpu.memref_squeeze %dma_start3A_206 : memref<1x32xi32, #tpu.memory_space<vmem>> -> memref<32xi32, #tpu.memory_space<vmem>>
      %dma_start3A_208 = arith.constant 0 : i32
      %dma_start3A_209 = arith.constant 0 : i32
      %dma_start3A_210 = tpu.memref_slice %arg6[%dma_start3A_208, %dma_start3A_209] : memref<10008x128xf32, #tpu.memory_space<vmem_shared>> -> memref<10008x128xf32, #tpu.memory_space<vmem_shared>>
      tpu.enqueue_indirect_dma source(%arg14 : memref<32x128xf32, #tpu.memory_space<vmem>>) target(%dma_start3A_210 : memref<10008x128xf32, #tpu.memory_space<vmem_shared>>) offsets(%dma_start3A_207 : memref<32xi32, #tpu.memory_space<vmem>>) semaphore(%arg28 : memref<!tpu.dma_semaphore, #tpu.memory_space<semaphore_mem>>) {add = true}
      %add3A_211 = arith.constant 6 : i32
      %add3A_212 = arith.addi %mul3A_65, %add3A_211 : i32
      %sub3A_213 = arith.constant 2 : i32
      %sub3A_214 = arith.subi %add3A_212, %sub3A_213 : i32
      %dma_wait3A_215 = arith.constant 0 : i32
      %dma_wait3A_216 = tpu.memref_slice %arg8[%sub3A_214, %dma_wait3A_215] : memref<315x32xi32, #tpu.memory_space<vmem>> -> memref<1x32xi32, #tpu.memory_space<vmem>>
      %dma_wait3A_217 = tpu.memref_squeeze %dma_wait3A_216 : memref<1x32xi32, #tpu.memory_space<vmem>> -> memref<32xi32, #tpu.memory_space<vmem>>
      %dma_wait3A_218 = arith.constant 0 : i32
      %dma_wait3A_219 = arith.constant 0 : i32
      %dma_wait3A_220 = tpu.memref_slice %arg6[%dma_wait3A_218, %dma_wait3A_219] : memref<10008x128xf32, #tpu.memory_space<vmem_shared>> -> memref<10008x128xf32, #tpu.memory_space<vmem_shared>>
      tpu.wait_indirect_dma semaphore(%arg27 : memref<!tpu.dma_semaphore, #tpu.memory_space<semaphore_mem>>) src(%arg13 : memref<32x128xf32, #tpu.memory_space<vmem>>) dst(%dma_wait3A_220 : memref<10008x128xf32, #tpu.memory_space<vmem_shared>>)
      %add3A_221 = arith.constant 7 : i32
      %add3A_222 = arith.addi %sub3A_214, %add3A_221 : i32
      %lt3A_223 = arith.constant 315 : i32
      %lt3A_224 = arith.cmpi slt, %add3A_222, %lt3A_223 : i32
      %convert_element_type3A_225 = arith.extui %lt3A_224 : i1 to i32
      %cond3A_226 = arith.constant 0 : i32
      %cond3A_227 = arith.cmpi ne, %convert_element_type3A_225, %cond3A_226 : i32
      scf.if %cond3A_227 {
        %add3A_276 = arith.constant 7 : i32
        %add3A_277 = arith.addi %sub3A_214, %add3A_276 : i32
        %dma_start3A_278 = arith.constant 0 : i32
        %dma_start3A_279 = tpu.memref_slice %arg7[%add3A_277, %dma_start3A_278] : memref<315x32xi32, #tpu.memory_space<vmem>> -> memref<1x32xi32, #tpu.memory_space<vmem>>
        %dma_start3A_280 = tpu.memref_squeeze %dma_start3A_279 : memref<1x32xi32, #tpu.memory_space<vmem>> -> memref<32xi32, #tpu.memory_space<vmem>>
        %dma_start3A_281 = arith.constant 0 : i32
        %dma_start3A_282 = arith.constant 0 : i32
        %dma_start3A_283 = tpu.memref_slice %arg2[%dma_start3A_281, %dma_start3A_282] : memref<20000x128xf32, #tpu.memory_space<hbm>> -> memref<20000x128xf32, #tpu.memory_space<hbm>>
        tpu.enqueue_indirect_dma source(%dma_start3A_283 : memref<20000x128xf32, #tpu.memory_space<hbm>>) target(%arg13 : memref<32x128xf32, #tpu.memory_space<vmem>>) offsets(%dma_start3A_280 : memref<32xi32, #tpu.memory_space<vmem>>) semaphore(%arg20 : memref<!tpu.dma_semaphore, #tpu.memory_space<semaphore_mem>>)
      } else {
      }
      %add3A_228 = arith.constant 6 : i32
      %add3A_229 = arith.addi %mul3A_65, %add3A_228 : i32
      %dma_wait3A_230 = arith.constant 0 : i32
      %dma_wait3A_231 = tpu.memref_slice %arg7[%add3A_229, %dma_wait3A_230] : memref<315x32xi32, #tpu.memory_space<vmem>> -> memref<1x32xi32, #tpu.memory_space<vmem>>
      %dma_wait3A_232 = tpu.memref_squeeze %dma_wait3A_231 : memref<1x32xi32, #tpu.memory_space<vmem>> -> memref<32xi32, #tpu.memory_space<vmem>>
      %dma_wait3A_233 = arith.constant 0 : i32
      %dma_wait3A_234 = arith.constant 0 : i32
      %dma_wait3A_235 = tpu.memref_slice %arg2[%dma_wait3A_233, %dma_wait3A_234] : memref<20000x128xf32, #tpu.memory_space<hbm>> -> memref<20000x128xf32, #tpu.memory_space<hbm>>
      tpu.wait_indirect_dma semaphore(%arg22 : memref<!tpu.dma_semaphore, #tpu.memory_space<semaphore_mem>>) src(%dma_wait3A_235 : memref<20000x128xf32, #tpu.memory_space<hbm>>) dst(%arg15 : memref<32x128xf32, #tpu.memory_space<vmem>>)
      %dma_start3A_236 = arith.constant 0 : i32
      %dma_start3A_237 = tpu.memref_slice %arg8[%add3A_229, %dma_start3A_236] : memref<315x32xi32, #tpu.memory_space<vmem>> -> memref<1x32xi32, #tpu.memory_space<vmem>>
      %dma_start3A_238 = tpu.memref_squeeze %dma_start3A_237 : memref<1x32xi32, #tpu.memory_space<vmem>> -> memref<32xi32, #tpu.memory_space<vmem>>
      %dma_start3A_239 = arith.constant 0 : i32
      %dma_start3A_240 = arith.constant 0 : i32
      %dma_start3A_241 = tpu.memref_slice %arg6[%dma_start3A_239, %dma_start3A_240] : memref<10008x128xf32, #tpu.memory_space<vmem_shared>> -> memref<10008x128xf32, #tpu.memory_space<vmem_shared>>
      tpu.enqueue_indirect_dma source(%arg15 : memref<32x128xf32, #tpu.memory_space<vmem>>) target(%dma_start3A_241 : memref<10008x128xf32, #tpu.memory_space<vmem_shared>>) offsets(%dma_start3A_238 : memref<32xi32, #tpu.memory_space<vmem>>) semaphore(%arg29 : memref<!tpu.dma_semaphore, #tpu.memory_space<semaphore_mem>>) {add = true}
      %add3A_242 = arith.constant 7 : i32
      %add3A_243 = arith.addi %mul3A_65, %add3A_242 : i32
      %sub3A_244 = arith.constant 2 : i32
      %sub3A_245 = arith.subi %add3A_243, %sub3A_244 : i32
      %dma_wait3A_246 = arith.constant 0 : i32
      %dma_wait3A_247 = tpu.memref_slice %arg8[%sub3A_245, %dma_wait3A_246] : memref<315x32xi32, #tpu.memory_space<vmem>> -> memref<1x32xi32, #tpu.memory_space<vmem>>
      %dma_wait3A_248 = tpu.memref_squeeze %dma_wait3A_247 : memref<1x32xi32, #tpu.memory_space<vmem>> -> memref<32xi32, #tpu.memory_space<vmem>>
      %dma_wait3A_249 = arith.constant 0 : i32
      %dma_wait3A_250 = arith.constant 0 : i32
      %dma_wait3A_251 = tpu.memref_slice %arg6[%dma_wait3A_249, %dma_wait3A_250] : memref<10008x128xf32, #tpu.memory_space<vmem_shared>> -> memref<10008x128xf32, #tpu.memory_space<vmem_shared>>
      tpu.wait_indirect_dma semaphore(%arg28 : memref<!tpu.dma_semaphore, #tpu.memory_space<semaphore_mem>>) src(%arg14 : memref<32x128xf32, #tpu.memory_space<vmem>>) dst(%dma_wait3A_251 : memref<10008x128xf32, #tpu.memory_space<vmem_shared>>)
      %add3A_252 = arith.constant 7 : i32
      %add3A_253 = arith.addi %sub3A_245, %add3A_252 : i32
      %lt3A_254 = arith.constant 315 : i32
      %lt3A_255 = arith.cmpi slt, %add3A_253, %lt3A_254 : i32
      %convert_element_type3A_256 = arith.extui %lt3A_255 : i1 to i32
      %cond3A_257 = arith.constant 0 : i32
      %cond3A_258 = arith.cmpi ne, %convert_element_type3A_256, %cond3A_257 : i32
      scf.if %cond3A_258 {
        %add3A_276 = arith.constant 7 : i32
        %add3A_277 = arith.addi %sub3A_245, %add3A_276 : i32
        %dma_start3A_278 = arith.constant 0 : i32
        %dma_start3A_279 = tpu.memref_slice %arg7[%add3A_277, %dma_start3A_278] : memref<315x32xi32, #tpu.memory_space<vmem>> -> memref<1x32xi32, #tpu.memory_space<vmem>>
        %dma_start3A_280 = tpu.memref_squeeze %dma_start3A_279 : memref<1x32xi32, #tpu.memory_space<vmem>> -> memref<32xi32, #tpu.memory_space<vmem>>
        %dma_start3A_281 = arith.constant 0 : i32
        %dma_start3A_282 = arith.constant 0 : i32
        %dma_start3A_283 = tpu.memref_slice %arg2[%dma_start3A_281, %dma_start3A_282] : memref<20000x128xf32, #tpu.memory_space<hbm>> -> memref<20000x128xf32, #tpu.memory_space<hbm>>
        tpu.enqueue_indirect_dma source(%dma_start3A_283 : memref<20000x128xf32, #tpu.memory_space<hbm>>) target(%arg14 : memref<32x128xf32, #tpu.memory_space<vmem>>) offsets(%dma_start3A_280 : memref<32xi32, #tpu.memory_space<vmem>>) semaphore(%arg21 : memref<!tpu.dma_semaphore, #tpu.memory_space<semaphore_mem>>)
      } else {
      }
      %add3A_259 = arith.constant 7 : i32
      %add3A_260 = arith.addi %mul3A_65, %add3A_259 : i32
      %sub3A_261 = arith.constant 1 : i32
      %sub3A_262 = arith.subi %add3A_260, %sub3A_261 : i32
      %dma_wait3A_263 = arith.constant 0 : i32
      %dma_wait3A_264 = tpu.memref_slice %arg8[%sub3A_262, %dma_wait3A_263] : memref<315x32xi32, #tpu.memory_space<vmem>> -> memref<1x32xi32, #tpu.memory_space<vmem>>
      %dma_wait3A_265 = tpu.memref_squeeze %dma_wait3A_264 : memref<1x32xi32, #tpu.memory_space<vmem>> -> memref<32xi32, #tpu.memory_space<vmem>>
      %dma_wait3A_266 = arith.constant 0 : i32
      %dma_wait3A_267 = arith.constant 0 : i32
      %dma_wait3A_268 = tpu.memref_slice %arg6[%dma_wait3A_266, %dma_wait3A_267] : memref<10008x128xf32, #tpu.memory_space<vmem_shared>> -> memref<10008x128xf32, #tpu.memory_space<vmem_shared>>
      tpu.wait_indirect_dma semaphore(%arg29 : memref<!tpu.dma_semaphore, #tpu.memory_space<semaphore_mem>>) src(%arg15 : memref<32x128xf32, #tpu.memory_space<vmem>>) dst(%dma_wait3A_268 : memref<10008x128xf32, #tpu.memory_space<vmem_shared>>)
      %add3A_269 = arith.constant 7 : i32
      %add3A_270 = arith.addi %sub3A_262, %add3A_269 : i32
      %lt3A_271 = arith.constant 315 : i32
      %lt3A_272 = arith.cmpi slt, %add3A_270, %lt3A_271 : i32
      %convert_element_type3A_273 = arith.extui %lt3A_272 : i1 to i32
      %cond3A_274 = arith.constant 0 : i32
      %cond3A_275 = arith.cmpi ne, %convert_element_type3A_273, %cond3A_274 : i32
      scf.if %cond3A_275 {
        %add3A_276 = arith.constant 7 : i32
        %add3A_277 = arith.addi %sub3A_262, %add3A_276 : i32
        %dma_start3A_278 = arith.constant 0 : i32
        %dma_start3A_279 = tpu.memref_slice %arg7[%add3A_277, %dma_start3A_278] : memref<315x32xi32, #tpu.memory_space<vmem>> -> memref<1x32xi32, #tpu.memory_space<vmem>>
        %dma_start3A_280 = tpu.memref_squeeze %dma_start3A_279 : memref<1x32xi32, #tpu.memory_space<vmem>> -> memref<32xi32, #tpu.memory_space<vmem>>
        %dma_start3A_281 = arith.constant 0 : i32
        %dma_start3A_282 = arith.constant 0 : i32
        %dma_start3A_283 = tpu.memref_slice %arg2[%dma_start3A_281, %dma_start3A_282] : memref<20000x128xf32, #tpu.memory_space<hbm>> -> memref<20000x128xf32, #tpu.memory_space<hbm>>
        tpu.enqueue_indirect_dma source(%dma_start3A_283 : memref<20000x128xf32, #tpu.memory_space<hbm>>) target(%arg15 : memref<32x128xf32, #tpu.memory_space<vmem>>) offsets(%dma_start3A_280 : memref<32xi32, #tpu.memory_space<vmem>>) semaphore(%arg22 : memref<!tpu.dma_semaphore, #tpu.memory_space<semaphore_mem>>)
      } else {
      }
    }
    %scan3A_61 = arith.constant 45 : i32
    %barrier3A_62 = arith.constant 0 : index
    tpu.barrier barrier_id(%barrier3A_62)
    "tpu.region"() ({
      %run_scoped3A = tpu.sem_alloc : memref<!tpu.dma_semaphore, #tpu.memory_space<semaphore_mem>>
      %dma_start3A_63 = arith.constant 0 : i32
      %dma_start3A_64 = tpu.memref_slice %arg5[%multiple_of3A, %dma_start3A_63] : memref<20000x128xf32, #tpu.memory_space<hbm>> -> memref<625x128xf32, #tpu.memory_space<hbm>>
      %dma_start3A_65 = arith.constant 0 : i32
      %dma_start3A_66 = tpu.memref_slice %arg6[%multiple_of3A_5, %dma_start3A_65] : memref<10008x128xf32, #tpu.memory_space<vmem_shared>> -> memref<625x128xf32, #tpu.memory_space<vmem_shared>>
      tpu.enqueue_dma source(%dma_start3A_66 : memref<625x128xf32, #tpu.memory_space<vmem_shared>>) target(%dma_start3A_64 : memref<625x128xf32, #tpu.memory_space<hbm>>) target_semaphore(%run_scoped3A : memref<!tpu.dma_semaphore, #tpu.memory_space<semaphore_mem>>)
      %dma_wait3A = arith.constant 0 : i32
      %dma_wait3A_67 = tpu.memref_slice %arg5[%multiple_of3A, %dma_wait3A] : memref<20000x128xf32, #tpu.memory_space<hbm>> -> memref<625x128xf32, #tpu.memory_space<hbm>>
      %dma_wait3A_68 = arith.constant 0 : i32
      %dma_wait3A_69 = tpu.memref_slice %arg6[%multiple_of3A_5, %dma_wait3A_68] : memref<10008x128xf32, #tpu.memory_space<vmem_shared>> -> memref<625x128xf32, #tpu.memory_space<vmem_shared>>
      tpu.wait_dma2 semaphore(%run_scoped3A : memref<!tpu.dma_semaphore, #tpu.memory_space<semaphore_mem>>) src(%dma_wait3A_69 : memref<625x128xf32, #tpu.memory_space<vmem_shared>>) dst(%dma_wait3A_67 : memref<625x128xf32, #tpu.memory_space<hbm>>)
      tpu.yield
    }) : () -> ()
    return
  }
}

#map = affine_map<(d0, d1) -> (0, 0)>
#map1 = affine_map<(d0, d1) -> (0, 0, 0)>
module attributes {stable_mosaic.version = 14 : i64} {
  func.func @mp_kernel(%arg0: i32, %arg1: i32, %arg2: memref<20000x128xf32, #tpu.memory_space<hbm>>, %arg3: memref<32x315x32xi32, #tpu.memory_space<hbm>>, %arg4: memref<16x315x32xi32, #tpu.memory_space<hbm>>, %arg5: memref<20000x128xf32, #tpu.memory_space<hbm>>, %arg6: memref<10008x128xf32, #tpu.memory_space<vmem_shared>>, %arg7: memref<315x32xi32, #tpu.memory_space<vmem>>, %arg8: memref<315x32xi32, #tpu.memory_space<vmem>>, %arg9: memref<32x128xf32, #tpu.memory_space<vmem>>, %arg10: memref<32x128xf32, #tpu.memory_space<vmem>>, %arg11: memref<32x128xf32, #tpu.memory_space<vmem>>, %arg12: memref<32x128xf32, #tpu.memory_space<vmem>>, %arg13: memref<32x128xf32, #tpu.memory_space<vmem>>, %arg14: memref<32x128xf32, #tpu.memory_space<vmem>>, %arg15: memref<32x128xf32, #tpu.memory_space<vmem>>, %arg16: memref<!tpu.dma_semaphore, #tpu.memory_space<semaphore_mem>>, %arg17: memref<!tpu.dma_semaphore, #tpu.memory_space<semaphore_mem>>, %arg18: memref<!tpu.dma_semaphore, #tpu.memory_space<semaphore_mem>>, %arg19: memref<!tpu.dma_semaphore, #tpu.memory_space<semaphore_mem>>, %arg20: memref<!tpu.dma_semaphore, #tpu.memory_space<semaphore_mem>>, %arg21: memref<!tpu.dma_semaphore, #tpu.memory_space<semaphore_mem>>, %arg22: memref<!tpu.dma_semaphore, #tpu.memory_space<semaphore_mem>>, %arg23: memref<!tpu.dma_semaphore, #tpu.memory_space<semaphore_mem>>, %arg24: memref<!tpu.dma_semaphore, #tpu.memory_space<semaphore_mem>>, %arg25: memref<!tpu.dma_semaphore, #tpu.memory_space<semaphore_mem>>, %arg26: memref<!tpu.dma_semaphore, #tpu.memory_space<semaphore_mem>>, %arg27: memref<!tpu.dma_semaphore, #tpu.memory_space<semaphore_mem>>, %arg28: memref<!tpu.dma_semaphore, #tpu.memory_space<semaphore_mem>>, %arg29: memref<!tpu.dma_semaphore, #tpu.memory_space<semaphore_mem>>) attributes {dimension_semantics = [#tpu.dimension_semantics<core_parallel>, #tpu.dimension_semantics<subcore_parallel>], iteration_bounds = array<i64: 2, 16>, scalar_prefetch = 0 : i64, scratch_operands = 24 : i64, tpu.core_type = #tpu.core_type<sc_vector_subcore>, window_params = [{transform_indices = #map}, {transform_indices = #map1}, {transform_indices = #map1}, {transform_indices = #map}]} {
    %mul3A = arith.constant 10000 : i32
    %mul3A_0 = arith.muli %arg0, %mul3A : i32
    %mul3A_1 = arith.constant 625 : i32
    %mul3A_2 = arith.muli %arg1, %mul3A_1 : i32
    %add3A = arith.addi %mul3A_0, %mul3A_2 : i32
    %multiple_of3A = tpu.assume_multiple %add3A, 8 : i32
    %mul3A_3 = arith.constant 625 : i32
    %mul3A_4 = arith.muli %arg1, %mul3A_3 : i32
    %multiple_of3A_5 = tpu.assume_multiple %mul3A_4, 8 : i32
    %mul3A_6 = arith.constant 16 : i32
    %mul3A_7 = arith.muli %arg0, %mul3A_6 : i32
    %add3A_8 = arith.addi %mul3A_7, %arg1 : i32
    "tpu.region"() ({
      %run_scoped3A = tpu.sem_alloc : memref<!tpu.dma_semaphore, #tpu.memory_space<semaphore_mem>>
      %dma_start3A_63 = arith.constant 0 : i32
      %dma_start3A_64 = arith.constant 0 : i32
      %dma_start3A_65 = tpu.memref_slice %arg3[%add3A_8, %dma_start3A_63, %dma_start3A_64] : memref<32x315x32xi32, #tpu.memory_space<hbm>> -> memref<1x315x32xi32, #tpu.memory_space<hbm>>
      %dma_start3A_66 = tpu.memref_squeeze %dma_start3A_65 : memref<1x315x32xi32, #tpu.memory_space<hbm>> -> memref<315x32xi32, #tpu.memory_space<hbm>>
      %dma_start3A_67 = arith.constant 0 : i32
      %dma_start3A_68 = arith.constant 0 : i32
      %dma_start3A_69 = tpu.memref_slice %arg3[%add3A_8, %dma_start3A_67, %dma_start3A_68] : memref<32x315x32xi32, #tpu.memory_space<hbm>> -> memref<1x315x32xi32, #tpu.memory_space<hbm>>
      %dma_start3A_70 = tpu.memref_squeeze %dma_start3A_69 : memref<1x315x32xi32, #tpu.memory_space<hbm>> -> memref<315x32xi32, #tpu.memory_space<hbm>>
      tpu.enqueue_dma source(%dma_start3A_70 : memref<315x32xi32, #tpu.memory_space<hbm>>) target(%arg7 : memref<315x32xi32, #tpu.memory_space<vmem>>) target_semaphore(%run_scoped3A : memref<!tpu.dma_semaphore, #tpu.memory_space<semaphore_mem>>)
      %dma_wait3A = arith.constant 0 : i32
      %dma_wait3A_71 = arith.constant 0 : i32
      %dma_wait3A_72 = tpu.memref_slice %arg3[%add3A_8, %dma_wait3A, %dma_wait3A_71] : memref<32x315x32xi32, #tpu.memory_space<hbm>> -> memref<1x315x32xi32, #tpu.memory_space<hbm>>
      %dma_wait3A_73 = tpu.memref_squeeze %dma_wait3A_72 : memref<1x315x32xi32, #tpu.memory_space<hbm>> -> memref<315x32xi32, #tpu.memory_space<hbm>>
      %dma_wait3A_74 = arith.constant 0 : i32
      %dma_wait3A_75 = arith.constant 0 : i32
      %dma_wait3A_76 = tpu.memref_slice %arg3[%add3A_8, %dma_wait3A_74, %dma_wait3A_75] : memref<32x315x32xi32, #tpu.memory_space<hbm>> -> memref<1x315x32xi32, #tpu.memory_space<hbm>>
      %dma_wait3A_77 = tpu.memref_squeeze %dma_wait3A_76 : memref<1x315x32xi32, #tpu.memory_space<hbm>> -> memref<315x32xi32, #tpu.memory_space<hbm>>
      tpu.wait_dma2 semaphore(%run_scoped3A : memref<!tpu.dma_semaphore, #tpu.memory_space<semaphore_mem>>) src(%dma_wait3A_77 : memref<315x32xi32, #tpu.memory_space<hbm>>) dst(%arg7 : memref<315x32xi32, #tpu.memory_space<vmem>>)
      tpu.yield
    }) : () -> ()
    "tpu.region"() ({
      %run_scoped3A = tpu.sem_alloc : memref<!tpu.dma_semaphore, #tpu.memory_space<semaphore_mem>>
      %dma_start3A_63 = arith.constant 0 : i32
      %dma_start3A_64 = arith.constant 0 : i32
      %dma_start3A_65 = tpu.memref_slice %arg4[%arg1, %dma_start3A_63, %dma_start3A_64] : memref<16x315x32xi32, #tpu.memory_space<hbm>> -> memref<1x315x32xi32, #tpu.memory_space<hbm>>
      %dma_start3A_66 = tpu.memref_squeeze %dma_start3A_65 : memref<1x315x32xi32, #tpu.memory_space<hbm>> -> memref<315x32xi32, #tpu.memory_space<hbm>>
      %dma_start3A_67 = arith.constant 0 : i32
      %dma_start3A_68 = arith.constant 0 : i32
      %dma_start3A_69 = tpu.memref_slice %arg4[%arg1, %dma_start3A_67, %dma_start3A_68] : memref<16x315x32xi32, #tpu.memory_space<hbm>> -> memref<1x315x32xi32, #tpu.memory_space<hbm>>
      %dma_start3A_70 = tpu.memref_squeeze %dma_start3A_69 : memref<1x315x32xi32, #tpu.memory_space<hbm>> -> memref<315x32xi32, #tpu.memory_space<hbm>>
      tpu.enqueue_dma source(%dma_start3A_70 : memref<315x32xi32, #tpu.memory_space<hbm>>) target(%arg8 : memref<315x32xi32, #tpu.memory_space<vmem>>) target_semaphore(%run_scoped3A : memref<!tpu.dma_semaphore, #tpu.memory_space<semaphore_mem>>)
      %dma_wait3A = arith.constant 0 : i32
      %dma_wait3A_71 = arith.constant 0 : i32
      %dma_wait3A_72 = tpu.memref_slice %arg4[%arg1, %dma_wait3A, %dma_wait3A_71] : memref<16x315x32xi32, #tpu.memory_space<hbm>> -> memref<1x315x32xi32, #tpu.memory_space<hbm>>
      %dma_wait3A_73 = tpu.memref_squeeze %dma_wait3A_72 : memref<1x315x32xi32, #tpu.memory_space<hbm>> -> memref<315x32xi32, #tpu.memory_space<hbm>>
      %dma_wait3A_74 = arith.constant 0 : i32
      %dma_wait3A_75 = arith.constant 0 : i32
      %dma_wait3A_76 = tpu.memref_slice %arg4[%arg1, %dma_wait3A_74, %dma_wait3A_75] : memref<16x315x32xi32, #tpu.memory_space<hbm>> -> memref<1x315x32xi32, #tpu.memory_space<hbm>>
      %dma_wait3A_77 = tpu.memref_squeeze %dma_wait3A_76 : memref<1x315x32xi32, #tpu.memory_space<hbm>> -> memref<315x32xi32, #tpu.memory_space<hbm>>
      tpu.wait_dma2 semaphore(%run_scoped3A : memref<!tpu.dma_semaphore, #tpu.memory_space<semaphore_mem>>) src(%dma_wait3A_77 : memref<315x32xi32, #tpu.memory_space<hbm>>) dst(%arg8 : memref<315x32xi32, #tpu.memory_space<vmem>>)
      tpu.yield
    }) : () -> ()
    "tpu.region"() ({
      %run_scoped3A = tpu.sem_alloc : memref<!tpu.dma_semaphore, #tpu.memory_space<semaphore_mem>>
      %dma_start3A_63 = arith.constant 0 : i32
      %dma_start3A_64 = tpu.memref_slice %arg6[%multiple_of3A_5, %dma_start3A_63] : memref<10008x128xf32, #tpu.memory_space<vmem_shared>> -> memref<625x128xf32, #tpu.memory_space<vmem_shared>>
      %dma_start3A_65 = arith.constant 0 : i32
      %dma_start3A_66 = tpu.memref_slice %arg2[%multiple_of3A, %dma_start3A_65] : memref<20000x128xf32, #tpu.memory_space<hbm>> -> memref<625x128xf32, #tpu.memory_space<hbm>>
      tpu.enqueue_dma source(%dma_start3A_66 : memref<625x128xf32, #tpu.memory_space<hbm>>) target(%dma_start3A_64 : memref<625x128xf32, #tpu.memory_space<vmem_shared>>) target_semaphore(%run_scoped3A : memref<!tpu.dma_semaphore, #tpu.memory_space<semaphore_mem>>)
      %dma_wait3A = arith.constant 0 : i32
      %dma_wait3A_67 = tpu.memref_slice %arg6[%multiple_of3A_5, %dma_wait3A] : memref<10008x128xf32, #tpu.memory_space<vmem_shared>> -> memref<625x128xf32, #tpu.memory_space<vmem_shared>>
      %dma_wait3A_68 = arith.constant 0 : i32
      %dma_wait3A_69 = tpu.memref_slice %arg2[%multiple_of3A, %dma_wait3A_68] : memref<20000x128xf32, #tpu.memory_space<hbm>> -> memref<625x128xf32, #tpu.memory_space<hbm>>
      tpu.wait_dma2 semaphore(%run_scoped3A : memref<!tpu.dma_semaphore, #tpu.memory_space<semaphore_mem>>) src(%dma_wait3A_69 : memref<625x128xf32, #tpu.memory_space<hbm>>) dst(%dma_wait3A_67 : memref<625x128xf32, #tpu.memory_space<vmem_shared>>)
      tpu.yield
    }) : () -> ()
    %barrier3A = arith.constant 0 : index
    tpu.barrier barrier_id(%barrier3A)
    %dma_start3A = arith.constant 0 : i32
    %dma_start3A_9 = arith.constant 0 : i32
    %dma_start3A_10 = tpu.memref_slice %arg7[%dma_start3A, %dma_start3A_9] : memref<315x32xi32, #tpu.memory_space<vmem>> -> memref<1x32xi32, #tpu.memory_space<vmem>>
    %dma_start3A_11 = tpu.memref_squeeze %dma_start3A_10 : memref<1x32xi32, #tpu.memory_space<vmem>> -> memref<32xi32, #tpu.memory_space<vmem>>
    %dma_start3A_12 = arith.constant 0 : i32
    %dma_start3A_13 = arith.constant 0 : i32
    %dma_start3A_14 = tpu.memref_slice %arg2[%dma_start3A_12, %dma_start3A_13] : memref<20000x128xf32, #tpu.memory_space<hbm>> -> memref<20000x128xf32, #tpu.memory_space<hbm>>
    tpu.enqueue_indirect_dma source(%dma_start3A_14 : memref<20000x128xf32, #tpu.memory_space<hbm>>) target(%arg9 : memref<32x128xf32, #tpu.memory_space<vmem>>) offsets(%dma_start3A_11 : memref<32xi32, #tpu.memory_space<vmem>>) semaphore(%arg16 : memref<!tpu.dma_semaphore, #tpu.memory_space<semaphore_mem>>)
    %dma_start3A_15 = arith.constant 1 : i32
    %dma_start3A_16 = arith.constant 0 : i32
    %dma_start3A_17 = tpu.memref_slice %arg7[%dma_start3A_15, %dma_start3A_16] : memref<315x32xi32, #tpu.memory_space<vmem>> -> memref<1x32xi32, #tpu.memory_space<vmem>>
    %dma_start3A_18 = tpu.memref_squeeze %dma_start3A_17 : memref<1x32xi32, #tpu.memory_space<vmem>> -> memref<32xi32, #tpu.memory_space<vmem>>
    %dma_start3A_19 = arith.constant 0 : i32
    %dma_start3A_20 = arith.constant 0 : i32
    %dma_start3A_21 = tpu.memref_slice %arg2[%dma_start3A_19, %dma_start3A_20] : memref<20000x128xf32, #tpu.memory_space<hbm>> -> memref<20000x128xf32, #tpu.memory_space<hbm>>
    tpu.enqueue_indirect_dma source(%dma_start3A_21 : memref<20000x128xf32, #tpu.memory_space<hbm>>) target(%arg10 : memref<32x128xf32, #tpu.memory_space<vmem>>) offsets(%dma_start3A_18 : memref<32xi32, #tpu.memory_space<vmem>>) semaphore(%arg17 : memref<!tpu.dma_semaphore, #tpu.memory_space<semaphore_mem>>)
    %dma_start3A_22 = arith.constant 2 : i32
    %dma_start3A_23 = arith.constant 0 : i32
    %dma_start3A_24 = tpu.memref_slice %arg7[%dma_start3A_22, %dma_start3A_23] : memref<315x32xi32, #tpu.memory_space<vmem>> -> memref<1x32xi32, #tpu.memory_space<vmem>>
    %dma_start3A_25 = tpu.memref_squeeze %dma_start3A_24 : memref<1x32xi32, #tpu.memory_space<vmem>> -> memref<32xi32, #tpu.memory_space<vmem>>
    %dma_start3A_26 = arith.constant 0 : i32
    %dma_start3A_27 = arith.constant 0 : i32
    %dma_start3A_28 = tpu.memref_slice %arg2[%dma_start3A_26, %dma_start3A_27] : memref<20000x128xf32, #tpu.memory_space<hbm>> -> memref<20000x128xf32, #tpu.memory_space<hbm>>
    tpu.enqueue_indirect_dma source(%dma_start3A_28 : memref<20000x128xf32, #tpu.memory_space<hbm>>) target(%arg11 : memref<32x128xf32, #tpu.memory_space<vmem>>) offsets(%dma_start3A_25 : memref<32xi32, #tpu.memory_space<vmem>>) semaphore(%arg18 : memref<!tpu.dma_semaphore, #tpu.memory_space<semaphore_mem>>)
    %dma_start3A_29 = arith.constant 3 : i32
    %dma_start3A_30 = arith.constant 0 : i32
    %dma_start3A_31 = tpu.memref_slice %arg7[%dma_start3A_29, %dma_start3A_30] : memref<315x32xi32, #tpu.memory_space<vmem>> -> memref<1x32xi32, #tpu.memory_space<vmem>>
    %dma_start3A_32 = tpu.memref_squeeze %dma_start3A_31 : memref<1x32xi32, #tpu.memory_space<vmem>> -> memref<32xi32, #tpu.memory_space<vmem>>
    %dma_start3A_33 = arith.constant 0 : i32
    %dma_start3A_34 = arith.constant 0 : i32
    %dma_start3A_35 = tpu.memref_slice %arg2[%dma_start3A_33, %dma_start3A_34] : memref<20000x128xf32, #tpu.memory_space<hbm>> -> memref<20000x128xf32, #tpu.memory_space<hbm>>
    tpu.enqueue_indirect_dma source(%dma_start3A_35 : memref<20000x128xf32, #tpu.memory_space<hbm>>) target(%arg12 : memref<32x128xf32, #tpu.memory_space<vmem>>) offsets(%dma_start3A_32 : memref<32xi32, #tpu.memory_space<vmem>>) semaphore(%arg19 : memref<!tpu.dma_semaphore, #tpu.memory_space<semaphore_mem>>)
    %dma_start3A_36 = arith.constant 4 : i32
    %dma_start3A_37 = arith.constant 0 : i32
    %dma_start3A_38 = tpu.memref_slice %arg7[%dma_start3A_36, %dma_start3A_37] : memref<315x32xi32, #tpu.memory_space<vmem>> -> memref<1x32xi32, #tpu.memory_space<vmem>>
    %dma_start3A_39 = tpu.memref_squeeze %dma_start3A_38 : memref<1x32xi32, #tpu.memory_space<vmem>> -> memref<32xi32, #tpu.memory_space<vmem>>
    %dma_start3A_40 = arith.constant 0 : i32
    %dma_start3A_41 = arith.constant 0 : i32
    %dma_start3A_42 = tpu.memref_slice %arg2[%dma_start3A_40, %dma_start3A_41] : memref<20000x128xf32, #tpu.memory_space<hbm>> -> memref<20000x128xf32, #tpu.memory_space<hbm>>
    tpu.enqueue_indirect_dma source(%dma_start3A_42 : memref<20000x128xf32, #tpu.memory_space<hbm>>) target(%arg13 : memref<32x128xf32, #tpu.memory_space<vmem>>) offsets(%dma_start3A_39 : memref<32xi32, #tpu.memory_space<vmem>>) semaphore(%arg20 : memref<!tpu.dma_semaphore, #tpu.memory_space<semaphore_mem>>)
    %dma_start3A_43 = arith.constant 5 : i32
    %dma_start3A_44 = arith.constant 0 : i32
    %dma_start3A_45 = tpu.memref_slice %arg7[%dma_start3A_43, %dma_start3A_44] : memref<315x32xi32, #tpu.memory_space<vmem>> -> memref<1x32xi32, #tpu.memory_space<vmem>>
    %dma_start3A_46 = tpu.memref_squeeze %dma_start3A_45 : memref<1x32xi32, #tpu.memory_space<vmem>> -> memref<32xi32, #tpu.memory_space<vmem>>
    %dma_start3A_47 = arith.constant 0 : i32
    %dma_start3A_48 = arith.constant 0 : i32
    %dma_start3A_49 = tpu.memref_slice %arg2[%dma_start3A_47, %dma_start3A_48] : memref<20000x128xf32, #tpu.memory_space<hbm>> -> memref<20000x128xf32, #tpu.memory_space<hbm>>
    tpu.enqueue_indirect_dma source(%dma_start3A_49 : memref<20000x128xf32, #tpu.memory_space<hbm>>) target(%arg14 : memref<32x128xf32, #tpu.memory_space<vmem>>) offsets(%dma_start3A_46 : memref<32xi32, #tpu.memory_space<vmem>>) semaphore(%arg21 : memref<!tpu.dma_semaphore, #tpu.memory_space<semaphore_mem>>)
    %dma_start3A_50 = arith.constant 6 : i32
    %dma_start3A_51 = arith.constant 0 : i32
    %dma_start3A_52 = tpu.memref_slice %arg7[%dma_start3A_50, %dma_start3A_51] : memref<315x32xi32, #tpu.memory_space<vmem>> -> memref<1x32xi32, #tpu.memory_space<vmem>>
    %dma_start3A_53 = tpu.memref_squeeze %dma_start3A_52 : memref<1x32xi32, #tpu.memory_space<vmem>> -> memref<32xi32, #tpu.memory_space<vmem>>
    %dma_start3A_54 = arith.constant 0 : i32
    %dma_start3A_55 = arith.constant 0 : i32
    %dma_start3A_56 = tpu.memref_slice %arg2[%dma_start3A_54, %dma_start3A_55] : memref<20000x128xf32, #tpu.memory_space<hbm>> -> memref<20000x128xf32, #tpu.memory_space<hbm>>
    tpu.enqueue_indirect_dma source(%dma_start3A_56 : memref<20000x128xf32, #tpu.memory_space<hbm>>) target(%arg15 : memref<32x128xf32, #tpu.memory_space<vmem>>) offsets(%dma_start3A_53 : memref<32xi32, #tpu.memory_space<vmem>>) semaphore(%arg22 : memref<!tpu.dma_semaphore, #tpu.memory_space<semaphore_mem>>)
    %scan3A = arith.constant 0 : i32
    %scan3A_57 = arith.constant 0 : i32
    %scan3A_58 = arith.constant 45 : i32
    %scan3A_59 = arith.addi %scan3A_57, %scan3A_58 : i32
    %scan3A_60 = arith.constant 1 : i32
    scf.for %scan3A_63 = %scan3A_57 to %scan3A_59 step %scan3A_60  : i32 {
      %mul3A_64 = arith.constant 7 : i32
      %mul3A_65 = arith.muli %scan3A_63, %mul3A_64 : i32
      %dma_wait3A = arith.constant 0 : i32
      %dma_wait3A_66 = tpu.memref_slice %arg7[%mul3A_65, %dma_wait3A] : memref<315x32xi32, #tpu.memory_space<vmem>> -> memref<1x32xi32, #tpu.memory_space<vmem>>
      %dma_wait3A_67 = tpu.memref_squeeze %dma_wait3A_66 : memref<1x32xi32, #tpu.memory_space<vmem>> -> memref<32xi32, #tpu.memory_space<vmem>>
      %dma_wait3A_68 = arith.constant 0 : i32
      %dma_wait3A_69 = arith.constant 0 : i32
      %dma_wait3A_70 = tpu.memref_slice %arg2[%dma_wait3A_68, %dma_wait3A_69] : memref<20000x128xf32, #tpu.memory_space<hbm>> -> memref<20000x128xf32, #tpu.memory_space<hbm>>
      tpu.wait_indirect_dma semaphore(%arg16 : memref<!tpu.dma_semaphore, #tpu.memory_space<semaphore_mem>>) src(%dma_wait3A_70 : memref<20000x128xf32, #tpu.memory_space<hbm>>) dst(%arg9 : memref<32x128xf32, #tpu.memory_space<vmem>>)
      %dma_start3A_71 = arith.constant 0 : i32
      %dma_start3A_72 = tpu.memref_slice %arg8[%mul3A_65, %dma_start3A_71] : memref<315x32xi32, #tpu.memory_space<vmem>> -> memref<1x32xi32, #tpu.memory_space<vmem>>
      %dma_start3A_73 = tpu.memref_squeeze %dma_start3A_72 : memref<1x32xi32, #tpu.memory_space<vmem>> -> memref<32xi32, #tpu.memory_space<vmem>>
      %dma_start3A_74 = arith.constant 0 : i32
      %dma_start3A_75 = arith.constant 0 : i32
      %dma_start3A_76 = tpu.memref_slice %arg6[%dma_start3A_74, %dma_start3A_75] : memref<10008x128xf32, #tpu.memory_space<vmem_shared>> -> memref<10008x128xf32, #tpu.memory_space<vmem_shared>>
      tpu.enqueue_indirect_dma source(%arg9 : memref<32x128xf32, #tpu.memory_space<vmem>>) target(%dma_start3A_76 : memref<10008x128xf32, #tpu.memory_space<vmem_shared>>) offsets(%dma_start3A_73 : memref<32xi32, #tpu.memory_space<vmem>>) semaphore(%arg23 : memref<!tpu.dma_semaphore, #tpu.memory_space<semaphore_mem>>) {add = true}
      %add3A_77 = arith.constant 1 : i32
      %add3A_78 = arith.addi %mul3A_65, %add3A_77 : i32
      %dma_wait3A_79 = arith.constant 0 : i32
      %dma_wait3A_80 = tpu.memref_slice %arg7[%add3A_78, %dma_wait3A_79] : memref<315x32xi32, #tpu.memory_space<vmem>> -> memref<1x32xi32, #tpu.memory_space<vmem>>
      %dma_wait3A_81 = tpu.memref_squeeze %dma_wait3A_80 : memref<1x32xi32, #tpu.memory_space<vmem>> -> memref<32xi32, #tpu.memory_space<vmem>>
      %dma_wait3A_82 = arith.constant 0 : i32
      %dma_wait3A_83 = arith.constant 0 : i32
      %dma_wait3A_84 = tpu.memref_slice %arg2[%dma_wait3A_82, %dma_wait3A_83] : memref<20000x128xf32, #tpu.memory_space<hbm>> -> memref<20000x128xf32, #tpu.memory_space<hbm>>
      tpu.wait_indirect_dma semaphore(%arg17 : memref<!tpu.dma_semaphore, #tpu.memory_space<semaphore_mem>>) src(%dma_wait3A_84 : memref<20000x128xf32, #tpu.memory_space<hbm>>) dst(%arg10 : memref<32x128xf32, #tpu.memory_space<vmem>>)
      %dma_start3A_85 = arith.constant 0 : i32
      %dma_start3A_86 = tpu.memref_slice %arg8[%add3A_78, %dma_start3A_85] : memref<315x32xi32, #tpu.memory_space<vmem>> -> memref<1x32xi32, #tpu.memory_space<vmem>>
      %dma_start3A_87 = tpu.memref_squeeze %dma_start3A_86 : memref<1x32xi32, #tpu.memory_space<vmem>> -> memref<32xi32, #tpu.memory_space<vmem>>
      %dma_start3A_88 = arith.constant 0 : i32
      %dma_start3A_89 = arith.constant 0 : i32
      %dma_start3A_90 = tpu.memref_slice %arg6[%dma_start3A_88, %dma_start3A_89] : memref<10008x128xf32, #tpu.memory_space<vmem_shared>> -> memref<10008x128xf32, #tpu.memory_space<vmem_shared>>
      tpu.enqueue_indirect_dma source(%arg10 : memref<32x128xf32, #tpu.memory_space<vmem>>) target(%dma_start3A_90 : memref<10008x128xf32, #tpu.memory_space<vmem_shared>>) offsets(%dma_start3A_87 : memref<32xi32, #tpu.memory_space<vmem>>) semaphore(%arg24 : memref<!tpu.dma_semaphore, #tpu.memory_space<semaphore_mem>>) {add = true}
      %add3A_91 = arith.constant 2 : i32
      %add3A_92 = arith.addi %mul3A_65, %add3A_91 : i32
      %sub3A = arith.constant 2 : i32
      %sub3A_93 = arith.subi %add3A_92, %sub3A : i32
      %dma_wait3A_94 = arith.constant 0 : i32
      %dma_wait3A_95 = tpu.memref_slice %arg8[%sub3A_93, %dma_wait3A_94] : memref<315x32xi32, #tpu.memory_space<vmem>> -> memref<1x32xi32, #tpu.memory_space<vmem>>
      %dma_wait3A_96 = tpu.memref_squeeze %dma_wait3A_95 : memref<1x32xi32, #tpu.memory_space<vmem>> -> memref<32xi32, #tpu.memory_space<vmem>>
      %dma_wait3A_97 = arith.constant 0 : i32
      %dma_wait3A_98 = arith.constant 0 : i32
      %dma_wait3A_99 = tpu.memref_slice %arg6[%dma_wait3A_97, %dma_wait3A_98] : memref<10008x128xf32, #tpu.memory_space<vmem_shared>> -> memref<10008x128xf32, #tpu.memory_space<vmem_shared>>
      tpu.wait_indirect_dma semaphore(%arg23 : memref<!tpu.dma_semaphore, #tpu.memory_space<semaphore_mem>>) src(%arg9 : memref<32x128xf32, #tpu.memory_space<vmem>>) dst(%dma_wait3A_99 : memref<10008x128xf32, #tpu.memory_space<vmem_shared>>)
      %add3A_100 = arith.constant 7 : i32
      %add3A_101 = arith.addi %sub3A_93, %add3A_100 : i32
      %lt3A = arith.constant 315 : i32
      %lt3A_102 = arith.cmpi slt, %add3A_101, %lt3A : i32
      %convert_element_type3A = arith.extui %lt3A_102 : i1 to i32
      %cond3A = arith.constant 0 : i32
      %cond3A_103 = arith.cmpi ne, %convert_element_type3A, %cond3A : i32
      scf.if %cond3A_103 {
        %add3A_276 = arith.constant 7 : i32
        %add3A_277 = arith.addi %sub3A_93, %add3A_276 : i32
        %dma_start3A_278 = arith.constant 0 : i32
        %dma_start3A_279 = tpu.memref_slice %arg7[%add3A_277, %dma_start3A_278] : memref<315x32xi32, #tpu.memory_space<vmem>> -> memref<1x32xi32, #tpu.memory_space<vmem>>
        %dma_start3A_280 = tpu.memref_squeeze %dma_start3A_279 : memref<1x32xi32, #tpu.memory_space<vmem>> -> memref<32xi32, #tpu.memory_space<vmem>>
        %dma_start3A_281 = arith.constant 0 : i32
        %dma_start3A_282 = arith.constant 0 : i32
        %dma_start3A_283 = tpu.memref_slice %arg2[%dma_start3A_281, %dma_start3A_282] : memref<20000x128xf32, #tpu.memory_space<hbm>> -> memref<20000x128xf32, #tpu.memory_space<hbm>>
        tpu.enqueue_indirect_dma source(%dma_start3A_283 : memref<20000x128xf32, #tpu.memory_space<hbm>>) target(%arg9 : memref<32x128xf32, #tpu.memory_space<vmem>>) offsets(%dma_start3A_280 : memref<32xi32, #tpu.memory_space<vmem>>) semaphore(%arg16 : memref<!tpu.dma_semaphore, #tpu.memory_space<semaphore_mem>>)
      } else {
      }
      %add3A_104 = arith.constant 2 : i32
      %add3A_105 = arith.addi %mul3A_65, %add3A_104 : i32
      %dma_wait3A_106 = arith.constant 0 : i32
      %dma_wait3A_107 = tpu.memref_slice %arg7[%add3A_105, %dma_wait3A_106] : memref<315x32xi32, #tpu.memory_space<vmem>> -> memref<1x32xi32, #tpu.memory_space<vmem>>
      %dma_wait3A_108 = tpu.memref_squeeze %dma_wait3A_107 : memref<1x32xi32, #tpu.memory_space<vmem>> -> memref<32xi32, #tpu.memory_space<vmem>>
      %dma_wait3A_109 = arith.constant 0 : i32
      %dma_wait3A_110 = arith.constant 0 : i32
      %dma_wait3A_111 = tpu.memref_slice %arg2[%dma_wait3A_109, %dma_wait3A_110] : memref<20000x128xf32, #tpu.memory_space<hbm>> -> memref<20000x128xf32, #tpu.memory_space<hbm>>
      tpu.wait_indirect_dma semaphore(%arg18 : memref<!tpu.dma_semaphore, #tpu.memory_space<semaphore_mem>>) src(%dma_wait3A_111 : memref<20000x128xf32, #tpu.memory_space<hbm>>) dst(%arg11 : memref<32x128xf32, #tpu.memory_space<vmem>>)
      %dma_start3A_112 = arith.constant 0 : i32
      %dma_start3A_113 = tpu.memref_slice %arg8[%add3A_105, %dma_start3A_112] : memref<315x32xi32, #tpu.memory_space<vmem>> -> memref<1x32xi32, #tpu.memory_space<vmem>>
      %dma_start3A_114 = tpu.memref_squeeze %dma_start3A_113 : memref<1x32xi32, #tpu.memory_space<vmem>> -> memref<32xi32, #tpu.memory_space<vmem>>
      %dma_start3A_115 = arith.constant 0 : i32
      %dma_start3A_116 = arith.constant 0 : i32
      %dma_start3A_117 = tpu.memref_slice %arg6[%dma_start3A_115, %dma_start3A_116] : memref<10008x128xf32, #tpu.memory_space<vmem_shared>> -> memref<10008x128xf32, #tpu.memory_space<vmem_shared>>
      tpu.enqueue_indirect_dma source(%arg11 : memref<32x128xf32, #tpu.memory_space<vmem>>) target(%dma_start3A_117 : memref<10008x128xf32, #tpu.memory_space<vmem_shared>>) offsets(%dma_start3A_114 : memref<32xi32, #tpu.memory_space<vmem>>) semaphore(%arg25 : memref<!tpu.dma_semaphore, #tpu.memory_space<semaphore_mem>>) {add = true}
      %add3A_118 = arith.constant 3 : i32
      %add3A_119 = arith.addi %mul3A_65, %add3A_118 : i32
      %sub3A_120 = arith.constant 2 : i32
      %sub3A_121 = arith.subi %add3A_119, %sub3A_120 : i32
      %dma_wait3A_122 = arith.constant 0 : i32
      %dma_wait3A_123 = tpu.memref_slice %arg8[%sub3A_121, %dma_wait3A_122] : memref<315x32xi32, #tpu.memory_space<vmem>> -> memref<1x32xi32, #tpu.memory_space<vmem>>
      %dma_wait3A_124 = tpu.memref_squeeze %dma_wait3A_123 : memref<1x32xi32, #tpu.memory_space<vmem>> -> memref<32xi32, #tpu.memory_space<vmem>>
      %dma_wait3A_125 = arith.constant 0 : i32
      %dma_wait3A_126 = arith.constant 0 : i32
      %dma_wait3A_127 = tpu.memref_slice %arg6[%dma_wait3A_125, %dma_wait3A_126] : memref<10008x128xf32, #tpu.memory_space<vmem_shared>> -> memref<10008x128xf32, #tpu.memory_space<vmem_shared>>
      tpu.wait_indirect_dma semaphore(%arg24 : memref<!tpu.dma_semaphore, #tpu.memory_space<semaphore_mem>>) src(%arg10 : memref<32x128xf32, #tpu.memory_space<vmem>>) dst(%dma_wait3A_127 : memref<10008x128xf32, #tpu.memory_space<vmem_shared>>)
      %add3A_128 = arith.constant 7 : i32
      %add3A_129 = arith.addi %sub3A_121, %add3A_128 : i32
      %lt3A_130 = arith.constant 315 : i32
      %lt3A_131 = arith.cmpi slt, %add3A_129, %lt3A_130 : i32
      %convert_element_type3A_132 = arith.extui %lt3A_131 : i1 to i32
      %cond3A_133 = arith.constant 0 : i32
      %cond3A_134 = arith.cmpi ne, %convert_element_type3A_132, %cond3A_133 : i32
      scf.if %cond3A_134 {
        %add3A_276 = arith.constant 7 : i32
        %add3A_277 = arith.addi %sub3A_121, %add3A_276 : i32
        %dma_start3A_278 = arith.constant 0 : i32
        %dma_start3A_279 = tpu.memref_slice %arg7[%add3A_277, %dma_start3A_278] : memref<315x32xi32, #tpu.memory_space<vmem>> -> memref<1x32xi32, #tpu.memory_space<vmem>>
        %dma_start3A_280 = tpu.memref_squeeze %dma_start3A_279 : memref<1x32xi32, #tpu.memory_space<vmem>> -> memref<32xi32, #tpu.memory_space<vmem>>
        %dma_start3A_281 = arith.constant 0 : i32
        %dma_start3A_282 = arith.constant 0 : i32
        %dma_start3A_283 = tpu.memref_slice %arg2[%dma_start3A_281, %dma_start3A_282] : memref<20000x128xf32, #tpu.memory_space<hbm>> -> memref<20000x128xf32, #tpu.memory_space<hbm>>
        tpu.enqueue_indirect_dma source(%dma_start3A_283 : memref<20000x128xf32, #tpu.memory_space<hbm>>) target(%arg10 : memref<32x128xf32, #tpu.memory_space<vmem>>) offsets(%dma_start3A_280 : memref<32xi32, #tpu.memory_space<vmem>>) semaphore(%arg17 : memref<!tpu.dma_semaphore, #tpu.memory_space<semaphore_mem>>)
      } else {
      }
      %add3A_135 = arith.constant 3 : i32
      %add3A_136 = arith.addi %mul3A_65, %add3A_135 : i32
      %dma_wait3A_137 = arith.constant 0 : i32
      %dma_wait3A_138 = tpu.memref_slice %arg7[%add3A_136, %dma_wait3A_137] : memref<315x32xi32, #tpu.memory_space<vmem>> -> memref<1x32xi32, #tpu.memory_space<vmem>>
      %dma_wait3A_139 = tpu.memref_squeeze %dma_wait3A_138 : memref<1x32xi32, #tpu.memory_space<vmem>> -> memref<32xi32, #tpu.memory_space<vmem>>
      %dma_wait3A_140 = arith.constant 0 : i32
      %dma_wait3A_141 = arith.constant 0 : i32
      %dma_wait3A_142 = tpu.memref_slice %arg2[%dma_wait3A_140, %dma_wait3A_141] : memref<20000x128xf32, #tpu.memory_space<hbm>> -> memref<20000x128xf32, #tpu.memory_space<hbm>>
      tpu.wait_indirect_dma semaphore(%arg19 : memref<!tpu.dma_semaphore, #tpu.memory_space<semaphore_mem>>) src(%dma_wait3A_142 : memref<20000x128xf32, #tpu.memory_space<hbm>>) dst(%arg12 : memref<32x128xf32, #tpu.memory_space<vmem>>)
      %dma_start3A_143 = arith.constant 0 : i32
      %dma_start3A_144 = tpu.memref_slice %arg8[%add3A_136, %dma_start3A_143] : memref<315x32xi32, #tpu.memory_space<vmem>> -> memref<1x32xi32, #tpu.memory_space<vmem>>
      %dma_start3A_145 = tpu.memref_squeeze %dma_start3A_144 : memref<1x32xi32, #tpu.memory_space<vmem>> -> memref<32xi32, #tpu.memory_space<vmem>>
      %dma_start3A_146 = arith.constant 0 : i32
      %dma_start3A_147 = arith.constant 0 : i32
      %dma_start3A_148 = tpu.memref_slice %arg6[%dma_start3A_146, %dma_start3A_147] : memref<10008x128xf32, #tpu.memory_space<vmem_shared>> -> memref<10008x128xf32, #tpu.memory_space<vmem_shared>>
      tpu.enqueue_indirect_dma source(%arg12 : memref<32x128xf32, #tpu.memory_space<vmem>>) target(%dma_start3A_148 : memref<10008x128xf32, #tpu.memory_space<vmem_shared>>) offsets(%dma_start3A_145 : memref<32xi32, #tpu.memory_space<vmem>>) semaphore(%arg26 : memref<!tpu.dma_semaphore, #tpu.memory_space<semaphore_mem>>) {add = true}
      %add3A_149 = arith.constant 4 : i32
      %add3A_150 = arith.addi %mul3A_65, %add3A_149 : i32
      %sub3A_151 = arith.constant 2 : i32
      %sub3A_152 = arith.subi %add3A_150, %sub3A_151 : i32
      %dma_wait3A_153 = arith.constant 0 : i32
      %dma_wait3A_154 = tpu.memref_slice %arg8[%sub3A_152, %dma_wait3A_153] : memref<315x32xi32, #tpu.memory_space<vmem>> -> memref<1x32xi32, #tpu.memory_space<vmem>>
      %dma_wait3A_155 = tpu.memref_squeeze %dma_wait3A_154 : memref<1x32xi32, #tpu.memory_space<vmem>> -> memref<32xi32, #tpu.memory_space<vmem>>
      %dma_wait3A_156 = arith.constant 0 : i32
      %dma_wait3A_157 = arith.constant 0 : i32
      %dma_wait3A_158 = tpu.memref_slice %arg6[%dma_wait3A_156, %dma_wait3A_157] : memref<10008x128xf32, #tpu.memory_space<vmem_shared>> -> memref<10008x128xf32, #tpu.memory_space<vmem_shared>>
      tpu.wait_indirect_dma semaphore(%arg25 : memref<!tpu.dma_semaphore, #tpu.memory_space<semaphore_mem>>) src(%arg11 : memref<32x128xf32, #tpu.memory_space<vmem>>) dst(%dma_wait3A_158 : memref<10008x128xf32, #tpu.memory_space<vmem_shared>>)
      %add3A_159 = arith.constant 7 : i32
      %add3A_160 = arith.addi %sub3A_152, %add3A_159 : i32
      %lt3A_161 = arith.constant 315 : i32
      %lt3A_162 = arith.cmpi slt, %add3A_160, %lt3A_161 : i32
      %convert_element_type3A_163 = arith.extui %lt3A_162 : i1 to i32
      %cond3A_164 = arith.constant 0 : i32
      %cond3A_165 = arith.cmpi ne, %convert_element_type3A_163, %cond3A_164 : i32
      scf.if %cond3A_165 {
        %add3A_276 = arith.constant 7 : i32
        %add3A_277 = arith.addi %sub3A_152, %add3A_276 : i32
        %dma_start3A_278 = arith.constant 0 : i32
        %dma_start3A_279 = tpu.memref_slice %arg7[%add3A_277, %dma_start3A_278] : memref<315x32xi32, #tpu.memory_space<vmem>> -> memref<1x32xi32, #tpu.memory_space<vmem>>
        %dma_start3A_280 = tpu.memref_squeeze %dma_start3A_279 : memref<1x32xi32, #tpu.memory_space<vmem>> -> memref<32xi32, #tpu.memory_space<vmem>>
        %dma_start3A_281 = arith.constant 0 : i32
        %dma_start3A_282 = arith.constant 0 : i32
        %dma_start3A_283 = tpu.memref_slice %arg2[%dma_start3A_281, %dma_start3A_282] : memref<20000x128xf32, #tpu.memory_space<hbm>> -> memref<20000x128xf32, #tpu.memory_space<hbm>>
        tpu.enqueue_indirect_dma source(%dma_start3A_283 : memref<20000x128xf32, #tpu.memory_space<hbm>>) target(%arg11 : memref<32x128xf32, #tpu.memory_space<vmem>>) offsets(%dma_start3A_280 : memref<32xi32, #tpu.memory_space<vmem>>) semaphore(%arg18 : memref<!tpu.dma_semaphore, #tpu.memory_space<semaphore_mem>>)
      } else {
      }
      %add3A_166 = arith.constant 4 : i32
      %add3A_167 = arith.addi %mul3A_65, %add3A_166 : i32
      %dma_wait3A_168 = arith.constant 0 : i32
      %dma_wait3A_169 = tpu.memref_slice %arg7[%add3A_167, %dma_wait3A_168] : memref<315x32xi32, #tpu.memory_space<vmem>> -> memref<1x32xi32, #tpu.memory_space<vmem>>
      %dma_wait3A_170 = tpu.memref_squeeze %dma_wait3A_169 : memref<1x32xi32, #tpu.memory_space<vmem>> -> memref<32xi32, #tpu.memory_space<vmem>>
      %dma_wait3A_171 = arith.constant 0 : i32
      %dma_wait3A_172 = arith.constant 0 : i32
      %dma_wait3A_173 = tpu.memref_slice %arg2[%dma_wait3A_171, %dma_wait3A_172] : memref<20000x128xf32, #tpu.memory_space<hbm>> -> memref<20000x128xf32, #tpu.memory_space<hbm>>
      tpu.wait_indirect_dma semaphore(%arg20 : memref<!tpu.dma_semaphore, #tpu.memory_space<semaphore_mem>>) src(%dma_wait3A_173 : memref<20000x128xf32, #tpu.memory_space<hbm>>) dst(%arg13 : memref<32x128xf32, #tpu.memory_space<vmem>>)
      %dma_start3A_174 = arith.constant 0 : i32
      %dma_start3A_175 = tpu.memref_slice %arg8[%add3A_167, %dma_start3A_174] : memref<315x32xi32, #tpu.memory_space<vmem>> -> memref<1x32xi32, #tpu.memory_space<vmem>>
      %dma_start3A_176 = tpu.memref_squeeze %dma_start3A_175 : memref<1x32xi32, #tpu.memory_space<vmem>> -> memref<32xi32, #tpu.memory_space<vmem>>
      %dma_start3A_177 = arith.constant 0 : i32
      %dma_start3A_178 = arith.constant 0 : i32
      %dma_start3A_179 = tpu.memref_slice %arg6[%dma_start3A_177, %dma_start3A_178] : memref<10008x128xf32, #tpu.memory_space<vmem_shared>> -> memref<10008x128xf32, #tpu.memory_space<vmem_shared>>
      tpu.enqueue_indirect_dma source(%arg13 : memref<32x128xf32, #tpu.memory_space<vmem>>) target(%dma_start3A_179 : memref<10008x128xf32, #tpu.memory_space<vmem_shared>>) offsets(%dma_start3A_176 : memref<32xi32, #tpu.memory_space<vmem>>) semaphore(%arg27 : memref<!tpu.dma_semaphore, #tpu.memory_space<semaphore_mem>>) {add = true}
      %add3A_180 = arith.constant 5 : i32
      %add3A_181 = arith.addi %mul3A_65, %add3A_180 : i32
      %sub3A_182 = arith.constant 2 : i32
      %sub3A_183 = arith.subi %add3A_181, %sub3A_182 : i32
      %dma_wait3A_184 = arith.constant 0 : i32
      %dma_wait3A_185 = tpu.memref_slice %arg8[%sub3A_183, %dma_wait3A_184] : memref<315x32xi32, #tpu.memory_space<vmem>> -> memref<1x32xi32, #tpu.memory_space<vmem>>
      %dma_wait3A_186 = tpu.memref_squeeze %dma_wait3A_185 : memref<1x32xi32, #tpu.memory_space<vmem>> -> memref<32xi32, #tpu.memory_space<vmem>>
      %dma_wait3A_187 = arith.constant 0 : i32
      %dma_wait3A_188 = arith.constant 0 : i32
      %dma_wait3A_189 = tpu.memref_slice %arg6[%dma_wait3A_187, %dma_wait3A_188] : memref<10008x128xf32, #tpu.memory_space<vmem_shared>> -> memref<10008x128xf32, #tpu.memory_space<vmem_shared>>
      tpu.wait_indirect_dma semaphore(%arg26 : memref<!tpu.dma_semaphore, #tpu.memory_space<semaphore_mem>>) src(%arg12 : memref<32x128xf32, #tpu.memory_space<vmem>>) dst(%dma_wait3A_189 : memref<10008x128xf32, #tpu.memory_space<vmem_shared>>)
      %add3A_190 = arith.constant 7 : i32
      %add3A_191 = arith.addi %sub3A_183, %add3A_190 : i32
      %lt3A_192 = arith.constant 315 : i32
      %lt3A_193 = arith.cmpi slt, %add3A_191, %lt3A_192 : i32
      %convert_element_type3A_194 = arith.extui %lt3A_193 : i1 to i32
      %cond3A_195 = arith.constant 0 : i32
      %cond3A_196 = arith.cmpi ne, %convert_element_type3A_194, %cond3A_195 : i32
      scf.if %cond3A_196 {
        %add3A_276 = arith.constant 7 : i32
        %add3A_277 = arith.addi %sub3A_183, %add3A_276 : i32
        %dma_start3A_278 = arith.constant 0 : i32
        %dma_start3A_279 = tpu.memref_slice %arg7[%add3A_277, %dma_start3A_278] : memref<315x32xi32, #tpu.memory_space<vmem>> -> memref<1x32xi32, #tpu.memory_space<vmem>>
        %dma_start3A_280 = tpu.memref_squeeze %dma_start3A_279 : memref<1x32xi32, #tpu.memory_space<vmem>> -> memref<32xi32, #tpu.memory_space<vmem>>
        %dma_start3A_281 = arith.constant 0 : i32
        %dma_start3A_282 = arith.constant 0 : i32
        %dma_start3A_283 = tpu.memref_slice %arg2[%dma_start3A_281, %dma_start3A_282] : memref<20000x128xf32, #tpu.memory_space<hbm>> -> memref<20000x128xf32, #tpu.memory_space<hbm>>
        tpu.enqueue_indirect_dma source(%dma_start3A_283 : memref<20000x128xf32, #tpu.memory_space<hbm>>) target(%arg12 : memref<32x128xf32, #tpu.memory_space<vmem>>) offsets(%dma_start3A_280 : memref<32xi32, #tpu.memory_space<vmem>>) semaphore(%arg19 : memref<!tpu.dma_semaphore, #tpu.memory_space<semaphore_mem>>)
      } else {
      }
      %add3A_197 = arith.constant 5 : i32
      %add3A_198 = arith.addi %mul3A_65, %add3A_197 : i32
      %dma_wait3A_199 = arith.constant 0 : i32
      %dma_wait3A_200 = tpu.memref_slice %arg7[%add3A_198, %dma_wait3A_199] : memref<315x32xi32, #tpu.memory_space<vmem>> -> memref<1x32xi32, #tpu.memory_space<vmem>>
      %dma_wait3A_201 = tpu.memref_squeeze %dma_wait3A_200 : memref<1x32xi32, #tpu.memory_space<vmem>> -> memref<32xi32, #tpu.memory_space<vmem>>
      %dma_wait3A_202 = arith.constant 0 : i32
      %dma_wait3A_203 = arith.constant 0 : i32
      %dma_wait3A_204 = tpu.memref_slice %arg2[%dma_wait3A_202, %dma_wait3A_203] : memref<20000x128xf32, #tpu.memory_space<hbm>> -> memref<20000x128xf32, #tpu.memory_space<hbm>>
      tpu.wait_indirect_dma semaphore(%arg21 : memref<!tpu.dma_semaphore, #tpu.memory_space<semaphore_mem>>) src(%dma_wait3A_204 : memref<20000x128xf32, #tpu.memory_space<hbm>>) dst(%arg14 : memref<32x128xf32, #tpu.memory_space<vmem>>)
      %dma_start3A_205 = arith.constant 0 : i32
      %dma_start3A_206 = tpu.memref_slice %arg8[%add3A_198, %dma_start3A_205] : memref<315x32xi32, #tpu.memory_space<vmem>> -> memref<1x32xi32, #tpu.memory_space<vmem>>
      %dma_start3A_207 = tpu.memref_squeeze %dma_start3A_206 : memref<1x32xi32, #tpu.memory_space<vmem>> -> memref<32xi32, #tpu.memory_space<vmem>>
      %dma_start3A_208 = arith.constant 0 : i32
      %dma_start3A_209 = arith.constant 0 : i32
      %dma_start3A_210 = tpu.memref_slice %arg6[%dma_start3A_208, %dma_start3A_209] : memref<10008x128xf32, #tpu.memory_space<vmem_shared>> -> memref<10008x128xf32, #tpu.memory_space<vmem_shared>>
      tpu.enqueue_indirect_dma source(%arg14 : memref<32x128xf32, #tpu.memory_space<vmem>>) target(%dma_start3A_210 : memref<10008x128xf32, #tpu.memory_space<vmem_shared>>) offsets(%dma_start3A_207 : memref<32xi32, #tpu.memory_space<vmem>>) semaphore(%arg28 : memref<!tpu.dma_semaphore, #tpu.memory_space<semaphore_mem>>) {add = true}
      %add3A_211 = arith.constant 6 : i32
      %add3A_212 = arith.addi %mul3A_65, %add3A_211 : i32
      %sub3A_213 = arith.constant 2 : i32
      %sub3A_214 = arith.subi %add3A_212, %sub3A_213 : i32
      %dma_wait3A_215 = arith.constant 0 : i32
      %dma_wait3A_216 = tpu.memref_slice %arg8[%sub3A_214, %dma_wait3A_215] : memref<315x32xi32, #tpu.memory_space<vmem>> -> memref<1x32xi32, #tpu.memory_space<vmem>>
      %dma_wait3A_217 = tpu.memref_squeeze %dma_wait3A_216 : memref<1x32xi32, #tpu.memory_space<vmem>> -> memref<32xi32, #tpu.memory_space<vmem>>
      %dma_wait3A_218 = arith.constant 0 : i32
      %dma_wait3A_219 = arith.constant 0 : i32
      %dma_wait3A_220 = tpu.memref_slice %arg6[%dma_wait3A_218, %dma_wait3A_219] : memref<10008x128xf32, #tpu.memory_space<vmem_shared>> -> memref<10008x128xf32, #tpu.memory_space<vmem_shared>>
      tpu.wait_indirect_dma semaphore(%arg27 : memref<!tpu.dma_semaphore, #tpu.memory_space<semaphore_mem>>) src(%arg13 : memref<32x128xf32, #tpu.memory_space<vmem>>) dst(%dma_wait3A_220 : memref<10008x128xf32, #tpu.memory_space<vmem_shared>>)
      %add3A_221 = arith.constant 7 : i32
      %add3A_222 = arith.addi %sub3A_214, %add3A_221 : i32
      %lt3A_223 = arith.constant 315 : i32
      %lt3A_224 = arith.cmpi slt, %add3A_222, %lt3A_223 : i32
      %convert_element_type3A_225 = arith.extui %lt3A_224 : i1 to i32
      %cond3A_226 = arith.constant 0 : i32
      %cond3A_227 = arith.cmpi ne, %convert_element_type3A_225, %cond3A_226 : i32
      scf.if %cond3A_227 {
        %add3A_276 = arith.constant 7 : i32
        %add3A_277 = arith.addi %sub3A_214, %add3A_276 : i32
        %dma_start3A_278 = arith.constant 0 : i32
        %dma_start3A_279 = tpu.memref_slice %arg7[%add3A_277, %dma_start3A_278] : memref<315x32xi32, #tpu.memory_space<vmem>> -> memref<1x32xi32, #tpu.memory_space<vmem>>
        %dma_start3A_280 = tpu.memref_squeeze %dma_start3A_279 : memref<1x32xi32, #tpu.memory_space<vmem>> -> memref<32xi32, #tpu.memory_space<vmem>>
        %dma_start3A_281 = arith.constant 0 : i32
        %dma_start3A_282 = arith.constant 0 : i32
        %dma_start3A_283 = tpu.memref_slice %arg2[%dma_start3A_281, %dma_start3A_282] : memref<20000x128xf32, #tpu.memory_space<hbm>> -> memref<20000x128xf32, #tpu.memory_space<hbm>>
        tpu.enqueue_indirect_dma source(%dma_start3A_283 : memref<20000x128xf32, #tpu.memory_space<hbm>>) target(%arg13 : memref<32x128xf32, #tpu.memory_space<vmem>>) offsets(%dma_start3A_280 : memref<32xi32, #tpu.memory_space<vmem>>) semaphore(%arg20 : memref<!tpu.dma_semaphore, #tpu.memory_space<semaphore_mem>>)
      } else {
      }
      %add3A_228 = arith.constant 6 : i32
      %add3A_229 = arith.addi %mul3A_65, %add3A_228 : i32
      %dma_wait3A_230 = arith.constant 0 : i32
      %dma_wait3A_231 = tpu.memref_slice %arg7[%add3A_229, %dma_wait3A_230] : memref<315x32xi32, #tpu.memory_space<vmem>> -> memref<1x32xi32, #tpu.memory_space<vmem>>
      %dma_wait3A_232 = tpu.memref_squeeze %dma_wait3A_231 : memref<1x32xi32, #tpu.memory_space<vmem>> -> memref<32xi32, #tpu.memory_space<vmem>>
      %dma_wait3A_233 = arith.constant 0 : i32
      %dma_wait3A_234 = arith.constant 0 : i32
      %dma_wait3A_235 = tpu.memref_slice %arg2[%dma_wait3A_233, %dma_wait3A_234] : memref<20000x128xf32, #tpu.memory_space<hbm>> -> memref<20000x128xf32, #tpu.memory_space<hbm>>
      tpu.wait_indirect_dma semaphore(%arg22 : memref<!tpu.dma_semaphore, #tpu.memory_space<semaphore_mem>>) src(%dma_wait3A_235 : memref<20000x128xf32, #tpu.memory_space<hbm>>) dst(%arg15 : memref<32x128xf32, #tpu.memory_space<vmem>>)
      %dma_start3A_236 = arith.constant 0 : i32
      %dma_start3A_237 = tpu.memref_slice %arg8[%add3A_229, %dma_start3A_236] : memref<315x32xi32, #tpu.memory_space<vmem>> -> memref<1x32xi32, #tpu.memory_space<vmem>>
      %dma_start3A_238 = tpu.memref_squeeze %dma_start3A_237 : memref<1x32xi32, #tpu.memory_space<vmem>> -> memref<32xi32, #tpu.memory_space<vmem>>
      %dma_start3A_239 = arith.constant 0 : i32
      %dma_start3A_240 = arith.constant 0 : i32
      %dma_start3A_241 = tpu.memref_slice %arg6[%dma_start3A_239, %dma_start3A_240] : memref<10008x128xf32, #tpu.memory_space<vmem_shared>> -> memref<10008x128xf32, #tpu.memory_space<vmem_shared>>
      tpu.enqueue_indirect_dma source(%arg15 : memref<32x128xf32, #tpu.memory_space<vmem>>) target(%dma_start3A_241 : memref<10008x128xf32, #tpu.memory_space<vmem_shared>>) offsets(%dma_start3A_238 : memref<32xi32, #tpu.memory_space<vmem>>) semaphore(%arg29 : memref<!tpu.dma_semaphore, #tpu.memory_space<semaphore_mem>>) {add = true}
      %add3A_242 = arith.constant 7 : i32
      %add3A_243 = arith.addi %mul3A_65, %add3A_242 : i32
      %sub3A_244 = arith.constant 2 : i32
      %sub3A_245 = arith.subi %add3A_243, %sub3A_244 : i32
      %dma_wait3A_246 = arith.constant 0 : i32
      %dma_wait3A_247 = tpu.memref_slice %arg8[%sub3A_245, %dma_wait3A_246] : memref<315x32xi32, #tpu.memory_space<vmem>> -> memref<1x32xi32, #tpu.memory_space<vmem>>
      %dma_wait3A_248 = tpu.memref_squeeze %dma_wait3A_247 : memref<1x32xi32, #tpu.memory_space<vmem>> -> memref<32xi32, #tpu.memory_space<vmem>>
      %dma_wait3A_249 = arith.constant 0 : i32
      %dma_wait3A_250 = arith.constant 0 : i32
      %dma_wait3A_251 = tpu.memref_slice %arg6[%dma_wait3A_249, %dma_wait3A_250] : memref<10008x128xf32, #tpu.memory_space<vmem_shared>> -> memref<10008x128xf32, #tpu.memory_space<vmem_shared>>
      tpu.wait_indirect_dma semaphore(%arg28 : memref<!tpu.dma_semaphore, #tpu.memory_space<semaphore_mem>>) src(%arg14 : memref<32x128xf32, #tpu.memory_space<vmem>>) dst(%dma_wait3A_251 : memref<10008x128xf32, #tpu.memory_space<vmem_shared>>)
      %add3A_252 = arith.constant 7 : i32
      %add3A_253 = arith.addi %sub3A_245, %add3A_252 : i32
      %lt3A_254 = arith.constant 315 : i32
      %lt3A_255 = arith.cmpi slt, %add3A_253, %lt3A_254 : i32
      %convert_element_type3A_256 = arith.extui %lt3A_255 : i1 to i32
      %cond3A_257 = arith.constant 0 : i32
      %cond3A_258 = arith.cmpi ne, %convert_element_type3A_256, %cond3A_257 : i32
      scf.if %cond3A_258 {
        %add3A_276 = arith.constant 7 : i32
        %add3A_277 = arith.addi %sub3A_245, %add3A_276 : i32
        %dma_start3A_278 = arith.constant 0 : i32
        %dma_start3A_279 = tpu.memref_slice %arg7[%add3A_277, %dma_start3A_278] : memref<315x32xi32, #tpu.memory_space<vmem>> -> memref<1x32xi32, #tpu.memory_space<vmem>>
        %dma_start3A_280 = tpu.memref_squeeze %dma_start3A_279 : memref<1x32xi32, #tpu.memory_space<vmem>> -> memref<32xi32, #tpu.memory_space<vmem>>
        %dma_start3A_281 = arith.constant 0 : i32
        %dma_start3A_282 = arith.constant 0 : i32
        %dma_start3A_283 = tpu.memref_slice %arg2[%dma_start3A_281, %dma_start3A_282] : memref<20000x128xf32, #tpu.memory_space<hbm>> -> memref<20000x128xf32, #tpu.memory_space<hbm>>
        tpu.enqueue_indirect_dma source(%dma_start3A_283 : memref<20000x128xf32, #tpu.memory_space<hbm>>) target(%arg14 : memref<32x128xf32, #tpu.memory_space<vmem>>) offsets(%dma_start3A_280 : memref<32xi32, #tpu.memory_space<vmem>>) semaphore(%arg21 : memref<!tpu.dma_semaphore, #tpu.memory_space<semaphore_mem>>)
      } else {
      }
      %add3A_259 = arith.constant 7 : i32
      %add3A_260 = arith.addi %mul3A_65, %add3A_259 : i32
      %sub3A_261 = arith.constant 1 : i32
      %sub3A_262 = arith.subi %add3A_260, %sub3A_261 : i32
      %dma_wait3A_263 = arith.constant 0 : i32
      %dma_wait3A_264 = tpu.memref_slice %arg8[%sub3A_262, %dma_wait3A_263] : memref<315x32xi32, #tpu.memory_space<vmem>> -> memref<1x32xi32, #tpu.memory_space<vmem>>
      %dma_wait3A_265 = tpu.memref_squeeze %dma_wait3A_264 : memref<1x32xi32, #tpu.memory_space<vmem>> -> memref<32xi32, #tpu.memory_space<vmem>>
      %dma_wait3A_266 = arith.constant 0 : i32
      %dma_wait3A_267 = arith.constant 0 : i32
      %dma_wait3A_268 = tpu.memref_slice %arg6[%dma_wait3A_266, %dma_wait3A_267] : memref<10008x128xf32, #tpu.memory_space<vmem_shared>> -> memref<10008x128xf32, #tpu.memory_space<vmem_shared>>
      tpu.wait_indirect_dma semaphore(%arg29 : memref<!tpu.dma_semaphore, #tpu.memory_space<semaphore_mem>>) src(%arg15 : memref<32x128xf32, #tpu.memory_space<vmem>>) dst(%dma_wait3A_268 : memref<10008x128xf32, #tpu.memory_space<vmem_shared>>)
      %add3A_269 = arith.constant 7 : i32
      %add3A_270 = arith.addi %sub3A_262, %add3A_269 : i32
      %lt3A_271 = arith.constant 315 : i32
      %lt3A_272 = arith.cmpi slt, %add3A_270, %lt3A_271 : i32
      %convert_element_type3A_273 = arith.extui %lt3A_272 : i1 to i32
      %cond3A_274 = arith.constant 0 : i32
      %cond3A_275 = arith.cmpi ne, %convert_element_type3A_273, %cond3A_274 : i32
      scf.if %cond3A_275 {
        %add3A_276 = arith.constant 7 : i32
        %add3A_277 = arith.addi %sub3A_262, %add3A_276 : i32
        %dma_start3A_278 = arith.constant 0 : i32
        %dma_start3A_279 = tpu.memref_slice %arg7[%add3A_277, %dma_start3A_278] : memref<315x32xi32, #tpu.memory_space<vmem>> -> memref<1x32xi32, #tpu.memory_space<vmem>>
        %dma_start3A_280 = tpu.memref_squeeze %dma_start3A_279 : memref<1x32xi32, #tpu.memory_space<vmem>> -> memref<32xi32, #tpu.memory_space<vmem>>
        %dma_start3A_281 = arith.constant 0 : i32
        %dma_start3A_282 = arith.constant 0 : i32
        %dma_start3A_283 = tpu.memref_slice %arg2[%dma_start3A_281, %dma_start3A_282] : memref<20000x128xf32, #tpu.memory_space<hbm>> -> memref<20000x128xf32, #tpu.memory_space<hbm>>
        tpu.enqueue_indirect_dma source(%dma_start3A_283 : memref<20000x128xf32, #tpu.memory_space<hbm>>) target(%arg15 : memref<32x128xf32, #tpu.memory_space<vmem>>) offsets(%dma_start3A_280 : memref<32xi32, #tpu.memory_space<vmem>>) semaphore(%arg22 : memref<!tpu.dma_semaphore, #tpu.memory_space<semaphore_mem>>)
      } else {
      }
    }
    %scan3A_61 = arith.constant 45 : i32
    %barrier3A_62 = arith.constant 0 : index
    tpu.barrier barrier_id(%barrier3A_62)
    "tpu.region"() ({
      %run_scoped3A = tpu.sem_alloc : memref<!tpu.dma_semaphore, #tpu.memory_space<semaphore_mem>>
      %dma_start3A_63 = arith.constant 0 : i32
      %dma_start3A_64 = tpu.memref_slice %arg5[%multiple_of3A, %dma_start3A_63] : memref<20000x128xf32, #tpu.memory_space<hbm>> -> memref<625x128xf32, #tpu.memory_space<hbm>>
      %dma_start3A_65 = arith.constant 0 : i32
      %dma_start3A_66 = tpu.memref_slice %arg6[%multiple_of3A_5, %dma_start3A_65] : memref<10008x128xf32, #tpu.memory_space<vmem_shared>> -> memref<625x128xf32, #tpu.memory_space<vmem_shared>>
      tpu.enqueue_dma source(%dma_start3A_66 : memref<625x128xf32, #tpu.memory_space<vmem_shared>>) target(%dma_start3A_64 : memref<625x128xf32, #tpu.memory_space<hbm>>) target_semaphore(%run_scoped3A : memref<!tpu.dma_semaphore, #tpu.memory_space<semaphore_mem>>)
      %dma_wait3A = arith.constant 0 : i32
      %dma_wait3A_67 = tpu.memref_slice %arg5[%multiple_of3A, %dma_wait3A] : memref<20000x128xf32, #tpu.memory_space<hbm>> -> memref<625x128xf32, #tpu.memory_space<hbm>>
      %dma_wait3A_68 = arith.constant 0 : i32
      %dma_wait3A_69 = tpu.memref_slice %arg6[%multiple_of3A_5, %dma_wait3A_68] : memref<10008x128xf32, #tpu.memory_space<vmem_shared>> -> memref<625x128xf32, #tpu.memory_space<vmem_shared>>
      tpu.wait_dma2 semaphore(%run_scoped3A : memref<!tpu.dma_semaphore, #tpu.memory_space<semaphore_mem>>) src(%dma_wait3A_69 : memref<625x128xf32, #tpu.memory_space<vmem_shared>>) dst(%dma_wait3A_67 : memref<625x128xf32, #tpu.memory_space<hbm>>)
      tpu.yield
    }) : () -> ()
    return
  }
}

module attributes {stable_mosaic.version = 14 : i64} {
  func.func @body(%arg0: i32, %arg1: memref<1000x256xf32, #tpu.memory_space<vmem>>, %arg2: memref<256x256xf32, #tpu.memory_space<vmem>>, %arg3: memref<32x1x1x1000xf32, #tpu.memory_space<vmem>>, %arg4: memref<2x1000x128xf32, #tpu.memory_space<vmem>>, %arg5: memref<1000x1xf32, #tpu.memory_space<vmem>>) attributes {dimension_semantics = [#tpu.dimension_semantics<arbitrary>], iteration_bounds = array<i64: 10>, scalar_prefetch = 0 : i64, scratch_operands = 0 : i64, tpu.core_type = #tpu.core_type<tc>, window_params = [{transform_indices = @transform_0, window_bounds = array<i64: 1000, 256>}, {pipeline_mode = #tpu.pipeline_mode<synchronous>, transform_indices = @transform_1, window_bounds = array<i64: 256, 256>}, {transform_indices = @transform_2, window_bounds = array<i64: 32, 1, 1, 1000>}, {transform_indices = @transform_3, window_bounds = array<i64: 2, 1000, 128>}, {transform_indices = @transform_4, window_bounds = array<i64: 1000, 1>}]} {
    %get3A = arith.constant 0 : index
    %get3A_0 = arith.constant 0 : index
    %get3A_1 = arith.constant 0 : index
    %get3A_2 = arith.constant 0 : index
    %get3A_3 = vector.load %arg3[%get3A, %get3A_0, %get3A_1, %get3A_2] : memref<32x1x1x1000xf32, #tpu.memory_space<vmem>>, vector<32x1x1x1000xf32>
    %reshape3A = vector.shape_cast %get3A_3 : vector<32x1x1x1000xf32> to vector<32x1000xf32>
    %reduce_sum3A = arith.constant dense<0.000000e+00> : vector<1000xf32>
    %reduce_sum3A_4 = vector.multi_reduction <add>, %reshape3A, %reduce_sum3A [0] : vector<32x1000xf32> to vector<1000xf32>
    %add3A = arith.constant 1.000000e+00 : f32
    %add3A_5 = vector.broadcast %add3A : f32 to vector<1000xf32>
    %add3A_6 = arith.addf %add3A_5, %reduce_sum3A_4 : vector<1000xf32>
    %rsqrt3A = math.rsqrt %add3A_6 : vector<1000xf32>
    %broadcast_in_dim3A = vector.shape_cast %rsqrt3A : vector<1000xf32> to vector<1000x1xf32>
    %get3A_7 = arith.constant 0 : index
    %get3A_8 = arith.constant 0 : index
    %get3A_9 = vector.load %arg1[%get3A_7, %get3A_8] : memref<1000x256xf32, #tpu.memory_space<vmem>>, vector<1000x256xf32>
    %get3A_10 = arith.constant 0 : index
    %get3A_11 = arith.constant 0 : index
    %get3A_12 = vector.load %arg2[%get3A_10, %get3A_11] : memref<256x256xf32, #tpu.memory_space<vmem>>, vector<256x256xf32>
    %dot_general3A = arith.constant dense<0.000000e+00> : vector<1000x256xf32>
    %dot_general3A_13 = tpu.matmul %get3A_9, %get3A_12, %dot_general3A {dimension_numbers = #tpu.dot_dimension_numbers<[1], [0], [0], [1], [0, 0, 1, 1], [], []>, transpose_lhs_hint = false} : vector<1000x256xf32>, vector<256x256xf32>, vector<1000x256xf32> -> vector<1000x256xf32>
    %mul3A = vector.broadcast %broadcast_in_dim3A : vector<1000x1xf32> to vector<1000x256xf32>
    %mul3A_14 = arith.mulf %dot_general3A_13, %mul3A : vector<1000x256xf32>
    %slice3A = vector.extract_strided_slice %mul3A_14 {offsets = [0, 0], sizes = [1000, 128], strides = [1, 1]} : vector<1000x256xf32> to vector<1000x128xf32>
    %swap3A = arith.constant 0 : index
    %swap3A_15 = arith.constant 0 : index
    %swap3A_16 = arith.constant 0 : index
    %swap3A_17 = vector.load %arg4[%swap3A, %swap3A_15, %swap3A_16] : memref<2x1000x128xf32, #tpu.memory_space<vmem>>, vector<1x1000x128xf32>
    %swap3A_18 = vector.shape_cast %swap3A_17 : vector<1x1000x128xf32> to vector<1000x128xf32>
    %swap3A_19 = vector.shape_cast %slice3A : vector<1000x128xf32> to vector<1x1000x128xf32>
    tpu.vector_store %arg4[%swap3A, %swap3A_15, %swap3A_16], %swap3A_19 {strides = array<i32>} : memref<2x1000x128xf32, #tpu.memory_space<vmem>>, vector<1x1000x128xf32>,
    %slice3A_20 = vector.extract_strided_slice %mul3A_14 {offsets = [0, 128], sizes = [1000, 128], strides = [1, 1]} : vector<1000x256xf32> to vector<1000x128xf32>
    %swap3A_21 = arith.constant 1 : index
    %swap3A_22 = arith.constant 0 : index
    %swap3A_23 = arith.constant 0 : index
    %swap3A_24 = vector.load %arg4[%swap3A_21, %swap3A_22, %swap3A_23] : memref<2x1000x128xf32, #tpu.memory_space<vmem>>, vector<1x1000x128xf32>
    %swap3A_25 = vector.shape_cast %swap3A_24 : vector<1x1000x128xf32> to vector<1000x128xf32>
    %swap3A_26 = vector.shape_cast %slice3A_20 : vector<1000x128xf32> to vector<1x1000x128xf32>
    tpu.vector_store %arg4[%swap3A_21, %swap3A_22, %swap3A_23], %swap3A_26 {strides = array<i32>} : memref<2x1000x128xf32, #tpu.memory_space<vmem>>, vector<1x1000x128xf32>,
    %swap3A_27 = arith.constant 0 : index
    %swap3A_28 = arith.constant 0 : index
    %swap3A_29 = vector.load %arg5[%swap3A_27, %swap3A_28] : memref<1000x1xf32, #tpu.memory_space<vmem>>, vector<1000x1xf32>
    tpu.vector_store %arg5[%swap3A_27, %swap3A_28], %broadcast_in_dim3A {strides = array<i32>} : memref<1000x1xf32, #tpu.memory_space<vmem>>, vector<1000x1xf32>,
    return
  }
  func.func @transform_0(%arg0: i32) -> (i32, i32) {
    %c0_i32 = arith.constant 0 : i32
    %c0_i32_0 = arith.constant 0 : i32
    return %arg0, %c0_i32 : i32, i32
  }
  func.func @transform_1(%arg0: i32) -> (i32, i32) {
    %c0_i32 = arith.constant 0 : i32
    %c0_i32_0 = arith.constant 0 : i32
    %c0_i32_1 = arith.constant 0 : i32
    return %c0_i32, %c0_i32_0 : i32, i32
  }
  func.func @transform_2(%arg0: i32) -> (i32, i32, i32, i32) {
    %c0_i32 = arith.constant 0 : i32
    %c0_i32_0 = arith.constant 0 : i32
    %c0_i32_1 = arith.constant 0 : i32
    %c0_i32_2 = arith.constant 0 : i32
    return %c0_i32, %arg0, %c0_i32_0, %c0_i32_1 : i32, i32, i32, i32
  }
  func.func @transform_3(%arg0: i32) -> (i32, i32, i32) {
    %c0_i32 = arith.constant 0 : i32
    %c0_i32_0 = arith.constant 0 : i32
    %c0_i32_1 = arith.constant 0 : i32
    return %c0_i32, %arg0, %c0_i32_0 : i32, i32, i32
  }
  func.func @transform_4(%arg0: i32) -> (i32, i32) {
    %c0_i32 = arith.constant 0 : i32
    %c0_i32_0 = arith.constant 0 : i32
    return %arg0, %c0_i32 : i32, i32
  }
}

module attributes {stable_mosaic.version = 14 : i64} {
  func.func @body(%arg0: i32, %arg1: memref<2x1000x128xf32, #tpu.memory_space<vmem>>, %arg2: memref<1000x1xf32, #tpu.memory_space<vmem>>, %arg3: memref<256xf32, #tpu.memory_space<vmem>>, %arg4: memref<1x1x1000xi32, #tpu.memory_space<vmem>>, %arg5: memref<256x256xf32, #tpu.memory_space<vmem>>, %arg6: memref<2x1000x128xf32, #tpu.memory_space<vmem>>, %arg7: memref<128x256xf32, #tpu.memory_space<vmem>>, %arg8: memref<128x1xf32, #tpu.memory_space<vmem>>, %arg9: memref<128x256xf32, #tpu.memory_space<vmem>>, %arg10: memref<128x1xf32, #tpu.memory_space<vmem>>) attributes {dimension_semantics = [#tpu.dimension_semantics<arbitrary>], iteration_bounds = array<i64: 10>, scalar_prefetch = 0 : i64, scratch_operands = 2 : i64, tpu.core_type = #tpu.core_type<tc>, window_params = [{transform_indices = @transform_0, window_bounds = array<i64: 2, 1000, 128>}, {transform_indices = @transform_1, window_bounds = array<i64: 1000, 1>}, {pipeline_mode = #tpu.pipeline_mode<synchronous>, transform_indices = @transform_2, window_bounds = array<i64: 256>}, {transform_indices = @transform_3, window_bounds = array<i64: 1, 1, 1000>}, {pipeline_mode = #tpu.pipeline_mode<synchronous>, transform_indices = @transform_4, window_bounds = array<i64: 256, 256>}, {transform_indices = @transform_5, window_bounds = array<i64: 2, 1000, 128>}, {pipeline_mode = #tpu.pipeline_mode<synchronous>, transform_indices = @transform_6, window_bounds = array<i64: 128, 256>}, {pipeline_mode = #tpu.pipeline_mode<synchronous>, transform_indices = @transform_7, window_bounds = array<i64: 128, 1>}]} {
    %eq3A = arith.constant 0 : i32
    %eq3A_0 = arith.cmpi eq, %arg0, %eq3A : i32
    %convert_element_type3A = arith.extui %eq3A_0 : i1 to i32
    %cond3A = arith.constant 0 : i32
    %cond3A_1 = arith.cmpi ne, %convert_element_type3A, %cond3A : i32
    scf.if %cond3A_1 {
      %broadcast_in_dim3A_67 = arith.constant 0.000000e+00 : f32
      %broadcast_in_dim3A_68 = vector.broadcast %broadcast_in_dim3A_67 : f32 to vector<128x256xf32>
      %swap3A_69 = arith.constant 0 : index
      %swap3A_70 = arith.constant 0 : index
      %swap3A_71 = vector.load %arg9[%swap3A_69, %swap3A_70] : memref<128x256xf32, #tpu.memory_space<vmem>>, vector<128x256xf32>
      tpu.vector_store %arg9[%swap3A_69, %swap3A_70], %broadcast_in_dim3A_68 {strides = array<i32>} : memref<128x256xf32, #tpu.memory_space<vmem>>, vector<128x256xf32>,
      %broadcast_in_dim3A_72 = arith.constant 0.000000e+00 : f32
      %broadcast_in_dim3A_73 = vector.broadcast %broadcast_in_dim3A_72 : f32 to vector<128x1xf32>
      %swap3A_74 = arith.constant 0 : index
      %swap3A_75 = arith.constant 0 : index
      %swap3A_76 = vector.load %arg10[%swap3A_74, %swap3A_75] : memref<128x1xf32, #tpu.memory_space<vmem>>, vector<128x1xf32>
      tpu.vector_store %arg10[%swap3A_74, %swap3A_75], %broadcast_in_dim3A_73 {strides = array<i32>} : memref<128x1xf32, #tpu.memory_space<vmem>>, vector<128x1xf32>,
    } else {
    }
    %get3A = arith.constant 0 : index
    %get3A_2 = arith.constant 0 : index
    %get3A_3 = arith.constant 0 : index
    %get3A_4 = vector.load %arg1[%get3A, %get3A_2, %get3A_3] : memref<2x1000x128xf32, #tpu.memory_space<vmem>>, vector<2x1000x128xf32>
    %slice3A = vector.extract_strided_slice %get3A_4 {offsets = [0, 0, 0], sizes = [1, 1000, 128], strides = [1, 1, 1]} : vector<2x1000x128xf32> to vector<1x1000x128xf32>
    %squeeze3A = vector.shape_cast %slice3A : vector<1x1000x128xf32> to vector<1000x128xf32>
    %slice3A_5 = vector.extract_strided_slice %get3A_4 {offsets = [1, 0, 0], sizes = [1, 1000, 128], strides = [1, 1, 1]} : vector<2x1000x128xf32> to vector<1x1000x128xf32>
    %squeeze3A_6 = vector.shape_cast %slice3A_5 : vector<1x1000x128xf32> to vector<1000x128xf32>
    %concatenate3A = tpu.concatenate %squeeze3A, %squeeze3A_6 in 1 : vector<1000x128xf32>, vector<1000x128xf32> -> vector<1000x256xf32>
    %get3A_7 = arith.constant 0 : index
    %get3A_8 = arith.constant 0 : index
    %get3A_9 = vector.load %arg2[%get3A_7, %get3A_8] : memref<1000x1xf32, #tpu.memory_space<vmem>>, vector<1000x1xf32>
    %mul3A = vector.broadcast %get3A_9 : vector<1000x1xf32> to vector<1000x256xf32>
    %mul3A_10 = arith.mulf %concatenate3A, %mul3A : vector<1000x256xf32>
    %get3A_11 = arith.constant 0 : index
    %get3A_12 = vector.load %arg3[%get3A_11] : memref<256xf32, #tpu.memory_space<vmem>>, vector<256xf32>
    %broadcast_in_dim3A = vector.shape_cast %get3A_12 : vector<256xf32> to vector<1x256xf32>
    %add3A = vector.broadcast %broadcast_in_dim3A : vector<1x256xf32> to vector<1000x256xf32>
    %add3A_13 = arith.addf %mul3A_10, %add3A : vector<1000x256xf32>
    %max3A = arith.constant 0.000000e+00 : f32
    %max3A_14 = vector.broadcast %max3A : f32 to vector<1000x256xf32>
    %max3A_15 = arith.maximumf %add3A_13, %max3A_14 : vector<1000x256xf32>
    %get3A_16 = arith.constant 0 : index
    %get3A_17 = arith.constant 0 : index
    %get3A_18 = arith.constant 0 : index
    %get3A_19 = vector.load %arg4[%get3A_16, %get3A_17, %get3A_18] : memref<1x1x1000xi32, #tpu.memory_space<vmem>>, vector<1x1x1000xi32>
    %reshape3A = vector.shape_cast %get3A_19 : vector<1x1x1000xi32> to vector<1000xi32>
    %iota3A = tpu.iota {dimensions = array<i32: 0>} : vector<128x1000xi32>
    %broadcast_in_dim3A_20 = vector.shape_cast %reshape3A : vector<1000xi32> to vector<1x1000xi32>
    %eq3A_21 = vector.broadcast %broadcast_in_dim3A_20 : vector<1x1000xi32> to vector<128x1000xi32>
    %eq3A_22 = arith.cmpi eq, %iota3A, %eq3A_21 : vector<128x1000xi32>
    %convert_element_type3A_23 = arith.extui %eq3A_22 : vector<128x1000xi1> to vector<128x1000xi32>
    %convert_element_type3A_24 = arith.sitofp %convert_element_type3A_23 : vector<128x1000xi32> to vector<128x1000xf32>
    %get3A_25 = arith.constant 0 : index
    %get3A_26 = arith.constant 0 : index
    %get3A_27 = vector.load %arg9[%get3A_25, %get3A_26] : memref<128x256xf32, #tpu.memory_space<vmem>>, vector<128x256xf32>
    %dot_general3A = arith.constant dense<0.000000e+00> : vector<128x256xf32>
    %dot_general3A_28 = tpu.matmul %convert_element_type3A_24, %max3A_15, %dot_general3A {dimension_numbers = #tpu.dot_dimension_numbers<[1], [0], [0], [1], [0, 0, 1, 1], [], []>, transpose_lhs_hint = false} : vector<128x1000xf32>, vector<1000x256xf32>, vector<128x256xf32> -> vector<128x256xf32>
    %add3A_29 = arith.addf %get3A_27, %dot_general3A_28 : vector<128x256xf32>
    %swap3A = arith.constant 0 : index
    %swap3A_30 = arith.constant 0 : index
    %swap3A_31 = vector.load %arg9[%swap3A, %swap3A_30] : memref<128x256xf32, #tpu.memory_space<vmem>>, vector<128x256xf32>
    tpu.vector_store %arg9[%swap3A, %swap3A_30], %add3A_29 {strides = array<i32>} : memref<128x256xf32, #tpu.memory_space<vmem>>, vector<128x256xf32>,
    %get3A_32 = arith.constant 0 : index
    %get3A_33 = arith.constant 0 : index
    %get3A_34 = vector.load %arg10[%get3A_32, %get3A_33] : memref<128x1xf32, #tpu.memory_space<vmem>>, vector<128x1xf32>
    %reduce_sum3A = arith.constant dense<0.000000e+00> : vector<128xf32>
    %reduce_sum3A_35 = vector.multi_reduction <add>, %convert_element_type3A_24, %reduce_sum3A [1] : vector<128x1000xf32> to vector<128xf32>
    %broadcast_in_dim3A_36 = vector.shape_cast %reduce_sum3A_35 : vector<128xf32> to vector<128x1xf32>
    %add3A_37 = arith.addf %get3A_34, %broadcast_in_dim3A_36 : vector<128x1xf32>
    %swap3A_38 = arith.constant 0 : index
    %swap3A_39 = arith.constant 0 : index
    %swap3A_40 = vector.load %arg10[%swap3A_38, %swap3A_39] : memref<128x1xf32, #tpu.memory_space<vmem>>, vector<128x1xf32>
    tpu.vector_store %arg10[%swap3A_38, %swap3A_39], %add3A_37 {strides = array<i32>} : memref<128x1xf32, #tpu.memory_space<vmem>>, vector<128x1xf32>,
    %get3A_41 = arith.constant 0 : index
    %get3A_42 = arith.constant 0 : index
    %get3A_43 = vector.load %arg5[%get3A_41, %get3A_42] : memref<256x256xf32, #tpu.memory_space<vmem>>, vector<256x256xf32>
    %dot_general3A_44 = arith.constant dense<0.000000e+00> : vector<1000x256xf32>
    %dot_general3A_45 = tpu.matmul %max3A_15, %get3A_43, %dot_general3A_44 {dimension_numbers = #tpu.dot_dimension_numbers<[1], [0], [0], [1], [0, 0, 1, 1], [], []>, transpose_lhs_hint = false} : vector<1000x256xf32>, vector<256x256xf32>, vector<1000x256xf32> -> vector<1000x256xf32>
    %mul3A_46 = vector.broadcast %get3A_9 : vector<1000x1xf32> to vector<1000x256xf32>
    %mul3A_47 = arith.mulf %dot_general3A_45, %mul3A_46 : vector<1000x256xf32>
    %slice3A_48 = vector.extract_strided_slice %mul3A_47 {offsets = [0, 0], sizes = [1000, 128], strides = [1, 1]} : vector<1000x256xf32> to vector<1000x128xf32>
    %swap3A_49 = arith.constant 0 : index
    %swap3A_50 = arith.constant 0 : index
    %swap3A_51 = arith.constant 0 : index
    %swap3A_52 = vector.load %arg6[%swap3A_49, %swap3A_50, %swap3A_51] : memref<2x1000x128xf32, #tpu.memory_space<vmem>>, vector<1x1000x128xf32>
    %swap3A_53 = vector.shape_cast %swap3A_52 : vector<1x1000x128xf32> to vector<1000x128xf32>
    %swap3A_54 = vector.shape_cast %slice3A_48 : vector<1000x128xf32> to vector<1x1000x128xf32>
    tpu.vector_store %arg6[%swap3A_49, %swap3A_50, %swap3A_51], %swap3A_54 {strides = array<i32>} : memref<2x1000x128xf32, #tpu.memory_space<vmem>>, vector<1x1000x128xf32>,
    %slice3A_55 = vector.extract_strided_slice %mul3A_47 {offsets = [0, 128], sizes = [1000, 128], strides = [1, 1]} : vector<1000x256xf32> to vector<1000x128xf32>
    %swap3A_56 = arith.constant 1 : index
    %swap3A_57 = arith.constant 0 : index
    %swap3A_58 = arith.constant 0 : index
    %swap3A_59 = vector.load %arg6[%swap3A_56, %swap3A_57, %swap3A_58] : memref<2x1000x128xf32, #tpu.memory_space<vmem>>, vector<1x1000x128xf32>
    %swap3A_60 = vector.shape_cast %swap3A_59 : vector<1x1000x128xf32> to vector<1000x128xf32>
    %swap3A_61 = vector.shape_cast %slice3A_55 : vector<1000x128xf32> to vector<1x1000x128xf32>
    tpu.vector_store %arg6[%swap3A_56, %swap3A_57, %swap3A_58], %swap3A_61 {strides = array<i32>} : memref<2x1000x128xf32, #tpu.memory_space<vmem>>, vector<1x1000x128xf32>,
    %eq3A_62 = arith.constant 9 : i32
    %eq3A_63 = arith.cmpi eq, %arg0, %eq3A_62 : i32
    %convert_element_type3A_64 = arith.extui %eq3A_63 : i1 to i32
    %cond3A_65 = arith.constant 0 : i32
    %cond3A_66 = arith.cmpi ne, %convert_element_type3A_64, %cond3A_65 : i32
    scf.if %cond3A_66 {
      %get3A_67 = arith.constant 0 : index
      %get3A_68 = arith.constant 0 : index
      %get3A_69 = vector.load %arg9[%get3A_67, %get3A_68] : memref<128x256xf32, #tpu.memory_space<vmem>>, vector<128x256xf32>
      %swap3A_70 = arith.constant 0 : index
      %swap3A_71 = arith.constant 0 : index
      %swap3A_72 = vector.load %arg7[%swap3A_70, %swap3A_71] : memref<128x256xf32, #tpu.memory_space<vmem>>, vector<128x256xf32>
      tpu.vector_store %arg7[%swap3A_70, %swap3A_71], %get3A_69 {strides = array<i32>} : memref<128x256xf32, #tpu.memory_space<vmem>>, vector<128x256xf32>,
      %get3A_73 = arith.constant 0 : index
      %get3A_74 = arith.constant 0 : index
      %get3A_75 = vector.load %arg10[%get3A_73, %get3A_74] : memref<128x1xf32, #tpu.memory_space<vmem>>, vector<128x1xf32>
      %swap3A_76 = arith.constant 0 : index
      %swap3A_77 = arith.constant 0 : index
      %swap3A_78 = vector.load %arg8[%swap3A_76, %swap3A_77] : memref<128x1xf32, #tpu.memory_space<vmem>>, vector<128x1xf32>
      tpu.vector_store %arg8[%swap3A_76, %swap3A_77], %get3A_75 {strides = array<i32>} : memref<128x1xf32, #tpu.memory_space<vmem>>, vector<128x1xf32>,
    } else {
    }
    return
  }
  func.func @transform_0(%arg0: i32) -> (i32, i32, i32) {
    %c0_i32 = arith.constant 0 : i32
    %c0_i32_0 = arith.constant 0 : i32
    %c0_i32_1 = arith.constant 0 : i32
    return %c0_i32, %arg0, %c0_i32_0 : i32, i32, i32
  }
  func.func @transform_1(%arg0: i32) -> (i32, i32) {
    %c0_i32 = arith.constant 0 : i32
    %c0_i32_0 = arith.constant 0 : i32
    return %arg0, %c0_i32 : i32, i32
  }
  func.func @transform_2(%arg0: i32) -> i32 {
    %c0_i32 = arith.constant 0 : i32
    %c0_i32_0 = arith.constant 0 : i32
    return %c0_i32 : i32
  }
  func.func @transform_3(%arg0: i32) -> (i32, i32, i32) {
    %c0_i32 = arith.constant 0 : i32
    %c0_i32_0 = arith.constant 0 : i32
    %c0_i32_1 = arith.constant 0 : i32
    return %arg0, %c0_i32, %c0_i32_0 : i32, i32, i32
  }
  func.func @transform_4(%arg0: i32) -> (i32, i32) {
    %c0_i32 = arith.constant 0 : i32
    %c0_i32_0 = arith.constant 0 : i32
    %c0_i32_1 = arith.constant 0 : i32
    return %c0_i32, %c0_i32_0 : i32, i32
  }
  func.func @transform_5(%arg0: i32) -> (i32, i32, i32) {
    %c0_i32 = arith.constant 0 : i32
    %c0_i32_0 = arith.constant 0 : i32
    %c0_i32_1 = arith.constant 0 : i32
    return %c0_i32, %arg0, %c0_i32_0 : i32, i32, i32
  }
  func.func @transform_6(%arg0: i32) -> (i32, i32) {
    %c0_i32 = arith.constant 0 : i32
    %c0_i32_0 = arith.constant 0 : i32
    %c0_i32_1 = arith.constant 0 : i32
    return %c0_i32, %c0_i32_0 : i32, i32
  }
  func.func @transform_7(%arg0: i32) -> (i32, i32) {
    %c0_i32 = arith.constant 0 : i32
    %c0_i32_0 = arith.constant 0 : i32
    %c0_i32_1 = arith.constant 0 : i32
    return %c0_i32, %c0_i32_0 : i32, i32
  }
}

module attributes {stable_mosaic.version = 14 : i64} {
  func.func @body(%arg0: i32, %arg1: memref<2x1000x128xf32, #tpu.memory_space<vmem>>, %arg2: memref<1000x1xf32, #tpu.memory_space<vmem>>, %arg3: memref<256xf32, #tpu.memory_space<vmem>>, %arg4: memref<1x1x1000xi32, #tpu.memory_space<vmem>>, %arg5: memref<256x256xf32, #tpu.memory_space<vmem>>, %arg6: memref<2x1000x128xf32, #tpu.memory_space<vmem>>, %arg7: memref<128x256xf32, #tpu.memory_space<vmem>>, %arg8: memref<128x1xf32, #tpu.memory_space<vmem>>, %arg9: memref<128x256xf32, #tpu.memory_space<vmem>>, %arg10: memref<128x1xf32, #tpu.memory_space<vmem>>) attributes {dimension_semantics = [#tpu.dimension_semantics<arbitrary>], iteration_bounds = array<i64: 10>, scalar_prefetch = 0 : i64, scratch_operands = 2 : i64, tpu.core_type = #tpu.core_type<tc>, window_params = [{transform_indices = @transform_0, window_bounds = array<i64: 2, 1000, 128>}, {transform_indices = @transform_1, window_bounds = array<i64: 1000, 1>}, {pipeline_mode = #tpu.pipeline_mode<synchronous>, transform_indices = @transform_2, window_bounds = array<i64: 256>}, {transform_indices = @transform_3, window_bounds = array<i64: 1, 1, 1000>}, {pipeline_mode = #tpu.pipeline_mode<synchronous>, transform_indices = @transform_4, window_bounds = array<i64: 256, 256>}, {transform_indices = @transform_5, window_bounds = array<i64: 2, 1000, 128>}, {pipeline_mode = #tpu.pipeline_mode<synchronous>, transform_indices = @transform_6, window_bounds = array<i64: 128, 256>}, {pipeline_mode = #tpu.pipeline_mode<synchronous>, transform_indices = @transform_7, window_bounds = array<i64: 128, 1>}]} {
    %eq3A = arith.constant 0 : i32
    %eq3A_0 = arith.cmpi eq, %arg0, %eq3A : i32
    %convert_element_type3A = arith.extui %eq3A_0 : i1 to i32
    %cond3A = arith.constant 0 : i32
    %cond3A_1 = arith.cmpi ne, %convert_element_type3A, %cond3A : i32
    scf.if %cond3A_1 {
      %broadcast_in_dim3A_67 = arith.constant 0.000000e+00 : f32
      %broadcast_in_dim3A_68 = vector.broadcast %broadcast_in_dim3A_67 : f32 to vector<128x256xf32>
      %swap3A_69 = arith.constant 0 : index
      %swap3A_70 = arith.constant 0 : index
      %swap3A_71 = vector.load %arg9[%swap3A_69, %swap3A_70] : memref<128x256xf32, #tpu.memory_space<vmem>>, vector<128x256xf32>
      tpu.vector_store %arg9[%swap3A_69, %swap3A_70], %broadcast_in_dim3A_68 {strides = array<i32>} : memref<128x256xf32, #tpu.memory_space<vmem>>, vector<128x256xf32>,
      %broadcast_in_dim3A_72 = arith.constant 0.000000e+00 : f32
      %broadcast_in_dim3A_73 = vector.broadcast %broadcast_in_dim3A_72 : f32 to vector<128x1xf32>
      %swap3A_74 = arith.constant 0 : index
      %swap3A_75 = arith.constant 0 : index
      %swap3A_76 = vector.load %arg10[%swap3A_74, %swap3A_75] : memref<128x1xf32, #tpu.memory_space<vmem>>, vector<128x1xf32>
      tpu.vector_store %arg10[%swap3A_74, %swap3A_75], %broadcast_in_dim3A_73 {strides = array<i32>} : memref<128x1xf32, #tpu.memory_space<vmem>>, vector<128x1xf32>,
    } else {
    }
    %get3A = arith.constant 0 : index
    %get3A_2 = arith.constant 0 : index
    %get3A_3 = arith.constant 0 : index
    %get3A_4 = vector.load %arg1[%get3A, %get3A_2, %get3A_3] : memref<2x1000x128xf32, #tpu.memory_space<vmem>>, vector<2x1000x128xf32>
    %slice3A = vector.extract_strided_slice %get3A_4 {offsets = [0, 0, 0], sizes = [1, 1000, 128], strides = [1, 1, 1]} : vector<2x1000x128xf32> to vector<1x1000x128xf32>
    %squeeze3A = vector.shape_cast %slice3A : vector<1x1000x128xf32> to vector<1000x128xf32>
    %slice3A_5 = vector.extract_strided_slice %get3A_4 {offsets = [1, 0, 0], sizes = [1, 1000, 128], strides = [1, 1, 1]} : vector<2x1000x128xf32> to vector<1x1000x128xf32>
    %squeeze3A_6 = vector.shape_cast %slice3A_5 : vector<1x1000x128xf32> to vector<1000x128xf32>
    %concatenate3A = tpu.concatenate %squeeze3A, %squeeze3A_6 in 1 : vector<1000x128xf32>, vector<1000x128xf32> -> vector<1000x256xf32>
    %get3A_7 = arith.constant 0 : index
    %get3A_8 = arith.constant 0 : index
    %get3A_9 = vector.load %arg2[%get3A_7, %get3A_8] : memref<1000x1xf32, #tpu.memory_space<vmem>>, vector<1000x1xf32>
    %mul3A = vector.broadcast %get3A_9 : vector<1000x1xf32> to vector<1000x256xf32>
    %mul3A_10 = arith.mulf %concatenate3A, %mul3A : vector<1000x256xf32>
    %get3A_11 = arith.constant 0 : index
    %get3A_12 = vector.load %arg3[%get3A_11] : memref<256xf32, #tpu.memory_space<vmem>>, vector<256xf32>
    %broadcast_in_dim3A = vector.shape_cast %get3A_12 : vector<256xf32> to vector<1x256xf32>
    %add3A = vector.broadcast %broadcast_in_dim3A : vector<1x256xf32> to vector<1000x256xf32>
    %add3A_13 = arith.addf %mul3A_10, %add3A : vector<1000x256xf32>
    %max3A = arith.constant 0.000000e+00 : f32
    %max3A_14 = vector.broadcast %max3A : f32 to vector<1000x256xf32>
    %max3A_15 = arith.maximumf %add3A_13, %max3A_14 : vector<1000x256xf32>
    %get3A_16 = arith.constant 0 : index
    %get3A_17 = arith.constant 0 : index
    %get3A_18 = arith.constant 0 : index
    %get3A_19 = vector.load %arg4[%get3A_16, %get3A_17, %get3A_18] : memref<1x1x1000xi32, #tpu.memory_space<vmem>>, vector<1x1x1000xi32>
    %reshape3A = vector.shape_cast %get3A_19 : vector<1x1x1000xi32> to vector<1000xi32>
    %iota3A = tpu.iota {dimensions = array<i32: 0>} : vector<128x1000xi32>
    %broadcast_in_dim3A_20 = vector.shape_cast %reshape3A : vector<1000xi32> to vector<1x1000xi32>
    %eq3A_21 = vector.broadcast %broadcast_in_dim3A_20 : vector<1x1000xi32> to vector<128x1000xi32>
    %eq3A_22 = arith.cmpi eq, %iota3A, %eq3A_21 : vector<128x1000xi32>
    %convert_element_type3A_23 = arith.extui %eq3A_22 : vector<128x1000xi1> to vector<128x1000xi32>
    %convert_element_type3A_24 = arith.sitofp %convert_element_type3A_23 : vector<128x1000xi32> to vector<128x1000xf32>
    %get3A_25 = arith.constant 0 : index
    %get3A_26 = arith.constant 0 : index
    %get3A_27 = vector.load %arg9[%get3A_25, %get3A_26] : memref<128x256xf32, #tpu.memory_space<vmem>>, vector<128x256xf32>
    %dot_general3A = arith.constant dense<0.000000e+00> : vector<128x256xf32>
    %dot_general3A_28 = tpu.matmul %convert_element_type3A_24, %max3A_15, %dot_general3A {dimension_numbers = #tpu.dot_dimension_numbers<[1], [0], [0], [1], [0, 0, 1, 1], [], []>, transpose_lhs_hint = false} : vector<128x1000xf32>, vector<1000x256xf32>, vector<128x256xf32> -> vector<128x256xf32>
    %add3A_29 = arith.addf %get3A_27, %dot_general3A_28 : vector<128x256xf32>
    %swap3A = arith.constant 0 : index
    %swap3A_30 = arith.constant 0 : index
    %swap3A_31 = vector.load %arg9[%swap3A, %swap3A_30] : memref<128x256xf32, #tpu.memory_space<vmem>>, vector<128x256xf32>
    tpu.vector_store %arg9[%swap3A, %swap3A_30], %add3A_29 {strides = array<i32>} : memref<128x256xf32, #tpu.memory_space<vmem>>, vector<128x256xf32>,
    %get3A_32 = arith.constant 0 : index
    %get3A_33 = arith.constant 0 : index
    %get3A_34 = vector.load %arg10[%get3A_32, %get3A_33] : memref<128x1xf32, #tpu.memory_space<vmem>>, vector<128x1xf32>
    %reduce_sum3A = arith.constant dense<0.000000e+00> : vector<128xf32>
    %reduce_sum3A_35 = vector.multi_reduction <add>, %convert_element_type3A_24, %reduce_sum3A [1] : vector<128x1000xf32> to vector<128xf32>
    %broadcast_in_dim3A_36 = vector.shape_cast %reduce_sum3A_35 : vector<128xf32> to vector<128x1xf32>
    %add3A_37 = arith.addf %get3A_34, %broadcast_in_dim3A_36 : vector<128x1xf32>
    %swap3A_38 = arith.constant 0 : index
    %swap3A_39 = arith.constant 0 : index
    %swap3A_40 = vector.load %arg10[%swap3A_38, %swap3A_39] : memref<128x1xf32, #tpu.memory_space<vmem>>, vector<128x1xf32>
    tpu.vector_store %arg10[%swap3A_38, %swap3A_39], %add3A_37 {strides = array<i32>} : memref<128x1xf32, #tpu.memory_space<vmem>>, vector<128x1xf32>,
    %get3A_41 = arith.constant 0 : index
    %get3A_42 = arith.constant 0 : index
    %get3A_43 = vector.load %arg5[%get3A_41, %get3A_42] : memref<256x256xf32, #tpu.memory_space<vmem>>, vector<256x256xf32>
    %dot_general3A_44 = arith.constant dense<0.000000e+00> : vector<1000x256xf32>
    %dot_general3A_45 = tpu.matmul %max3A_15, %get3A_43, %dot_general3A_44 {dimension_numbers = #tpu.dot_dimension_numbers<[1], [0], [0], [1], [0, 0, 1, 1], [], []>, transpose_lhs_hint = false} : vector<1000x256xf32>, vector<256x256xf32>, vector<1000x256xf32> -> vector<1000x256xf32>
    %mul3A_46 = vector.broadcast %get3A_9 : vector<1000x1xf32> to vector<1000x256xf32>
    %mul3A_47 = arith.mulf %dot_general3A_45, %mul3A_46 : vector<1000x256xf32>
    %slice3A_48 = vector.extract_strided_slice %mul3A_47 {offsets = [0, 0], sizes = [1000, 128], strides = [1, 1]} : vector<1000x256xf32> to vector<1000x128xf32>
    %swap3A_49 = arith.constant 0 : index
    %swap3A_50 = arith.constant 0 : index
    %swap3A_51 = arith.constant 0 : index
    %swap3A_52 = vector.load %arg6[%swap3A_49, %swap3A_50, %swap3A_51] : memref<2x1000x128xf32, #tpu.memory_space<vmem>>, vector<1x1000x128xf32>
    %swap3A_53 = vector.shape_cast %swap3A_52 : vector<1x1000x128xf32> to vector<1000x128xf32>
    %swap3A_54 = vector.shape_cast %slice3A_48 : vector<1000x128xf32> to vector<1x1000x128xf32>
    tpu.vector_store %arg6[%swap3A_49, %swap3A_50, %swap3A_51], %swap3A_54 {strides = array<i32>} : memref<2x1000x128xf32, #tpu.memory_space<vmem>>, vector<1x1000x128xf32>,
    %slice3A_55 = vector.extract_strided_slice %mul3A_47 {offsets = [0, 128], sizes = [1000, 128], strides = [1, 1]} : vector<1000x256xf32> to vector<1000x128xf32>
    %swap3A_56 = arith.constant 1 : index
    %swap3A_57 = arith.constant 0 : index
    %swap3A_58 = arith.constant 0 : index
    %swap3A_59 = vector.load %arg6[%swap3A_56, %swap3A_57, %swap3A_58] : memref<2x1000x128xf32, #tpu.memory_space<vmem>>, vector<1x1000x128xf32>
    %swap3A_60 = vector.shape_cast %swap3A_59 : vector<1x1000x128xf32> to vector<1000x128xf32>
    %swap3A_61 = vector.shape_cast %slice3A_55 : vector<1000x128xf32> to vector<1x1000x128xf32>
    tpu.vector_store %arg6[%swap3A_56, %swap3A_57, %swap3A_58], %swap3A_61 {strides = array<i32>} : memref<2x1000x128xf32, #tpu.memory_space<vmem>>, vector<1x1000x128xf32>,
    %eq3A_62 = arith.constant 9 : i32
    %eq3A_63 = arith.cmpi eq, %arg0, %eq3A_62 : i32
    %convert_element_type3A_64 = arith.extui %eq3A_63 : i1 to i32
    %cond3A_65 = arith.constant 0 : i32
    %cond3A_66 = arith.cmpi ne, %convert_element_type3A_64, %cond3A_65 : i32
    scf.if %cond3A_66 {
      %get3A_67 = arith.constant 0 : index
      %get3A_68 = arith.constant 0 : index
      %get3A_69 = vector.load %arg9[%get3A_67, %get3A_68] : memref<128x256xf32, #tpu.memory_space<vmem>>, vector<128x256xf32>
      %swap3A_70 = arith.constant 0 : index
      %swap3A_71 = arith.constant 0 : index
      %swap3A_72 = vector.load %arg7[%swap3A_70, %swap3A_71] : memref<128x256xf32, #tpu.memory_space<vmem>>, vector<128x256xf32>
      tpu.vector_store %arg7[%swap3A_70, %swap3A_71], %get3A_69 {strides = array<i32>} : memref<128x256xf32, #tpu.memory_space<vmem>>, vector<128x256xf32>,
      %get3A_73 = arith.constant 0 : index
      %get3A_74 = arith.constant 0 : index
      %get3A_75 = vector.load %arg10[%get3A_73, %get3A_74] : memref<128x1xf32, #tpu.memory_space<vmem>>, vector<128x1xf32>
      %swap3A_76 = arith.constant 0 : index
      %swap3A_77 = arith.constant 0 : index
      %swap3A_78 = vector.load %arg8[%swap3A_76, %swap3A_77] : memref<128x1xf32, #tpu.memory_space<vmem>>, vector<128x1xf32>
      tpu.vector_store %arg8[%swap3A_76, %swap3A_77], %get3A_75 {strides = array<i32>} : memref<128x1xf32, #tpu.memory_space<vmem>>, vector<128x1xf32>,
    } else {
    }
    return
  }
  func.func @transform_0(%arg0: i32) -> (i32, i32, i32) {
    %c0_i32 = arith.constant 0 : i32
    %c0_i32_0 = arith.constant 0 : i32
    %c0_i32_1 = arith.constant 0 : i32
    return %c0_i32, %arg0, %c0_i32_0 : i32, i32, i32
  }
  func.func @transform_1(%arg0: i32) -> (i32, i32) {
    %c0_i32 = arith.constant 0 : i32
    %c0_i32_0 = arith.constant 0 : i32
    return %arg0, %c0_i32 : i32, i32
  }
  func.func @transform_2(%arg0: i32) -> i32 {
    %c0_i32 = arith.constant 0 : i32
    %c0_i32_0 = arith.constant 0 : i32
    return %c0_i32 : i32
  }
  func.func @transform_3(%arg0: i32) -> (i32, i32, i32) {
    %c0_i32 = arith.constant 0 : i32
    %c0_i32_0 = arith.constant 0 : i32
    %c0_i32_1 = arith.constant 0 : i32
    return %arg0, %c0_i32, %c0_i32_0 : i32, i32, i32
  }
  func.func @transform_4(%arg0: i32) -> (i32, i32) {
    %c0_i32 = arith.constant 0 : i32
    %c0_i32_0 = arith.constant 0 : i32
    %c0_i32_1 = arith.constant 0 : i32
    return %c0_i32, %c0_i32_0 : i32, i32
  }
  func.func @transform_5(%arg0: i32) -> (i32, i32, i32) {
    %c0_i32 = arith.constant 0 : i32
    %c0_i32_0 = arith.constant 0 : i32
    %c0_i32_1 = arith.constant 0 : i32
    return %c0_i32, %arg0, %c0_i32_0 : i32, i32, i32
  }
  func.func @transform_6(%arg0: i32) -> (i32, i32) {
    %c0_i32 = arith.constant 0 : i32
    %c0_i32_0 = arith.constant 0 : i32
    %c0_i32_1 = arith.constant 0 : i32
    return %c0_i32, %c0_i32_0 : i32, i32
  }
  func.func @transform_7(%arg0: i32) -> (i32, i32) {
    %c0_i32 = arith.constant 0 : i32
    %c0_i32_0 = arith.constant 0 : i32
    %c0_i32_1 = arith.constant 0 : i32
    return %c0_i32, %c0_i32_0 : i32, i32
  }
}

module attributes {stable_mosaic.version = 14 : i64} {
  func.func @body(%arg0: i32, %arg1: memref<2x1000x128xf32, #tpu.memory_space<vmem>>, %arg2: memref<1000x1xf32, #tpu.memory_space<vmem>>, %arg3: memref<256xf32, #tpu.memory_space<vmem>>, %arg4: memref<1x1x1000xi32, #tpu.memory_space<vmem>>, %arg5: memref<128x256xf32, #tpu.memory_space<vmem>>, %arg6: memref<128x256xf32, #tpu.memory_space<vmem>>) attributes {dimension_semantics = [#tpu.dimension_semantics<arbitrary>], iteration_bounds = array<i64: 10>, scalar_prefetch = 0 : i64, scratch_operands = 1 : i64, tpu.core_type = #tpu.core_type<tc>, window_params = [{transform_indices = @transform_0, window_bounds = array<i64: 2, 1000, 128>}, {transform_indices = @transform_1, window_bounds = array<i64: 1000, 1>}, {pipeline_mode = #tpu.pipeline_mode<synchronous>, transform_indices = @transform_2, window_bounds = array<i64: 256>}, {transform_indices = @transform_3, window_bounds = array<i64: 1, 1, 1000>}, {pipeline_mode = #tpu.pipeline_mode<synchronous>, transform_indices = @transform_4, window_bounds = array<i64: 128, 256>}]} {
    %eq3A = arith.constant 0 : i32
    %eq3A_0 = arith.cmpi eq, %arg0, %eq3A : i32
    %convert_element_type3A = arith.extui %eq3A_0 : i1 to i32
    %cond3A = arith.constant 0 : i32
    %cond3A_1 = arith.cmpi ne, %convert_element_type3A, %cond3A : i32
    scf.if %cond3A_1 {
      %broadcast_in_dim3A_37 = arith.constant 0.000000e+00 : f32
      %broadcast_in_dim3A_38 = vector.broadcast %broadcast_in_dim3A_37 : f32 to vector<128x256xf32>
      %swap3A_39 = arith.constant 0 : index
      %swap3A_40 = arith.constant 0 : index
      %swap3A_41 = vector.load %arg6[%swap3A_39, %swap3A_40] : memref<128x256xf32, #tpu.memory_space<vmem>>, vector<128x256xf32>
      tpu.vector_store %arg6[%swap3A_39, %swap3A_40], %broadcast_in_dim3A_38 {strides = array<i32>} : memref<128x256xf32, #tpu.memory_space<vmem>>, vector<128x256xf32>,
    } else {
    }
    %get3A = arith.constant 0 : index
    %get3A_2 = arith.constant 0 : index
    %get3A_3 = arith.constant 0 : index
    %get3A_4 = vector.load %arg1[%get3A, %get3A_2, %get3A_3] : memref<2x1000x128xf32, #tpu.memory_space<vmem>>, vector<2x1000x128xf32>
    %slice3A = vector.extract_strided_slice %get3A_4 {offsets = [0, 0, 0], sizes = [1, 1000, 128], strides = [1, 1, 1]} : vector<2x1000x128xf32> to vector<1x1000x128xf32>
    %squeeze3A = vector.shape_cast %slice3A : vector<1x1000x128xf32> to vector<1000x128xf32>
    %slice3A_5 = vector.extract_strided_slice %get3A_4 {offsets = [1, 0, 0], sizes = [1, 1000, 128], strides = [1, 1, 1]} : vector<2x1000x128xf32> to vector<1x1000x128xf32>
    %squeeze3A_6 = vector.shape_cast %slice3A_5 : vector<1x1000x128xf32> to vector<1000x128xf32>
    %concatenate3A = tpu.concatenate %squeeze3A, %squeeze3A_6 in 1 : vector<1000x128xf32>, vector<1000x128xf32> -> vector<1000x256xf32>
    %get3A_7 = arith.constant 0 : index
    %get3A_8 = arith.constant 0 : index
    %get3A_9 = vector.load %arg2[%get3A_7, %get3A_8] : memref<1000x1xf32, #tpu.memory_space<vmem>>, vector<1000x1xf32>
    %mul3A = vector.broadcast %get3A_9 : vector<1000x1xf32> to vector<1000x256xf32>
    %mul3A_10 = arith.mulf %concatenate3A, %mul3A : vector<1000x256xf32>
    %get3A_11 = arith.constant 0 : index
    %get3A_12 = vector.load %arg3[%get3A_11] : memref<256xf32, #tpu.memory_space<vmem>>, vector<256xf32>
    %broadcast_in_dim3A = vector.shape_cast %get3A_12 : vector<256xf32> to vector<1x256xf32>
    %add3A = vector.broadcast %broadcast_in_dim3A : vector<1x256xf32> to vector<1000x256xf32>
    %add3A_13 = arith.addf %mul3A_10, %add3A : vector<1000x256xf32>
    %max3A = arith.constant 0.000000e+00 : f32
    %max3A_14 = vector.broadcast %max3A : f32 to vector<1000x256xf32>
    %max3A_15 = arith.maximumf %add3A_13, %max3A_14 : vector<1000x256xf32>
    %get3A_16 = arith.constant 0 : index
    %get3A_17 = arith.constant 0 : index
    %get3A_18 = arith.constant 0 : index
    %get3A_19 = vector.load %arg4[%get3A_16, %get3A_17, %get3A_18] : memref<1x1x1000xi32, #tpu.memory_space<vmem>>, vector<1x1x1000xi32>
    %reshape3A = vector.shape_cast %get3A_19 : vector<1x1x1000xi32> to vector<1000xi32>
    %iota3A = tpu.iota {dimensions = array<i32: 0>} : vector<128x1000xi32>
    %broadcast_in_dim3A_20 = vector.shape_cast %reshape3A : vector<1000xi32> to vector<1x1000xi32>
    %eq3A_21 = vector.broadcast %broadcast_in_dim3A_20 : vector<1x1000xi32> to vector<128x1000xi32>
    %eq3A_22 = arith.cmpi eq, %iota3A, %eq3A_21 : vector<128x1000xi32>
    %convert_element_type3A_23 = arith.extui %eq3A_22 : vector<128x1000xi1> to vector<128x1000xi32>
    %convert_element_type3A_24 = arith.sitofp %convert_element_type3A_23 : vector<128x1000xi32> to vector<128x1000xf32>
    %get3A_25 = arith.constant 0 : index
    %get3A_26 = arith.constant 0 : index
    %get3A_27 = vector.load %arg6[%get3A_25, %get3A_26] : memref<128x256xf32, #tpu.memory_space<vmem>>, vector<128x256xf32>
    %dot_general3A = arith.constant dense<0.000000e+00> : vector<128x256xf32>
    %dot_general3A_28 = tpu.matmul %convert_element_type3A_24, %max3A_15, %dot_general3A {dimension_numbers = #tpu.dot_dimension_numbers<[1], [0], [0], [1], [0, 0, 1, 1], [], []>, transpose_lhs_hint = false} : vector<128x1000xf32>, vector<1000x256xf32>, vector<128x256xf32> -> vector<128x256xf32>
    %add3A_29 = arith.addf %get3A_27, %dot_general3A_28 : vector<128x256xf32>
    %swap3A = arith.constant 0 : index
    %swap3A_30 = arith.constant 0 : index
    %swap3A_31 = vector.load %arg6[%swap3A, %swap3A_30] : memref<128x256xf32, #tpu.memory_space<vmem>>, vector<128x256xf32>
    tpu.vector_store %arg6[%swap3A, %swap3A_30], %add3A_29 {strides = array<i32>} : memref<128x256xf32, #tpu.memory_space<vmem>>, vector<128x256xf32>,
    %eq3A_32 = arith.constant 9 : i32
    %eq3A_33 = arith.cmpi eq, %arg0, %eq3A_32 : i32
    %convert_element_type3A_34 = arith.extui %eq3A_33 : i1 to i32
    %cond3A_35 = arith.constant 0 : i32
    %cond3A_36 = arith.cmpi ne, %convert_element_type3A_34, %cond3A_35 : i32
    scf.if %cond3A_36 {
      %get3A_37 = arith.constant 0 : index
      %get3A_38 = arith.constant 0 : index
      %get3A_39 = vector.load %arg6[%get3A_37, %get3A_38] : memref<128x256xf32, #tpu.memory_space<vmem>>, vector<128x256xf32>
      %swap3A_40 = arith.constant 0 : index
      %swap3A_41 = arith.constant 0 : index
      %swap3A_42 = vector.load %arg5[%swap3A_40, %swap3A_41] : memref<128x256xf32, #tpu.memory_space<vmem>>, vector<128x256xf32>
      tpu.vector_store %arg5[%swap3A_40, %swap3A_41], %get3A_39 {strides = array<i32>} : memref<128x256xf32, #tpu.memory_space<vmem>>, vector<128x256xf32>,
    } else {
    }
    return
  }
  func.func @transform_0(%arg0: i32) -> (i32, i32, i32) {
    %c0_i32 = arith.constant 0 : i32
    %c0_i32_0 = arith.constant 0 : i32
    %c0_i32_1 = arith.constant 0 : i32
    return %c0_i32, %arg0, %c0_i32_0 : i32, i32, i32
  }
  func.func @transform_1(%arg0: i32) -> (i32, i32) {
    %c0_i32 = arith.constant 0 : i32
    %c0_i32_0 = arith.constant 0 : i32
    return %arg0, %c0_i32 : i32, i32
  }
  func.func @transform_2(%arg0: i32) -> i32 {
    %c0_i32 = arith.constant 0 : i32
    %c0_i32_0 = arith.constant 0 : i32
    return %c0_i32 : i32
  }
  func.func @transform_3(%arg0: i32) -> (i32, i32, i32) {
    %c0_i32 = arith.constant 0 : i32
    %c0_i32_0 = arith.constant 0 : i32
    %c0_i32_1 = arith.constant 0 : i32
    return %arg0, %c0_i32, %c0_i32_0 : i32, i32, i32
  }
  func.func @transform_4(%arg0: i32) -> (i32, i32) {
    %c0_i32 = arith.constant 0 : i32
    %c0_i32_0 = arith.constant 0 : i32
    %c0_i32_1 = arith.constant 0 : i32
    return %c0_i32, %c0_i32_0 : i32, i32
  }
}

module attributes {stable_mosaic.version = 14 : i64} {
  func.func @body(%arg0: memref<128x256xf32, #tpu.memory_space<vmem>>, %arg1: memref<128x256xf32, #tpu.memory_space<vmem>>, %arg2: memref<128x256xf32, #tpu.memory_space<vmem>>, %arg3: memref<128x1xf32, #tpu.memory_space<vmem>>, %arg4: memref<768x768xf32, #tpu.memory_space<vmem>>, %arg5: memref<768xf32, #tpu.memory_space<vmem>>, %arg6: memref<768x10xf32, #tpu.memory_space<vmem>>, %arg7: memref<10xf32, #tpu.memory_space<vmem>>, %arg8: memref<128x10xf32, #tpu.memory_space<vmem>>) attributes {dimension_semantics = [], scalar_prefetch = 0 : i64, scratch_operands = 0 : i64, tpu.core_type = #tpu.core_type<tc>} {
    %get3A = arith.constant 0 : index
    %get3A_0 = arith.constant 0 : index
    %get3A_1 = vector.load %arg3[%get3A, %get3A_0] : memref<128x1xf32, #tpu.memory_space<vmem>>, vector<128x1xf32>
    %max3A = arith.constant 1.000000e+00 : f32
    %max3A_2 = vector.broadcast %max3A : f32 to vector<128x1xf32>
    %max3A_3 = arith.maximumf %get3A_1, %max3A_2 : vector<128x1xf32>
    %div3A = arith.constant 1.000000e+00 : f32
    %div3A_4 = vector.broadcast %div3A : f32 to vector<128x1xf32>
    %div3A_5 = arith.divf %div3A_4, %max3A_3 : vector<128x1xf32>
    %get3A_6 = arith.constant 0 : index
    %get3A_7 = arith.constant 0 : index
    %get3A_8 = vector.load %arg0[%get3A_6, %get3A_7] : memref<128x256xf32, #tpu.memory_space<vmem>>, vector<128x256xf32>
    %get3A_9 = arith.constant 0 : index
    %get3A_10 = arith.constant 0 : index
    %get3A_11 = vector.load %arg1[%get3A_9, %get3A_10] : memref<128x256xf32, #tpu.memory_space<vmem>>, vector<128x256xf32>
    %get3A_12 = arith.constant 0 : index
    %get3A_13 = arith.constant 0 : index
    %get3A_14 = vector.load %arg2[%get3A_12, %get3A_13] : memref<128x256xf32, #tpu.memory_space<vmem>>, vector<128x256xf32>
    %concatenate3A = tpu.concatenate %get3A_8, %get3A_11, %get3A_14 in 1 : vector<128x256xf32>, vector<128x256xf32>, vector<128x256xf32> -> vector<128x768xf32>
    %mul3A = vector.broadcast %div3A_5 : vector<128x1xf32> to vector<128x768xf32>
    %mul3A_15 = arith.mulf %concatenate3A, %mul3A : vector<128x768xf32>
    %get3A_16 = arith.constant 0 : index
    %get3A_17 = arith.constant 0 : index
    %get3A_18 = vector.load %arg4[%get3A_16, %get3A_17] : memref<768x768xf32, #tpu.memory_space<vmem>>, vector<768x768xf32>
    %dot_general3A = arith.constant dense<0.000000e+00> : vector<128x768xf32>
    %dot_general3A_19 = tpu.matmul %mul3A_15, %get3A_18, %dot_general3A {dimension_numbers = #tpu.dot_dimension_numbers<[1], [0], [0], [1], [0, 0, 1, 1], [], []>, transpose_lhs_hint = false} : vector<128x768xf32>, vector<768x768xf32>, vector<128x768xf32> -> vector<128x768xf32>
    %get3A_20 = arith.constant 0 : index
    %get3A_21 = vector.load %arg5[%get3A_20] : memref<768xf32, #tpu.memory_space<vmem>>, vector<768xf32>
    %broadcast_in_dim3A = vector.shape_cast %get3A_21 : vector<768xf32> to vector<1x768xf32>
    %add3A = vector.broadcast %broadcast_in_dim3A : vector<1x768xf32> to vector<128x768xf32>
    %add3A_22 = arith.addf %dot_general3A_19, %add3A : vector<128x768xf32>
    %max3A_23 = arith.constant 0.000000e+00 : f32
    %max3A_24 = vector.broadcast %max3A_23 : f32 to vector<128x768xf32>
    %max3A_25 = arith.maximumf %add3A_22, %max3A_24 : vector<128x768xf32>
    %get3A_26 = arith.constant 0 : index
    %get3A_27 = arith.constant 0 : index
    %get3A_28 = vector.load %arg6[%get3A_26, %get3A_27] : memref<768x10xf32, #tpu.memory_space<vmem>>, vector<768x10xf32>
    %dot_general3A_29 = arith.constant dense<0.000000e+00> : vector<128x10xf32>
    %dot_general3A_30 = tpu.matmul %max3A_25, %get3A_28, %dot_general3A_29 {dimension_numbers = #tpu.dot_dimension_numbers<[1], [0], [0], [1], [0, 0, 1, 1], [], []>, transpose_lhs_hint = false} : vector<128x768xf32>, vector<768x10xf32>, vector<128x10xf32> -> vector<128x10xf32>
    %get3A_31 = arith.constant 0 : index
    %get3A_32 = vector.load %arg7[%get3A_31] : memref<10xf32, #tpu.memory_space<vmem>>, vector<10xf32>
    %broadcast_in_dim3A_33 = vector.shape_cast %get3A_32 : vector<10xf32> to vector<1x10xf32>
    %add3A_34 = vector.broadcast %broadcast_in_dim3A_33 : vector<1x10xf32> to vector<128x10xf32>
    %add3A_35 = arith.addf %dot_general3A_30, %add3A_34 : vector<128x10xf32>
    %reduce_max3A = arith.constant dense<0xFF800000> : vector<128xf32>
    %reduce_max3A_36 = vector.multi_reduction <maximumf>, %add3A_35, %reduce_max3A [1] : vector<128x10xf32> to vector<128xf32>
    %broadcast_in_dim3A_37 = vector.shape_cast %reduce_max3A_36 : vector<128xf32> to vector<128x1xf32>
    %sub3A = vector.broadcast %broadcast_in_dim3A_37 : vector<128x1xf32> to vector<128x10xf32>
    %sub3A_38 = arith.subf %add3A_35, %sub3A : vector<128x10xf32>
    %exp3A = math.exp %sub3A_38 : vector<128x10xf32>
    %reduce_sum3A = arith.constant dense<0.000000e+00> : vector<128xf32>
    %reduce_sum3A_39 = vector.multi_reduction <add>, %exp3A, %reduce_sum3A [1] : vector<128x10xf32> to vector<128xf32>
    %broadcast_in_dim3A_40 = vector.shape_cast %reduce_sum3A_39 : vector<128xf32> to vector<128x1xf32>
    %log3A = math.log %broadcast_in_dim3A_40 : vector<128x1xf32>
    %add3A_41 = arith.addf %log3A, %broadcast_in_dim3A_37 : vector<128x1xf32>
    %sub3A_42 = vector.broadcast %add3A_41 : vector<128x1xf32> to vector<128x10xf32>
    %sub3A_43 = arith.subf %add3A_35, %sub3A_42 : vector<128x10xf32>
    %swap3A = arith.constant 0 : index
    %swap3A_44 = arith.constant 0 : index
    %swap3A_45 = vector.load %arg8[%swap3A, %swap3A_44] : memref<128x10xf32, #tpu.memory_space<vmem>>, vector<128x10xf32>
    tpu.vector_store %arg8[%swap3A, %swap3A_44], %sub3A_43 {strides = array<i32>} : memref<128x10xf32, #tpu.memory_space<vmem>>, vector<128x10xf32>,
    return
  }
}

</mosaic_0001>

<sc_bundles>
// kernel: kernel.11.cloned.1.call-start
scs
__scs_entry_jumppad:
0x0: {  	(pc) =	sbr.rel $0x88, $3  }
0x1: {  	(tag) =	ssettag $0x0;
	lr =	simm.s32 $0x1  }
0x2: {  	[smem:$0x3F94] =	sst lr;
	_ =	strace $0xD0000000  }
0x3: {  	_ = 	snop  }
0x4: {  	_ = 	snop  }
0x5: {  	_ = 	snop  }
0x6: {  	_ = 	snop  }
0x7: {  	_ = 	snop  }
__scs_overlays_trampoline_lowered:
0x8: {  	[smem:$0x3FA3] =	sst s0  }
0x9: {  	[smem:$0x3FA4] =	sst s1  }
0xa: {  	[smem:$0x3FA5] =	sst s2  }
0xb: {  	[smem:$0x3FA6] =	sst s3  }
0xc: {  	[smem:$0x3FA7] =	sst s4  }
0xd: {  	[smem:$0x3FA8] =	sst s5  }
0xe: {  	[smem:$0x3FA9] =	sst s6  }
0xf: {  	[smem:$0x3FAA] =	sst s7  }
0x10: {  	[smem:$0x3FAB] =	sst s8  }
0x11: {  	[smem:$0x3FAC] =	sst s9;
	s0 =	simm.s32 @!p0 $0x0  }
0x12: {  	s1 =	sld [smem:$0x3F92];
	s0 =	simm.s32 @p0 $0x1  }
0x13: {  	[smem:$0x3FAD] =	sst s0;
	s0 =	simm.s32 @!p1 $0x0  }
0x14: {  	s2 =	sld [smem:$0x3F91];
	s0 =	simm.s32 @p1 $0x1  }
0x15: {  	[smem:$0x3FAE] =	sst s0;
	s0 =	simm.s32 @!p2 $0x0  }
0x16: {  	s3 =	sld [smem:$0x3FDB];
	s0 =	simm.s32 @p2 $0x1  }
0x17: {  	s4 =	simm.s32 $0x1BF5;
	[smem:$0x3FB0] =	sst s0  }
0x18: {  	s0 =	sld [smem:$0x3F93];
	_ =	swait.ge [sflag:s4], $0x0  }
0x19: {  	s7 =	sld [smem:$0x3F94]  }
0x1a: {  	s8 =	sadd.s32 $0xFFFFE003, lr  }
0x1b: {  	s9 =	sadd.s32 $0xFFFFFEF7, lr;
	s5 =	simm.s32 $0xFFFFFFFF;
	p2 =	slt.u32 s8, $0xFFFFF086  }
0x1c: {  	p1 =	slt.u32 s9, $0xF7A;
	s5 =	simm.s32 @!p2 $0x0  }
0x1d: {  	s5 =	simm.s32 @p1 $0x1;
	p0 =	seq.s32 s7, s2  }
0x1e: {  	s7 =	smul.u32 @!p0 $0xF7A, s2;
	p2 =	seq.s32 @!p0 s5, $0x0  }
0x1f: {  	s9 =	smul.u32 $0xF7A, s1;
	s8 =	simm.s32 @!p0 $0x1BF5;
	p2 =	por !p2, p0  }
0x20: {  	[sflag:s8] =	ssyncset.s32 @!p0 $0xFFFFF086;
	s6 =	sadd.s32 @!p0 s3, s7;
	s7 =	simm.s32 @!p0 $0x108  }
0x21: {  	s3 =	sadd.s32 s3, s9;
	s6 =	sadd.s32 @!p0 $0x88, s6;
	s7 =	simm.s32 @p2 $0x1082  }
0x22: {  	[simem:s7], [sflag:s8] =	dma.local @!p0 [hbm:s6], $0xF7A  }
0x23: {  	s9 =	sor.u32 $0xD0000000, s2;
	s6 =	simm.s32 $0x108;
	_ =	swait.ge @!p0 [sflag:s8], $0x0  }
0x24: {  	s3 =	sadd.s32 $0x88, s3;
	s6 =	simm.s32 @!p1 $0x1082;
	[sflag:s4] =	ssyncset.s32 $0xFFFFF086  }
0x25: {  	[simem:s6], [sflag:s4] =	dma.local [hbm:s3], $0xF7A  }
0x26: {  	[smem:$0x3F94] =	sst s1;
	(tag) =	ssettag s2;
	_ =	strace s9  }
0x27: {  	s1 =	sld [smem:$0x3FA4]  }
0x28: {  	s2 =	sld [smem:$0x3FA5]  }
0x29: {  	s4 =	sld [smem:$0x3FA7]  }
0x2a: {  	p0 =	seq.s32 s5, $0x0;
	s5 =	sld [smem:$0x3FA8]  }
0x2b: {  	s6 =	sld [smem:$0x3FA9]  }
0x2c: {  	s7 =	sld [smem:$0x3FAA]  }
0x2d: {  	s3 =	simm.s32 $0x108;
	s8 =	sld [smem:$0x3FAB]  }
0x2e: {  	s3 =	simm.s32 @!p0 $0x1082;
	s9 =	sld [smem:$0x3FAC]  }
0x2f: {  	lr =	sadd.s32 s0, s3;
	s0 =	sld [smem:$0x3FA3]  }
0x30: {  	s3 =	sld [smem:$0x3FA6]  }
0x31: {  	[smem:$0x3FAF] =	sst s10  }
0x32: {  	s10 =	sld [smem:$0x3FAD];
	_ =	sdelay $0x3  }
0x33: {  	p0 =	seq.s32 s10, $0x1;
	s10 =	sld [smem:$0x3FAF];
	_ =	sdelay $0x3  }
0x34: {  	[smem:$0x3FAF] =	sst s10  }
0x35: {  	s10 =	sld [smem:$0x3FAE];
	_ =	sdelay $0x3  }
0x36: {  	p1 =	seq.s32 s10, $0x1;
	s10 =	sld [smem:$0x3FAF];
	_ =	sdelay $0x3  }
0x37: {  	[smem:$0x3FAF] =	sst s10  }
0x38: {  	s10 =	sld [smem:$0x3FB0]  }
0x39: {  	_ = 	snop;
	(pc) =	sbr.ind lr, $3  }
0x3a: {  	_ = 	snop  }
0x3b: {  	_ = 	snop  }
0x3c: {  	p2 =	seq.s32 s10, $0x1;
	s10 =	sld [smem:$0x3FAF]  }
0x3d: {  	_ =	shalt  }
0x3e: {  	_ =	shalt  }
0x3f: {  	_ =	shalt  }
0x40: {  	_ =	shalt  }
0x41: {  	_ =	shalt  }
0x42: {  	_ =	shalt  }
0x43: {  	_ =	shalt  }
0x44: {  	_ =	shalt  }
0x45: {  	_ =	shalt  }
0x46: {  	_ =	shalt  }
0x47: {  	_ =	shalt  }
0x48: {  	_ =	shalt  }
0x49: {  	_ =	shalt  }
0x4a: {  	_ =	shalt  }
0x4b: {  	_ =	shalt  }
0x4c: {  	_ =	shalt  }
0x4d: {  	_ =	shalt  }
0x4e: {  	_ =	shalt  }
0x4f: {  	_ =	shalt  }
0x50: {  	_ =	shalt  }
0x51: {  	_ =	shalt  }
0x52: {  	_ =	shalt  }
0x53: {  	_ =	shalt  }
0x54: {  	_ =	shalt  }
0x55: {  	_ =	shalt  }
0x56: {  	_ =	shalt  }
0x57: {  	_ =	shalt  }
0x58: {  	_ =	shalt  }
0x59: {  	_ =	shalt  }
0x5a: {  	_ =	shalt  }
0x5b: {  	_ =	shalt  }
0x5c: {  	_ =	shalt  }
0x5d: {  	_ =	shalt  }
0x5e: {  	_ =	shalt  }
0x5f: {  	_ =	shalt  }
0x60: {  	_ =	shalt  }
0x61: {  	_ =	shalt  }
0x62: {  	_ =	shalt  }
0x63: {  	_ =	shalt  }
0x64: {  	_ =	shalt  }
0x65: {  	_ =	shalt  }
0x66: {  	_ =	shalt  }
0x67: {  	_ =	shalt  }
0x68: {  	_ =	shalt  }
0x69: {  	_ =	shalt  }
0x6a: {  	_ =	shalt  }
0x6b: {  	_ =	shalt  }
0x6c: {  	_ =	shalt  }
0x6d: {  	_ =	shalt  }
0x6e: {  	_ =	shalt  }
0x6f: {  	_ =	shalt  }
0x70: {  	_ =	shalt  }
0x71: {  	_ =	shalt  }
0x72: {  	_ =	shalt  }
0x73: {  	_ =	shalt  }
0x74: {  	_ =	shalt  }
0x75: {  	_ =	shalt  }
0x76: {  	_ =	shalt  }
0x77: {  	_ =	shalt  }
0x78: {  	_ =	shalt  }
0x79: {  	_ =	shalt  }
0x7a: {  	_ =	shalt  }
0x7b: {  	_ =	shalt  }
0x7c: {  	_ =	shalt  }
0x7d: {  	_ =	shalt  }
0x7e: {  	_ =	shalt  }
0x7f: {  	_ =	shalt  }
0x80: {  	_ =	shalt  }
0x81: {  	_ =	shalt  }
0x82: {  	_ =	shalt  }
0x83: {  	_ =	shalt  }
0x84: {  	_ =	shalt  }
0x85: {  	_ =	shalt  }
0x86: {  	_ =	shalt  }
0x87: {  	_ =	shalt  }
.Lfunc_end0:
.L_simem_size_0:
called_computation_lowered:
.L_overlay_start_0:
0x88: {  	s2 =	sld [smem:$0x3FD9]  }
0x89: {  	s3 =	sld [smem:$0x3FFE];
	_ =	sdelay $0x1  }
0x8a: {  	s1 =	srdreg.scid  }
0x8b: {  	s0 =	sand.u32 $0x1, s1  }
0x8c: {  	s16 =	sshll.u32 s0, $0xA;
	s2 =	sadd.s32 s3, s2  }
0x8d: {  	s2 =	sadd.s32 s2, s16  }
0x8e: {  	[smem:$0x3FBB] =	sst s2  }
0x8f: {  	_ = 	snop  }
0x90: {  	(tm) =	ssettm $0x1  }
0x91: {  	s17 =	sld [smem:$0x3FFB];
	_ =	sdelay $0x3  }
0x92: {  	_ =	strace s17  }
0x93: {  	s2 =	sld [smem:$0x3FFC];
	_ =	sdelay $0x3  }
0x94: {  	_ =	strace s2  }
0x95: {  	s2 =	sld [smem:$0x3FFD];
	_ =	sdelay $0x3  }
0x96: {  	_ =	strace s2  }
0x97: {  	_ =	strace $0x8FFFFFFF  }
0x98: {  	s18 =	sld [smem:$0x3FDB];
	_ =	sdelay $0x1  }
0x99: {  	s19 =	simm.s32 $_scs_section_size  }
0x9a: {  	s4 =	simm.s32 $_size__tile_overlayer_lowered;
	s5 =	simm.s32 $_tile_overlayer_lowered  }
0x9b: {  	s22 =	simm.s32 $0x1BFF;
	s21 =	sshll.u32 s5, $0x1;
	s2 =	sadd.s32 s19, s18  }
0x9c: {  	s6 =	simm.s32 $0x0;
	s20 =	sshll.u32 s4, $0x1;
	s4 =	sadd.s32 s21, s2  }
0x9d: {  	[timem:s6], [sflag:s22] =	dma.local [hbm:s4], s20  }
0x9e: {  	_ =	swait.ge [sflag:s22], s20  }
0x9f: {  	s3 =	ssub.s32 $0x0, s20;
	[sflag:s22] =	ssyncset.done $0x0  }
0xa0: {  	[sflag:s22] =	ssyncadd.s32 s3;
	_ =	sdelay $0x1  }
0xa1: {  	s23 =	simm.s32 $0x1B8B  }
0xa2: {  	_ =	swait.ge [sflag:s23], $0x1  }
0xa3: {  	[sflag:s23] =	ssyncset.done $0x0  }
0xa4: {  	s25 =	simm.s32 $0x1B8E;
	s24 =	sld [smem:$0x3FFE];
	[sflag:s23] =	ssyncadd.s32 $0xFFFFFFFF  }
0xa5: {  	s26 =	simm.s32 $execute0_lowered;
	[smem:$0x3FD2] =	sst s25  }
0xa6: {  	s4 =	sshll.u32 s26, $0x1;
	_ =	strace $0x80000046;
	[dreg:$0x1] =	wrdreg $0xFFFFFFFF  }
0xa7: {  	s28 =	simm.s32 $_size_execute0_lowered;
	s2 =	sadd.s32 s2, s4;
	[dreg:$0x0] =	wrdreg $0x0  }
0xa8: {  	s4 =	sshll.u32 s28, $0x1;
	[dreg:$0x2] =	wrdreg s2  }
0xa9: {  	[dreg:$0x3] =	wrdreg s4  }
0xaa: {  	[dreg:$0x4] =	wrdreg $0xC0  }
0xab: {  	_ =	task [dreg:s6], $0x5FFFF  }
0xac: {  	[dreg:$0x1] =	wrdreg $0xFFFFFFFF  }
0xad: {  	[dreg:$0x0] =	wrdreg $0x60  }
0xae: {  	[dreg:$0x2] =	wrdreg s24  }
0xaf: {  	[dreg:$0x3] =	wrdreg $0x9  }
0xb0: {  	_ =	task.clear_ibuf [dreg:s6], $0x4FFFF;
	_ =	strace $0x90000046  }
0xb1: {  	s29 =	simm.s32 $0x9;
	_ =	strace $0x80000048  }
0xb2: {  	_ =	swait.ge [sflag:s29], $0x1  }
0xb3: {  	[sflag:s29] =	ssyncadd.s32 $0xFFFFFFFF  }
0xb4: {  	_ =	strace $0x90000048  }
0xb5: {  	_ =	sfence  }
0xb6: {  	s30 =	sld [smem:$0x0];
	_ =	sdelay $0x2  }
0xb7: {  	s31 =	sshll.u32 s1, $0xD;
	s1 =	sshrl.u32 s1, $0x2  }
0xb8: {  	s3 =	sand.u32 $0x4000, s31;
	s1 =	sadd.s32 s1, s30  }
0xb9: {  	s0 =	sor.u32 s3, s0;
	s1 =	sshll.u32 s1, $0x11  }
0xba: {  	s0 =	sor.u32 s1, s0  }
0xbb: {  	s0 =	sadd.s32 $0x8F2B, s0  }
0xbc: {  	[sflag:s0] =	ssyncadd.remote.s32 $0x1  }
0xbd: {  	_ =	sfence.sel $0xFFFF  }
0xbe: {  	[dreg:$0x0] =	wrdreg $0xFFFFFFFF;
	(pc) =	sbr.abs _section_cstart, $3  }
0xbf: {  	[dreg:$0x1] =	wrdreg $0xFFFFFFFF  }
0xc0: {  	_ =	task.clear_ibuf [dreg:s6], $0x2FFFF;
	_ =	strace $0x9FFFFFFF  }
0xc1: {  	(tm) =	ssettm $0x7FFFFFFF  }
tec
execute0_lowered:
.L_overlay_start_1:
0x0: {  	(tag) =	ssettag $0x1  }
0x1: {  	s1 =	srdreg.scid;
	s0 =	stileid.u32  }
0x2: {  	s4 =	rddreg [dreg:$0x0];
	s3 =	sand.u32 $0x1, s1;
	s30 =	sshll.u32 s0, $0x1  }
0x3: {  	s2 =	simm.s32 $0x0;
	s8 =	simm.s32 $0x0;
	s5 =	sor.u32 s3, s30  }
0x4: {  	s1 =	rddreg [dreg:$0x1];
	s3 =	ssub.s32 $0x2, s3;
	s6 =	smul.u32 $0x271, s5  }
0x5: {  	[smem:$0x7FF] =	sst s2;
	s5 =	smul.u32 $0x4E2, s5;
	s7 =	sshrl.u32 s3, $0x1  }
0x6: {  	_ =	strace $0x80000047;
	s31 =	ssub.s32 s3, s7;
	s7 =	simm.s32 $0x1398  }
0x7: {  	s6 =	sadd.s32 s6, s4;
	s4 =	sadd.s32 s5, s4;
	s5 =	smax.u32 s31, $0x1  }
0x8: {  	v0 =	vimm.f32 $0.0e+00;
	v1 =	vimm.s32 $0x0;
	v2 =	vimm.f32 $1.000000000e+00;
	s3 =	sadd.s32 $0x3000, s6;
	s4 =	sadd.s32 $0x8000, s4;
	s6 =	simm.s32 $0x1  }
.LBB2_1:
0x9: {  	s9 =	simm.s32 $0x40;
	s10 =	simm.s32 $0x0  }
.LBB2_2:
0xa: {  	p0 =	sne.s32 s9, $0x9C00;
	[tilespmem:s10+$0x1398] =	vst v0;
	s10 =	smov.u32 s9;
	s9 =	sadd.s32 $0x40, s9  }
.Ltmp0:
0xb: {  	(pc) =	sbr.rel @p0 .LBB2_2-.Ltmp0, $2  }
0xc: {  	_ =	sdelay $0x2  }
0xd: {  	s10 =	sshra.s32 s10, $0x2  }
0xe: {  	[tilespmem:s10+$0x1398] =	vst v0  }
0xf: {  	s9 =	simm.s32 $0x0;
	[tilespmem:$0x1380] =	vst v1  }
0x10: {  	[tilespmem:s9], [sflag:$0x1] =	stream.linear.gather [hbm4b:s3+s9], $0x1388, $0x38;
	[tilespmem:$0x3AA8] =	vst v63  }
0x11: {  	_ =	swait.ge [sflag:s6], $0x1388  }
0x12: {  	[sflag:s6] =	ssyncset.done $0x0  }
0x13: {  	s10 =	simm.s32 $0x0;
	s9 =	simm.s32 $0x40;
	[sflag:s6] =	ssyncadd.s32 $0xFFFFEC78  }
.LBB2_4:
0x14: {  	p0 =	sne.s32 s9, $0x4DC0;
	v3 =	vld [tilespmem:s10+$0x0];
	_ =	sdelay $0x3  }
.Ltmp1:
0x15: {  	(pc) =	sbr.rel @p0 .LBB2_4-.Ltmp1, $2  }
0x16: {  	_ =	sdelay $0x2  }
0x17: {  	s10 =	sshra.s32 s9, $0x2;
	s9 =	sadd.s32 $0x40, s9;
	[tilespmem:v3+s7+$0x0] =	vst.idx.add.f32.msk $0xffff, v2  }
0x18: {  	v3 =	vld [tilespmem:s10+$0x0];
	_ =	sdelay $0x7  }
0x19: {  	[tilespmem:v3+s7+$0x0] =	vst.idx.add.f32.msk $0xffff, v2  }
0x1a: {  	v3 =	vld [tilespmem:$0x1380];
	_ =	sdelay $0x5  }
0x1b: {  	s8 =	sadd.s32 $0x1, s8  }
0x1c: {  	p0 =	sne.s32 s8, s5  }
.Ltmp2:
0x1d: {  	[tilespmem:v3+s7+$0x0] =	vst.idx.add.f32.msk $0xff, v2;
	(pc) =	sbr.rel @p0 .LBB2_1-.Ltmp2, $4  }
0x1e: {  	[hbm4b:s4+s2] =	stream.linear.scatter [tilespmem:s7], [sflag:$0x1], $0x2710, $0x38;
	[tilespmem:$0x3AA8] =	vst v63  }
0x1f: {  	_ =	swait.ge [sflag:s6], $0x2710  }
0x20: {  	[sflag:s6] =	ssyncset.done $0x0  }
0x21: {  	[sflag:s6] =	ssyncadd.s32 $0xFFFFD8F0  }
0x22: {  	_ =	sfence.sel $0x180000  }
0x23: {  	[bflag:$0x0] =	sbarrier.arrive $0xFFFF  }
0x24: {  	p0 =	sne.s32 s0, $0x0;
	_ =	strace $0x90000047  }
0x25: {  	s0 =	sadd.s32 @!p0 $0x100000, s1;
	[bflag:$0x2] =	sbarrier.arrive $0xFFFF  }
0x26: {  	[sflag:s0] =	ssyncadd.tile.s32 @!p0 $0x1;
	_ =	shalt  }
.Lfunc_end2:
_tile_overlayer_lowered:
.L_overlay_start_2:
0x27: {  	(tag) =	ssettag $0x2  }
0x28: {  	s0 =	rddreg [dreg:$0x0];
	s2 =	stileid.u32  }
0x29: {  	s1 =	rddreg [dreg:$0x1];
	p0 =	sne.s32 s2, $0x0  }
0x2a: {  	s3 =	rddreg [dreg:$0x2];
	[bflag:$0x3] =	sbarrier.arrive $0xFFFF;
	s2 =	simm.s32 @!p0 $0x1C01  }
0x2b: {  	[timem:s3], [sflag:s2] =	dma.local @!p0 [hbm:s0], s1  }
0x2c: {  	s0 =	simm.s32 @!p0 $0x1  }
0x2d: {  	_ =	swait.ge @!p0 [sflag:s0], s1  }
0x2e: {  	s1 =	ssub.s32 @!p0 $0x0, s1;
	[sflag:s0] =	ssyncset.done @!p0 $0x0  }
0x2f: {  	[sflag:s0] =	ssyncadd.s32 @!p0 s1  }
0x30: {  	[bflag:$0x3] =	sbarrier.arrive $0xFFFF  }
0x31: {  	_ =	shalt  }

// kernel: kernel.14.cloned.1.call-start
scs
__scs_entry_jumppad:
0x0: {  	(pc) =	sbr.rel $0x88, $3  }
0x1: {  	(tag) =	ssettag $0x0;
	lr =	simm.s32 $0x1  }
0x2: {  	[smem:$0x3F94] =	sst lr;
	_ =	strace $0xD0000000  }
0x3: {  	_ = 	snop  }
0x4: {  	_ = 	snop  }
0x5: {  	_ = 	snop  }
0x6: {  	_ = 	snop  }
0x7: {  	_ = 	snop  }
__scs_overlays_trampoline_lowered:
0x8: {  	[smem:$0x3FA3] =	sst s0  }
0x9: {  	[smem:$0x3FA4] =	sst s1  }
0xa: {  	[smem:$0x3FA5] =	sst s2  }
0xb: {  	[smem:$0x3FA6] =	sst s3  }
0xc: {  	[smem:$0x3FA7] =	sst s4  }
0xd: {  	[smem:$0x3FA8] =	sst s5  }
0xe: {  	[smem:$0x3FA9] =	sst s6  }
0xf: {  	[smem:$0x3FAA] =	sst s7  }
0x10: {  	[smem:$0x3FAB] =	sst s8  }
0x11: {  	[smem:$0x3FAC] =	sst s9;
	s0 =	simm.s32 @!p0 $0x0  }
0x12: {  	s1 =	sld [smem:$0x3F92];
	s0 =	simm.s32 @p0 $0x1  }
0x13: {  	[smem:$0x3FAD] =	sst s0;
	s0 =	simm.s32 @!p1 $0x0  }
0x14: {  	s2 =	sld [smem:$0x3F91];
	s0 =	simm.s32 @p1 $0x1  }
0x15: {  	[smem:$0x3FAE] =	sst s0;
	s0 =	simm.s32 @!p2 $0x0  }
0x16: {  	s3 =	sld [smem:$0x3FDB];
	s0 =	simm.s32 @p2 $0x1  }
0x17: {  	s4 =	simm.s32 $0x1BF5;
	[smem:$0x3FB0] =	sst s0  }
0x18: {  	s0 =	sld [smem:$0x3F93];
	_ =	swait.ge [sflag:s4], $0x0  }
0x19: {  	s7 =	sld [smem:$0x3F94]  }
0x1a: {  	s8 =	sadd.s32 $0xFFFFE003, lr  }
0x1b: {  	s9 =	sadd.s32 $0xFFFFFEF7, lr;
	s5 =	simm.s32 $0xFFFFFFFF;
	p2 =	slt.u32 s8, $0xFFFFF086  }
0x1c: {  	p1 =	slt.u32 s9, $0xF7A;
	s5 =	simm.s32 @!p2 $0x0  }
0x1d: {  	s5 =	simm.s32 @p1 $0x1;
	p0 =	seq.s32 s7, s2  }
0x1e: {  	s7 =	smul.u32 @!p0 $0xF7A, s2;
	p2 =	seq.s32 @!p0 s5, $0x0  }
0x1f: {  	s9 =	smul.u32 $0xF7A, s1;
	s8 =	simm.s32 @!p0 $0x1BF5;
	p2 =	por !p2, p0  }
0x20: {  	[sflag:s8] =	ssyncset.s32 @!p0 $0xFFFFF086;
	s6 =	sadd.s32 @!p0 s3, s7;
	s7 =	simm.s32 @!p0 $0x108  }
0x21: {  	s3 =	sadd.s32 s3, s9;
	s6 =	sadd.s32 @!p0 $0x88, s6;
	s7 =	simm.s32 @p2 $0x1082  }
0x22: {  	[simem:s7], [sflag:s8] =	dma.local @!p0 [hbm:s6], $0xF7A  }
0x23: {  	s9 =	sor.u32 $0xD0000000, s2;
	s6 =	simm.s32 $0x108;
	_ =	swait.ge @!p0 [sflag:s8], $0x0  }
0x24: {  	s3 =	sadd.s32 $0x88, s3;
	s6 =	simm.s32 @!p1 $0x1082;
	[sflag:s4] =	ssyncset.s32 $0xFFFFF086  }
0x25: {  	[simem:s6], [sflag:s4] =	dma.local [hbm:s3], $0xF7A  }
0x26: {  	[smem:$0x3F94] =	sst s1;
	(tag) =	ssettag s2;
	_ =	strace s9  }
0x27: {  	s1 =	sld [smem:$0x3FA4]  }
0x28: {  	s2 =	sld [smem:$0x3FA5]  }
0x29: {  	s4 =	sld [smem:$0x3FA7]  }
0x2a: {  	p0 =	seq.s32 s5, $0x0;
	s5 =	sld [smem:$0x3FA8]  }
0x2b: {  	s6 =	sld [smem:$0x3FA9]  }
0x2c: {  	s7 =	sld [smem:$0x3FAA]  }
0x2d: {  	s3 =	simm.s32 $0x108;
	s8 =	sld [smem:$0x3FAB]  }
0x2e: {  	s3 =	simm.s32 @!p0 $0x1082;
	s9 =	sld [smem:$0x3FAC]  }
0x2f: {  	lr =	sadd.s32 s0, s3;
	s0 =	sld [smem:$0x3FA3]  }
0x30: {  	s3 =	sld [smem:$0x3FA6]  }
0x31: {  	[smem:$0x3FAF] =	sst s10  }
0x32: {  	s10 =	sld [smem:$0x3FAD];
	_ =	sdelay $0x3  }
0x33: {  	p0 =	seq.s32 s10, $0x1;
	s10 =	sld [smem:$0x3FAF];
	_ =	sdelay $0x3  }
0x34: {  	[smem:$0x3FAF] =	sst s10  }
0x35: {  	s10 =	sld [smem:$0x3FAE];
	_ =	sdelay $0x3  }
0x36: {  	p1 =	seq.s32 s10, $0x1;
	s10 =	sld [smem:$0x3FAF];
	_ =	sdelay $0x3  }
0x37: {  	[smem:$0x3FAF] =	sst s10  }
0x38: {  	s10 =	sld [smem:$0x3FB0]  }
0x39: {  	_ = 	snop;
	(pc) =	sbr.ind lr, $3  }
0x3a: {  	_ = 	snop  }
0x3b: {  	_ = 	snop  }
0x3c: {  	p2 =	seq.s32 s10, $0x1;
	s10 =	sld [smem:$0x3FAF]  }
0x3d: {  	_ =	shalt  }
0x3e: {  	_ =	shalt  }
0x3f: {  	_ =	shalt  }
0x40: {  	_ =	shalt  }
0x41: {  	_ =	shalt  }
0x42: {  	_ =	shalt  }
0x43: {  	_ =	shalt  }
0x44: {  	_ =	shalt  }
0x45: {  	_ =	shalt  }
0x46: {  	_ =	shalt  }
0x47: {  	_ =	shalt  }
0x48: {  	_ =	shalt  }
0x49: {  	_ =	shalt  }
0x4a: {  	_ =	shalt  }
0x4b: {  	_ =	shalt  }
0x4c: {  	_ =	shalt  }
0x4d: {  	_ =	shalt  }
0x4e: {  	_ =	shalt  }
0x4f: {  	_ =	shalt  }
0x50: {  	_ =	shalt  }
0x51: {  	_ =	shalt  }
0x52: {  	_ =	shalt  }
0x53: {  	_ =	shalt  }
0x54: {  	_ =	shalt  }
0x55: {  	_ =	shalt  }
0x56: {  	_ =	shalt  }
0x57: {  	_ =	shalt  }
0x58: {  	_ =	shalt  }
0x59: {  	_ =	shalt  }
0x5a: {  	_ =	shalt  }
0x5b: {  	_ =	shalt  }
0x5c: {  	_ =	shalt  }
0x5d: {  	_ =	shalt  }
0x5e: {  	_ =	shalt  }
0x5f: {  	_ =	shalt  }
0x60: {  	_ =	shalt  }
0x61: {  	_ =	shalt  }
0x62: {  	_ =	shalt  }
0x63: {  	_ =	shalt  }
0x64: {  	_ =	shalt  }
0x65: {  	_ =	shalt  }
0x66: {  	_ =	shalt  }
0x67: {  	_ =	shalt  }
0x68: {  	_ =	shalt  }
0x69: {  	_ =	shalt  }
0x6a: {  	_ =	shalt  }
0x6b: {  	_ =	shalt  }
0x6c: {  	_ =	shalt  }
0x6d: {  	_ =	shalt  }
0x6e: {  	_ =	shalt  }
0x6f: {  	_ =	shalt  }
0x70: {  	_ =	shalt  }
0x71: {  	_ =	shalt  }
0x72: {  	_ =	shalt  }
0x73: {  	_ =	shalt  }
0x74: {  	_ =	shalt  }
0x75: {  	_ =	shalt  }
0x76: {  	_ =	shalt  }
0x77: {  	_ =	shalt  }
0x78: {  	_ =	shalt  }
0x79: {  	_ =	shalt  }
0x7a: {  	_ =	shalt  }
0x7b: {  	_ =	shalt  }
0x7c: {  	_ =	shalt  }
0x7d: {  	_ =	shalt  }
0x7e: {  	_ =	shalt  }
0x7f: {  	_ =	shalt  }
0x80: {  	_ =	shalt  }
0x81: {  	_ =	shalt  }
0x82: {  	_ =	shalt  }
0x83: {  	_ =	shalt  }
0x84: {  	_ =	shalt  }
0x85: {  	_ =	shalt  }
0x86: {  	_ =	shalt  }
0x87: {  	_ =	shalt  }
.Lfunc_end0:
.L_simem_size_0:
called_computation.1_lowered:
.L_overlay_start_0:
0x88: {  	s2 =	sld [smem:$0x3FD9]  }
0x89: {  	s3 =	sld [smem:$0x3FFE];
	_ =	sdelay $0x1  }
0x8a: {  	s1 =	srdreg.scid  }
0x8b: {  	s0 =	sand.u32 $0x1, s1  }
0x8c: {  	s16 =	sshll.u32 s0, $0xA;
	s2 =	sadd.s32 s3, s2  }
0x8d: {  	s2 =	sadd.s32 s2, s16  }
0x8e: {  	[smem:$0x3FBB] =	sst s2  }
0x8f: {  	_ = 	snop  }
0x90: {  	(tm) =	ssettm $0x1  }
0x91: {  	s17 =	sld [smem:$0x3FFB];
	_ =	sdelay $0x3  }
0x92: {  	_ =	strace s17  }
0x93: {  	s2 =	sld [smem:$0x3FFC];
	_ =	sdelay $0x3  }
0x94: {  	_ =	strace s2  }
0x95: {  	s2 =	sld [smem:$0x3FFD];
	_ =	sdelay $0x3  }
0x96: {  	_ =	strace s2  }
0x97: {  	_ =	strace $0x8FFFFFFF  }
0x98: {  	s18 =	sld [smem:$0x3FDB];
	_ =	sdelay $0x1  }
0x99: {  	s19 =	simm.s32 $_scs_section_size  }
0x9a: {  	s4 =	simm.s32 $_size__tile_overlayer_lowered;
	s5 =	simm.s32 $_tile_overlayer_lowered  }
0x9b: {  	s22 =	simm.s32 $0x1BFF;
	s21 =	sshll.u32 s5, $0x1;
	s2 =	sadd.s32 s19, s18  }
0x9c: {  	s6 =	simm.s32 $0x0;
	s20 =	sshll.u32 s4, $0x1;
	s4 =	sadd.s32 s21, s2  }
0x9d: {  	[timem:s6], [sflag:s22] =	dma.local [hbm:s4], s20  }
0x9e: {  	_ =	swait.ge [sflag:s22], s20  }
0x9f: {  	s3 =	ssub.s32 $0x0, s20;
	[sflag:s22] =	ssyncset.done $0x0  }
0xa0: {  	[sflag:s22] =	ssyncadd.s32 s3;
	_ =	sdelay $0x1  }
0xa1: {  	s23 =	simm.s32 $0x1B8B  }
0xa2: {  	_ =	swait.ge [sflag:s23], $0x1  }
0xa3: {  	[sflag:s23] =	ssyncset.done $0x0  }
0xa4: {  	s25 =	simm.s32 $0x1B8E;
	s24 =	sld [smem:$0x3FFE];
	[sflag:s23] =	ssyncadd.s32 $0xFFFFFFFF  }
0xa5: {  	s26 =	simm.s32 $execute0_lowered;
	[smem:$0x3FD2] =	sst s25  }
0xa6: {  	s4 =	sshll.u32 s26, $0x1;
	_ =	strace $0x80000049;
	[dreg:$0x1] =	wrdreg $0xFFFFFFFF  }
0xa7: {  	s28 =	simm.s32 $_size_execute0_lowered;
	s2 =	sadd.s32 s2, s4;
	[dreg:$0x0] =	wrdreg $0x0  }
0xa8: {  	s4 =	sshll.u32 s28, $0x1;
	[dreg:$0x2] =	wrdreg s2  }
0xa9: {  	[dreg:$0x3] =	wrdreg s4  }
0xaa: {  	[dreg:$0x4] =	wrdreg $0xC0  }
0xab: {  	_ =	task [dreg:s6], $0x5FFFF  }
0xac: {  	[dreg:$0x1] =	wrdreg $0xFFFFFFFF  }
0xad: {  	[dreg:$0x0] =	wrdreg $0x60  }
0xae: {  	[dreg:$0x2] =	wrdreg s24  }
0xaf: {  	[dreg:$0x3] =	wrdreg $0x0  }
0xb0: {  	[dreg:$0x4] =	wrdreg $0x9  }
0xb1: {  	_ =	task.clear_ibuf [dreg:s6], $0x5FFFF;
	_ =	strace $0x90000049  }
0xb2: {  	s29 =	simm.s32 $0x9;
	_ =	strace $0x8000004B  }
0xb3: {  	_ =	swait.ge [sflag:s29], $0x1  }
0xb4: {  	[sflag:s29] =	ssyncadd.s32 $0xFFFFFFFF  }
0xb5: {  	_ =	strace $0x9000004B  }
0xb6: {  	_ =	sfence  }
0xb7: {  	s30 =	sld [smem:$0x0];
	_ =	sdelay $0x2  }
0xb8: {  	s31 =	sshll.u32 s1, $0xD;
	s1 =	sshrl.u32 s1, $0x2  }
0xb9: {  	s3 =	sand.u32 $0x4000, s31;
	s1 =	sadd.s32 s1, s30  }
0xba: {  	s0 =	sor.u32 s3, s0;
	s1 =	sshll.u32 s1, $0x11  }
0xbb: {  	s0 =	sor.u32 s1, s0  }
0xbc: {  	s0 =	sadd.s32 $0x8F2B, s0  }
0xbd: {  	[sflag:s0] =	ssyncadd.remote.s32 $0x1  }
0xbe: {  	_ =	sfence.sel $0xFFFF  }
0xbf: {  	[dreg:$0x0] =	wrdreg $0xFFFFFFFF;
	(pc) =	sbr.abs _section_cstart, $3  }
0xc0: {  	[dreg:$0x1] =	wrdreg $0xFFFFFFFF  }
0xc1: {  	_ =	task.clear_ibuf [dreg:s6], $0x2FFFF;
	_ =	strace $0x9FFFFFFF  }
0xc2: {  	(tm) =	ssettm $0x7FFFFFFF  }
0xc3: {  	_ =	shalt  }
tec
execute0_lowered:
.L_overlay_start_1:
0x0: {  	(tag) =	ssettag $0x1  }
0x1: {  	s0 =	srdreg.scid  }
0x2: {  	s9 =	stileid.u32;
	s3 =	rddreg [dreg:$0x0]  }
0x3: {  	s2 =	rddreg [dreg:$0x1];
	s4 =	simm.s32 $0x0;
	s11 =	simm.s32 $0xF  }
0x4: {  	s15 =	simm.s32 $0x20;
	s16 =	simm.s32 $0x18780;
	s18 =	simm.s32 $0x19780  }
0x5: {  	s22 =	simm.s32 $0x1B780;
	s29 =	simm.s32 $0x1E780;
	s30 =	simm.s32 $0x1  }
0x6: {  	s31 =	simm.s32 $0x2;
	s12 =	simm.s32 $0xA;
	s17 =	simm.s32 $0x6  }
0x7: {  	s19 =	simm.s32 $0xC;
	s20 =	simm.s32 $0x7;
	s21 =	simm.s32 $0xD  }
0x8: {  	s23 =	simm.s32 $0xE;
	s0 =	sand.u32 $0x1, s0;
	s6 =	smul.u32 $0x271, s9  }
0x9: {  	[smem:$0x7FF] =	sst s4;
	s4 =	sadd.s32 $0x20C00, s3;
	s7 =	smul.u32 $0x4EC, s9  }
0xa: {  	s24 =	smul.u32 $0x4E200, s9;
	s28 =	sshll.u32 s9, $0x6;
	s1 =	sshll.u32 s0, $0x4  }
0xb: {  	s5 =	smul.u32 $0x2710, s0;
	_ =	strace $0x8000004A;
	s0 =	ssub.s32 $0x2, s0  }
0xc: {  	s1 =	sor.u32 s9, s1;
	s7 =	sadd.s32 s7, s3;
	s8 =	sshrl.u32 s0, $0x1  }
0xd: {  	s25 =	sshrl.u32 s24, $0x2;
	s24 =	simm.s32 $0x1C780;
	s1 =	smul.u32 $0x4EC, s1  }
0xe: {  	s5 =	sadd.s32 s6, s5;
	s0 =	ssub.s32 s0, s8;
	s26 =	sadd.s32 $0x1BC00, s7  }
0xf: {  	s8 =	sor.u32 $0x1C0F, s28;
	s5 =	sshll.u32 s5, $0x4;
	[dreg:$0x4] =	wrdreg s26  }
0x10: {  	s0 =	smax.u32 s0, $0x1;
	s1 =	sadd.s32 s1, s3;
	s3 =	sadd.s32 s5, s3  }
.Ltmp0:
0x11: {  	s5 =	sadd.s32 s4, s5;
	[dreg:$0x7] =	wrdreg s0;
	(pc) =	sbr.rel .LBB2_1-.Ltmp0, $4  }
0x12: {  	s26 =	simm.s32 $0x1D780;
	s1 =	sadd.s32 $0x11E00, s1;
	[dreg:$0x5] =	wrdreg s5  }
0x13: {  	s3 =	sadd.s32 $0x6EE00, s3;
	[dreg:$0x3] =	wrdreg s1;
	s1 =	sadd.s32 s25, s2  }
0x14: {  	s0 =	simm.s32 $0x4;
	[dreg:$0x6] =	wrdreg s3;
	s9 =	sshrl.u32 s1, $0x3  }
0x15: {  	s25 =	simm.s32 $0x0;
	s1 =	simm.s32 $0x8;
	[dreg:$0x8] =	wrdreg s9  }
.LBB2_4:
0x16: {  	_ =	swait.ge [sflag:s20], $0x1000  }
0x17: {  	[sflag:s20] =	ssyncset.done $0x0  }
0x18: {  	[sflag:s20] =	ssyncadd.s32 $0xFFFFF000  }
0x19: {  	[spmem:s2] =	stream.indirect.scatter.add.f32 [tilespmem:s29], [sflag:$0xE], $0x80, s5, s15, $0xb8;
	[tilespmem:$0x1F780] =	vst v63  }
0x1a: {  	_ =	swait.ge [sflag:s21], $0x1000  }
0x1b: {  	[sflag:s21] =	ssyncset.done $0x0  }
0x1c: {  	[sflag:s21] =	ssyncadd.s32 $0xFFFFF000  }
0x1d: {  	_ =	swait.ge [sflag:s23], $0x1000  }
0x1e: {  	[sflag:s23] =	ssyncset.done $0x0  }
0x1f: {  	[sflag:s23] =	ssyncadd.s32 $0xFFFFF000  }
0x20: {  	[bflag:$0x0] =	sbarrier.arrive $0xFFFF  }
0x21: {  	s3 =	rddreg [dreg:$0x6]  }
0x22: {  	s9 =	rddreg [dreg:$0x8]  }
0x23: {  	[hbm:s3], [sflag:s14] =	dma.local [spmem:s9], $0x2710  }
0x24: {  	_ =	swait.ge [sflag:s11], $0x2710  }
0x25: {  	s25 =	sadd.s32 $0x1, s25;
	s28 =	rddreg [dreg:$0x7]  }
0x26: {  	p0 =	sne.s32 s25, s28  }
.Ltmp1:
0x27: {  	_ = 	snop;
	(pc) =	sbr.rel @!p0 .LBB2_5-.Ltmp1, $3  }
0x28: {  	_ =	sdelay $0x1  }
0x29: {  	[sflag:s11] =	ssyncset.done $0x0  }
0x2a: {  	s8 =	smov.u32 s14;
	[sflag:s11] =	ssyncadd.s32 $0xFFFFD8F0  }
.LBB2_1:
0x2b: {  	s3 =	simm.s32 $0x0;
	s5 =	rddreg [dreg:$0x3];
	s6 =	simm.s32 $0x138C0  }
0x2c: {  	[tilespmem:s6], [sflag:$0xF] =	stream.linear.gather [hbm4b:s5+s3], $0x2760, $0x38;
	[tilespmem:$0x1F780] =	vst v63  }
0x2d: {  	_ =	swait.ge [sflag:s11], $0x2760  }
0x2e: {  	[sflag:s11] =	ssyncset.done $0x0  }
0x2f: {  	s7 =	simm.s32 $0x16020;
	s10 =	rddreg [dreg:$0x4];
	[sflag:s11] =	ssyncadd.s32 $0xFFFFD8A0  }
0x30: {  	[tilespmem:s7], [sflag:$0xF] =	stream.linear.gather [hbm4b:s10+s3], $0x2760, $0x38;
	[tilespmem:$0x1F780] =	vst v63  }
0x31: {  	_ =	swait.ge [sflag:s11], $0x2760  }
0x32: {  	[sflag:s11] =	ssyncset.done $0x0  }
0x33: {  	s13 =	rddreg [dreg:$0x5];
	[sflag:s11] =	ssyncadd.s32 $0xFFFFD8A0  }
0x34: {  	[spmem:s9], [sflag:s8] =	dma.local [hbm:s13], $0x2710  }
0x35: {  	_ =	swait.ge [sflag:s11], $0x2710  }
0x36: {  	[sflag:s11] =	ssyncset.done $0x0  }
0x37: {  	[sflag:s11] =	ssyncadd.s32 $0xFFFFD8F0  }
0x38: {  	[bflag:$0x0] =	sbarrier.arrive $0xFFFF  }
0x39: {  	[tilespmem:s16], [sflag:$0x1] =	stream.indirect.gather [hbm4b:s4+s15], $0x80, s6, s15, $0xb8;
	[tilespmem:$0x1F780] =	vst v63  }
0x3a: {  	s5 =	simm.s32 $0x138E0  }
0x3b: {  	[tilespmem:s18], [sflag:$0x2] =	stream.indirect.gather [hbm4b:s4+s15], $0x80, s5, s15, $0xb8;
	[tilespmem:$0x1F780] =	vst v63  }
0x3c: {  	s7 =	simm.s32 $0x1A780;
	s6 =	simm.s32 $0x13900  }
0x3d: {  	[tilespmem:s7], [sflag:$0x3] =	stream.indirect.gather [hbm4b:s4+s15], $0x80, s6, s15, $0xb8;
	[tilespmem:$0x1F780] =	vst v63  }
0x3e: {  	s14 =	smov.u32 s8;
	s8 =	simm.s32 $0x13920  }
0x3f: {  	[tilespmem:s22], [sflag:$0x4] =	stream.indirect.gather [hbm4b:s4+s15], $0x80, s8, s15, $0xb8;
	[tilespmem:$0x1F780] =	vst v63  }
0x40: {  	s9 =	simm.s32 $0x13940  }
0x41: {  	[tilespmem:s24], [sflag:$0x5] =	stream.indirect.gather [hbm4b:s4+s15], $0x80, s9, s15, $0xb8;
	[tilespmem:$0x1F780] =	vst v63  }
0x42: {  	s10 =	simm.s32 $0x13960  }
0x43: {  	[tilespmem:s26], [sflag:$0x6] =	stream.indirect.gather [hbm4b:s4+s15], $0x80, s10, s15, $0xb8;
	[tilespmem:$0x1F780] =	vst v63  }
0x44: {  	s28 =	simm.s32 $0x0;
	s13 =	simm.s32 $0x13980  }
0x45: {  	[tilespmem:s29], [sflag:$0x7] =	stream.indirect.gather [hbm4b:s4+s15], $0x80, s13, s15, $0xb8;
	[tilespmem:$0x1F780] =	vst v63  }
.LBB2_2:
0x46: {  	_ =	swait.ge [sflag:s30], $0x1000  }
0x47: {  	s3 =	sshra.s32 s28, $0x2;
	[sflag:s30] =	ssyncset.done $0x0  }
0x48: {  	s5 =	sadd.s32 $0x16020, s3;
	[sflag:s30] =	ssyncadd.s32 $0xFFFFF000  }
0x49: {  	[spmem:s2] =	stream.indirect.scatter.add.f32 [tilespmem:s16], [sflag:$0x8], $0x80, s5, s15, $0xb8;
	[tilespmem:$0x1F780] =	vst v63  }
0x4a: {  	_ =	swait.ge [sflag:s31], $0x1000  }
0x4b: {  	[sflag:s31] =	ssyncset.done $0x0  }
0x4c: {  	s10 =	sadd.s32 $0x16040, s3;
	[sflag:s31] =	ssyncadd.s32 $0xFFFFF000  }
0x4d: {  	[spmem:s2] =	stream.indirect.scatter.add.f32 [tilespmem:s18], [sflag:$0x9], $0x80, s10, s15, $0xb8;
	[tilespmem:$0x1F780] =	vst v63  }
0x4e: {  	_ =	swait.ge [sflag:s1], $0x1000  }
0x4f: {  	p0 =	seq.s32 s28, $0x9A00;
	[sflag:s1] =	ssyncset.done $0x0  }
0x50: {  	s5 =	simm.s32 @p0 $0x3;
	[sflag:s1] =	ssyncadd.s32 $0xFFFFF000  }
0x51: {  	_ =	swait.ge @p0 [sflag:s5], $0x1000  }
0x52: {  	[sflag:s5] =	ssyncset.done @p0 $0x0  }
0x53: {  	[sflag:s5] =	ssyncadd.s32 @p0 $0xFFFFF000;
	s5 =	sshra.s32 @p0 s28, $0x2  }
0x54: {  	s7 =	simm.s32 @p0 $0x1A780;
	s10 =	simm.s32 @p0 $0x20;
	s6 =	sadd.s32 @p0 $0x16060, s5  }
0x55: {  	[spmem:s2] =	stream.indirect.scatter.add.f32 @p0 [tilespmem:s7], [sflag:$0xA], $0x80, s6, s10, $0xb8;
	[tilespmem:$0x1F780] =	vst v63  }
0x56: {  	s6 =	simm.s32 @p0 $0x9  }
0x57: {  	_ =	swait.ge @p0 [sflag:s6], $0x1000  }
0x58: {  	[sflag:s6] =	ssyncset.done @p0 $0x0  }
0x59: {  	[sflag:s6] =	ssyncadd.s32 @p0 $0xFFFFF000;
	s6 =	sshra.s32 @!p0 s28, $0x2  }
0x5a: {  	s8 =	simm.s32 @!p0 $0x20;
	s9 =	simm.s32 @!p0 $0x18780;
	s7 =	sadd.s32 @!p0 $0x139A0, s6  }
0x5b: {  	[tilespmem:s9], [sflag:$0x1] =	stream.indirect.gather @!p0 [hbm4b:s4+s8], $0x80, s7, s8, $0xb8;
	[tilespmem:$0x1F780] =	vst v63  }
0x5c: {  	s7 =	simm.s32 @!p0 $0x3  }
0x5d: {  	_ =	swait.ge @!p0 [sflag:s7], $0x1000  }
0x5e: {  	[sflag:s7] =	ssyncset.done @!p0 $0x0  }
0x5f: {  	s9 =	simm.s32 @!p0 $0x1A780;
	[sflag:s7] =	ssyncadd.s32 @!p0 $0xFFFFF000;
	s7 =	sadd.s32 @!p0 $0x16060, s6  }
0x60: {  	[spmem:s2] =	stream.indirect.scatter.add.f32 @!p0 [tilespmem:s9], [sflag:$0xA], $0x80, s7, s8, $0xb8;
	[tilespmem:$0x1F780] =	vst v63  }
0x61: {  	s7 =	simm.s32 @!p0 $0x9  }
0x62: {  	_ =	swait.ge @!p0 [sflag:s7], $0x1000  }
0x63: {  	[sflag:s7] =	ssyncset.done @!p0 $0x0  }
0x64: {  	s13 =	simm.s32 @!p0 $0x19780;
	[sflag:s7] =	ssyncadd.s32 @!p0 $0xFFFFF000;
	s7 =	sadd.s32 @!p0 $0x139C0, s6  }
0x65: {  	[tilespmem:s13], [sflag:$0x2] =	stream.indirect.gather @!p0 [hbm4b:s4+s8], $0x80, s7, s8, $0xb8;
	[tilespmem:$0x1F780] =	vst v63  }
0x66: {  	_ =	swait.ge [sflag:s0], $0x1000  }
0x67: {  	[sflag:s0] =	ssyncset.done $0x0  }
0x68: {  	s13 =	sadd.s32 $0x16080, s3;
	[sflag:s0] =	ssyncadd.s32 $0xFFFFF000  }
0x69: {  	[spmem:s2] =	stream.indirect.scatter.add.f32 [tilespmem:s22], [sflag:$0xB], $0x80, s13, s15, $0xb8;
	[tilespmem:$0x1F780] =	vst v63  }
0x6a: {  	_ =	swait.ge [sflag:s12], $0x1000  }
0x6b: {  	[sflag:s12] =	ssyncset.done $0x0  }
0x6c: {  	s7 =	simm.s32 @p0 $0x5;
	[sflag:s12] =	ssyncadd.s32 $0xFFFFF000  }
0x6d: {  	_ =	swait.ge @p0 [sflag:s7], $0x1000  }
0x6e: {  	[sflag:s7] =	ssyncset.done @p0 $0x0  }
0x6f: {  	s5 =	sadd.s32 @p0 $0x160A0, s5;
	[sflag:s7] =	ssyncadd.s32 @p0 $0xFFFFF000;
	s7 =	simm.s32 @p0 $0x1C780  }
0x70: {  	[spmem:s2] =	stream.indirect.scatter.add.f32 @p0 [tilespmem:s7], [sflag:$0xC], $0x80, s5, s10, $0xb8;
	[tilespmem:$0x1F780] =	vst v63  }
0x71: {  	s5 =	simm.s32 @p0 $0xB  }
0x72: {  	_ =	swait.ge @p0 [sflag:s5], $0x1000  }
0x73: {  	[sflag:s5] =	ssyncset.done @p0 $0x0  }
0x74: {  	[sflag:s5] =	ssyncadd.s32 @p0 $0xFFFFF000;
	s5 =	sadd.s32 @!p0 $0x139E0, s6  }
0x75: {  	[tilespmem:s9], [sflag:$0x3] =	stream.indirect.gather @!p0 [hbm4b:s4+s8], $0x80, s5, s8, $0xb8;
	[tilespmem:$0x1F780] =	vst v63  }
0x76: {  	s5 =	simm.s32 @!p0 $0x5  }
0x77: {  	_ =	swait.ge @!p0 [sflag:s5], $0x1000  }
0x78: {  	[sflag:s5] =	ssyncset.done @!p0 $0x0  }
0x79: {  	s7 =	simm.s32 @!p0 $0x1C780;
	[sflag:s5] =	ssyncadd.s32 @!p0 $0xFFFFF000;
	s5 =	sadd.s32 @!p0 $0x160A0, s6  }
0x7a: {  	[spmem:s2] =	stream.indirect.scatter.add.f32 @!p0 [tilespmem:s7], [sflag:$0xC], $0x80, s5, s8, $0xb8;
	[tilespmem:$0x1F780] =	vst v63  }
0x7b: {  	s5 =	simm.s32 @!p0 $0xB  }
0x7c: {  	_ =	swait.ge @!p0 [sflag:s5], $0x1000  }
0x7d: {  	[sflag:s5] =	ssyncset.done @!p0 $0x0  }
0x7e: {  	[sflag:s5] =	ssyncadd.s32 @!p0 $0xFFFFF000;
	s5 =	sadd.s32 @!p0 $0x13A00, s6;
	s6 =	simm.s32 @!p0 $0x1B780  }
0x7f: {  	[tilespmem:s6], [sflag:$0x4] =	stream.indirect.gather @!p0 [hbm4b:s4+s8], $0x80, s5, s8, $0xb8;
	[tilespmem:$0x1F780] =	vst v63  }
0x80: {  	_ =	swait.ge [sflag:s17], $0x1000  }
0x81: {  	[sflag:s17] =	ssyncset.done $0x0  }
.Ltmp2:
0x82: {  	s13 =	sadd.s32 $0x160C0, s3;
	[sflag:s17] =	ssyncadd.s32 $0xFFFFF000;
	(pc) =	sbr.rel @p0 .LBB2_4-.Ltmp2, $4  }
0x83: {  	[spmem:s2] =	stream.indirect.scatter.add.f32 [tilespmem:s26], [sflag:$0xD], $0x80, s13, s15, $0xb8;
	[tilespmem:$0x1F780] =	vst v63  }
0x84: {  	_ =	swait.ge [sflag:s19], $0x1000  }
0x85: {  	[sflag:s19] =	ssyncset.done $0x0  }
0x86: {  	s5 =	sadd.s32 $0x160E0, s3;
	[sflag:s19] =	ssyncadd.s32 $0xFFFFF000  }
0x87: {  	s6 =	sadd.s32 $0x13A20, s3  }
0x88: {  	[tilespmem:s24], [sflag:$0x5] =	stream.indirect.gather [hbm4b:s4+s15], $0x80, s6, s15, $0xb8;
	[tilespmem:$0x1F780] =	vst v63  }
0x89: {  	_ =	swait.ge [sflag:s20], $0x1000  }
0x8a: {  	[sflag:s20] =	ssyncset.done $0x0  }
0x8b: {  	[sflag:s20] =	ssyncadd.s32 $0xFFFFF000  }
0x8c: {  	[spmem:s2] =	stream.indirect.scatter.add.f32 [tilespmem:s29], [sflag:$0xE], $0x80, s5, s15, $0xb8;
	[tilespmem:$0x1F780] =	vst v63  }
0x8d: {  	_ =	swait.ge [sflag:s21], $0x1000  }
0x8e: {  	[sflag:s21] =	ssyncset.done $0x0  }
0x8f: {  	s10 =	sadd.s32 $0x13A40, s3;
	[sflag:s21] =	ssyncadd.s32 $0xFFFFF000  }
0x90: {  	[tilespmem:s26], [sflag:$0x6] =	stream.indirect.gather [hbm4b:s4+s15], $0x80, s10, s15, $0xb8;
	[tilespmem:$0x1F780] =	vst v63  }
.Ltmp3:
0x91: {  	_ = 	snop;
	(pc) =	sbr.rel .LBB2_2-.Ltmp3, $4  }
0x92: {  	_ =	swait.ge [sflag:s23], $0x1000  }
0x93: {  	[sflag:s23] =	ssyncset.done $0x0  }
0x94: {  	s13 =	sadd.s32 $0x13A60, s3;
	s28 =	sadd.s32 $0x380, s28;
	[sflag:s23] =	ssyncadd.s32 $0xFFFFF000  }
0x95: {  	[tilespmem:s29], [sflag:$0x7] =	stream.indirect.gather [hbm4b:s4+s15], $0x80, s13, s15, $0xb8;
	[tilespmem:$0x1F780] =	vst v63  }
.LBB2_5:
0x96: {  	_ =	sfence.sel $0x180000  }
0x97: {  	[bflag:$0x0] =	sbarrier.arrive $0xFFFF  }
0x98: {  	_ =	strace $0x9000004A  }
0x99: {  	s0 =	stileid.u32;
	[bflag:$0x2] =	sbarrier.arrive $0xFFFF  }
0x9a: {  	p0 =	sne.s32 s0, $0x0;
	s0 =	rddreg [dreg:$0x2]  }
0x9b: {  	s0 =	sadd.s32 @!p0 $0x100000, s0  }
0x9c: {  	[sflag:s0] =	ssyncadd.tile.s32 @!p0 $0x1;
	_ =	shalt  }
.Lfunc_end2:
_tile_overlayer_lowered:
.L_overlay_start_2:
0x9d: {  	(tag) =	ssettag $0x2  }
0x9e: {  	s0 =	rddreg [dreg:$0x0];
	s2 =	stileid.u32  }
0x9f: {  	s1 =	rddreg [dreg:$0x1];
	p0 =	sne.s32 s2, $0x0  }
0xa0: {  	s3 =	rddreg [dreg:$0x2];
	[bflag:$0x3] =	sbarrier.arrive $0xFFFF;
	s2 =	simm.s32 @!p0 $0x1C0F  }
0xa1: {  	[timem:s3], [sflag:s2] =	dma.local @!p0 [hbm:s0], s1  }
0xa2: {  	s0 =	simm.s32 @!p0 $0xF  }
0xa3: {  	_ =	swait.ge @!p0 [sflag:s0], s1  }
0xa4: {  	s1 =	ssub.s32 @!p0 $0x0, s1;
	[sflag:s0] =	ssyncset.done @!p0 $0x0  }
0xa5: {  	[sflag:s0] =	ssyncadd.s32 @!p0 s1  }
0xa6: {  	[bflag:$0x3] =	sbarrier.arrive $0xFFFF  }
0xa7: {  	_ =	shalt  }

// kernel: kernel.17.cloned.1.call-start
scs
__scs_entry_jumppad:
0x0: {  	(pc) =	sbr.rel $0x88, $3  }
0x1: {  	(tag) =	ssettag $0x0;
	lr =	simm.s32 $0x1  }
0x2: {  	[smem:$0x3F94] =	sst lr;
	_ =	strace $0xD0000000  }
0x3: {  	_ = 	snop  }
0x4: {  	_ = 	snop  }
0x5: {  	_ = 	snop  }
0x6: {  	_ = 	snop  }
0x7: {  	_ = 	snop  }
__scs_overlays_trampoline_lowered:
0x8: {  	[smem:$0x3FA3] =	sst s0  }
0x9: {  	[smem:$0x3FA4] =	sst s1  }
0xa: {  	[smem:$0x3FA5] =	sst s2  }
0xb: {  	[smem:$0x3FA6] =	sst s3  }
0xc: {  	[smem:$0x3FA7] =	sst s4  }
0xd: {  	[smem:$0x3FA8] =	sst s5  }
0xe: {  	[smem:$0x3FA9] =	sst s6  }
0xf: {  	[smem:$0x3FAA] =	sst s7  }
0x10: {  	[smem:$0x3FAB] =	sst s8  }
0x11: {  	[smem:$0x3FAC] =	sst s9;
	s0 =	simm.s32 @!p0 $0x0  }
0x12: {  	s1 =	sld [smem:$0x3F92];
	s0 =	simm.s32 @p0 $0x1  }
0x13: {  	[smem:$0x3FAD] =	sst s0;
	s0 =	simm.s32 @!p1 $0x0  }
0x14: {  	s2 =	sld [smem:$0x3F91];
	s0 =	simm.s32 @p1 $0x1  }
0x15: {  	[smem:$0x3FAE] =	sst s0;
	s0 =	simm.s32 @!p2 $0x0  }
0x16: {  	s3 =	sld [smem:$0x3FDB];
	s0 =	simm.s32 @p2 $0x1  }
0x17: {  	s4 =	simm.s32 $0x1BF5;
	[smem:$0x3FB0] =	sst s0  }
0x18: {  	s0 =	sld [smem:$0x3F93];
	_ =	swait.ge [sflag:s4], $0x0  }
0x19: {  	s7 =	sld [smem:$0x3F94]  }
0x1a: {  	s8 =	sadd.s32 $0xFFFFE003, lr  }
0x1b: {  	s9 =	sadd.s32 $0xFFFFFEF7, lr;
	s5 =	simm.s32 $0xFFFFFFFF;
	p2 =	slt.u32 s8, $0xFFFFF086  }
0x1c: {  	p1 =	slt.u32 s9, $0xF7A;
	s5 =	simm.s32 @!p2 $0x0  }
0x1d: {  	s5 =	simm.s32 @p1 $0x1;
	p0 =	seq.s32 s7, s2  }
0x1e: {  	s7 =	smul.u32 @!p0 $0xF7A, s2;
	p2 =	seq.s32 @!p0 s5, $0x0  }
0x1f: {  	s9 =	smul.u32 $0xF7A, s1;
	s8 =	simm.s32 @!p0 $0x1BF5;
	p2 =	por !p2, p0  }
0x20: {  	[sflag:s8] =	ssyncset.s32 @!p0 $0xFFFFF086;
	s6 =	sadd.s32 @!p0 s3, s7;
	s7 =	simm.s32 @!p0 $0x108  }
0x21: {  	s3 =	sadd.s32 s3, s9;
	s6 =	sadd.s32 @!p0 $0x88, s6;
	s7 =	simm.s32 @p2 $0x1082  }
0x22: {  	[simem:s7], [sflag:s8] =	dma.local @!p0 [hbm:s6], $0xF7A  }
0x23: {  	s9 =	sor.u32 $0xD0000000, s2;
	s6 =	simm.s32 $0x108;
	_ =	swait.ge @!p0 [sflag:s8], $0x0  }
0x24: {  	s3 =	sadd.s32 $0x88, s3;
	s6 =	simm.s32 @!p1 $0x1082;
	[sflag:s4] =	ssyncset.s32 $0xFFFFF086  }
0x25: {  	[simem:s6], [sflag:s4] =	dma.local [hbm:s3], $0xF7A  }
0x26: {  	[smem:$0x3F94] =	sst s1;
	(tag) =	ssettag s2;
	_ =	strace s9  }
0x27: {  	s1 =	sld [smem:$0x3FA4]  }
0x28: {  	s2 =	sld [smem:$0x3FA5]  }
0x29: {  	s4 =	sld [smem:$0x3FA7]  }
0x2a: {  	p0 =	seq.s32 s5, $0x0;
	s5 =	sld [smem:$0x3FA8]  }
0x2b: {  	s6 =	sld [smem:$0x3FA9]  }
0x2c: {  	s7 =	sld [smem:$0x3FAA]  }
0x2d: {  	s3 =	simm.s32 $0x108;
	s8 =	sld [smem:$0x3FAB]  }
0x2e: {  	s3 =	simm.s32 @!p0 $0x1082;
	s9 =	sld [smem:$0x3FAC]  }
0x2f: {  	lr =	sadd.s32 s0, s3;
	s0 =	sld [smem:$0x3FA3]  }
0x30: {  	s3 =	sld [smem:$0x3FA6]  }
0x31: {  	[smem:$0x3FAF] =	sst s10  }
0x32: {  	s10 =	sld [smem:$0x3FAD];
	_ =	sdelay $0x3  }
0x33: {  	p0 =	seq.s32 s10, $0x1;
	s10 =	sld [smem:$0x3FAF];
	_ =	sdelay $0x3  }
0x34: {  	[smem:$0x3FAF] =	sst s10  }
0x35: {  	s10 =	sld [smem:$0x3FAE];
	_ =	sdelay $0x3  }
0x36: {  	p1 =	seq.s32 s10, $0x1;
	s10 =	sld [smem:$0x3FAF];
	_ =	sdelay $0x3  }
0x37: {  	[smem:$0x3FAF] =	sst s10  }
0x38: {  	s10 =	sld [smem:$0x3FB0]  }
0x39: {  	_ = 	snop;
	(pc) =	sbr.ind lr, $3  }
0x3a: {  	_ = 	snop  }
0x3b: {  	_ = 	snop  }
0x3c: {  	p2 =	seq.s32 s10, $0x1;
	s10 =	sld [smem:$0x3FAF]  }
0x3d: {  	_ =	shalt  }
0x3e: {  	_ =	shalt  }
0x3f: {  	_ =	shalt  }
0x40: {  	_ =	shalt  }
0x41: {  	_ =	shalt  }
0x42: {  	_ =	shalt  }
0x43: {  	_ =	shalt  }
0x44: {  	_ =	shalt  }
0x45: {  	_ =	shalt  }
0x46: {  	_ =	shalt  }
0x47: {  	_ =	shalt  }
0x48: {  	_ =	shalt  }
0x49: {  	_ =	shalt  }
0x4a: {  	_ =	shalt  }
0x4b: {  	_ =	shalt  }
0x4c: {  	_ =	shalt  }
0x4d: {  	_ =	shalt  }
0x4e: {  	_ =	shalt  }
0x4f: {  	_ =	shalt  }
0x50: {  	_ =	shalt  }
0x51: {  	_ =	shalt  }
0x52: {  	_ =	shalt  }
0x53: {  	_ =	shalt  }
0x54: {  	_ =	shalt  }
0x55: {  	_ =	shalt  }
0x56: {  	_ =	shalt  }
0x57: {  	_ =	shalt  }
0x58: {  	_ =	shalt  }
0x59: {  	_ =	shalt  }
0x5a: {  	_ =	shalt  }
0x5b: {  	_ =	shalt  }
0x5c: {  	_ =	shalt  }
0x5d: {  	_ =	shalt  }
0x5e: {  	_ =	shalt  }
0x5f: {  	_ =	shalt  }
0x60: {  	_ =	shalt  }
0x61: {  	_ =	shalt  }
0x62: {  	_ =	shalt  }
0x63: {  	_ =	shalt  }
0x64: {  	_ =	shalt  }
0x65: {  	_ =	shalt  }
0x66: {  	_ =	shalt  }
0x67: {  	_ =	shalt  }
0x68: {  	_ =	shalt  }
0x69: {  	_ =	shalt  }
0x6a: {  	_ =	shalt  }
0x6b: {  	_ =	shalt  }
0x6c: {  	_ =	shalt  }
0x6d: {  	_ =	shalt  }
0x6e: {  	_ =	shalt  }
0x6f: {  	_ =	shalt  }
0x70: {  	_ =	shalt  }
0x71: {  	_ =	shalt  }
0x72: {  	_ =	shalt  }
0x73: {  	_ =	shalt  }
0x74: {  	_ =	shalt  }
0x75: {  	_ =	shalt  }
0x76: {  	_ =	shalt  }
0x77: {  	_ =	shalt  }
0x78: {  	_ =	shalt  }
0x79: {  	_ =	shalt  }
0x7a: {  	_ =	shalt  }
0x7b: {  	_ =	shalt  }
0x7c: {  	_ =	shalt  }
0x7d: {  	_ =	shalt  }
0x7e: {  	_ =	shalt  }
0x7f: {  	_ =	shalt  }
0x80: {  	_ =	shalt  }
0x81: {  	_ =	shalt  }
0x82: {  	_ =	shalt  }
0x83: {  	_ =	shalt  }
0x84: {  	_ =	shalt  }
0x85: {  	_ =	shalt  }
0x86: {  	_ =	shalt  }
0x87: {  	_ =	shalt  }
.Lfunc_end0:
.L_simem_size_0:
called_computation.2_lowered:
.L_overlay_start_0:
0x88: {  	s2 =	sld [smem:$0x3FD9]  }
0x89: {  	s3 =	sld [smem:$0x3FFE];
	_ =	sdelay $0x1  }
0x8a: {  	s1 =	srdreg.scid  }
0x8b: {  	s0 =	sand.u32 $0x1, s1  }
0x8c: {  	s16 =	sshll.u32 s0, $0xA;
	s2 =	sadd.s32 s3, s2  }
0x8d: {  	s2 =	sadd.s32 s2, s16  }
0x8e: {  	[smem:$0x3FBB] =	sst s2  }
0x8f: {  	_ = 	snop  }
0x90: {  	(tm) =	ssettm $0x1  }
0x91: {  	s17 =	sld [smem:$0x3FFB];
	_ =	sdelay $0x3  }
0x92: {  	_ =	strace s17  }
0x93: {  	s2 =	sld [smem:$0x3FFC];
	_ =	sdelay $0x3  }
0x94: {  	_ =	strace s2  }
0x95: {  	s2 =	sld [smem:$0x3FFD];
	_ =	sdelay $0x3  }
0x96: {  	_ =	strace s2  }
0x97: {  	_ =	strace $0x8FFFFFFF  }
0x98: {  	s18 =	sld [smem:$0x3FDB];
	_ =	sdelay $0x1  }
0x99: {  	s19 =	simm.s32 $_scs_section_size  }
0x9a: {  	s4 =	simm.s32 $_size__tile_overlayer_lowered;
	s5 =	simm.s32 $_tile_overlayer_lowered  }
0x9b: {  	s22 =	simm.s32 $0x1BFF;
	s21 =	sshll.u32 s5, $0x1;
	s2 =	sadd.s32 s19, s18  }
0x9c: {  	s6 =	simm.s32 $0x0;
	s20 =	sshll.u32 s4, $0x1;
	s4 =	sadd.s32 s21, s2  }
0x9d: {  	[timem:s6], [sflag:s22] =	dma.local [hbm:s4], s20  }
0x9e: {  	_ =	swait.ge [sflag:s22], s20  }
0x9f: {  	s3 =	ssub.s32 $0x0, s20;
	[sflag:s22] =	ssyncset.done $0x0  }
0xa0: {  	[sflag:s22] =	ssyncadd.s32 s3;
	_ =	sdelay $0x1  }
0xa1: {  	s23 =	simm.s32 $0x1B8B  }
0xa2: {  	_ =	swait.ge [sflag:s23], $0x1  }
0xa3: {  	[sflag:s23] =	ssyncset.done $0x0  }
0xa4: {  	s25 =	simm.s32 $0x1B8E;
	s24 =	sld [smem:$0x3FFE];
	[sflag:s23] =	ssyncadd.s32 $0xFFFFFFFF  }
0xa5: {  	s26 =	simm.s32 $execute0_lowered;
	[smem:$0x3FD2] =	sst s25  }
0xa6: {  	s4 =	sshll.u32 s26, $0x1;
	_ =	strace $0x8000004C;
	[dreg:$0x1] =	wrdreg $0xFFFFFFFF  }
0xa7: {  	s28 =	simm.s32 $_size_execute0_lowered;
	s2 =	sadd.s32 s2, s4;
	[dreg:$0x0] =	wrdreg $0x0  }
0xa8: {  	s4 =	sshll.u32 s28, $0x1;
	[dreg:$0x2] =	wrdreg s2  }
0xa9: {  	[dreg:$0x3] =	wrdreg s4  }
0xaa: {  	[dreg:$0x4] =	wrdreg $0xC0  }
0xab: {  	_ =	task [dreg:s6], $0x5FFFF  }
0xac: {  	[dreg:$0x1] =	wrdreg $0xFFFFFFFF  }
0xad: {  	[dreg:$0x0] =	wrdreg $0x60  }
0xae: {  	[dreg:$0x2] =	wrdreg s24  }
0xaf: {  	[dreg:$0x3] =	wrdreg $0x0  }
0xb0: {  	[dreg:$0x4] =	wrdreg $0x9  }
0xb1: {  	_ =	task.clear_ibuf [dreg:s6], $0x5FFFF;
	_ =	strace $0x9000004C  }
0xb2: {  	s29 =	simm.s32 $0x9;
	_ =	strace $0x8000004E  }
0xb3: {  	_ =	swait.ge [sflag:s29], $0x1  }
0xb4: {  	[sflag:s29] =	ssyncadd.s32 $0xFFFFFFFF  }
0xb5: {  	_ =	strace $0x9000004E  }
0xb6: {  	_ =	sfence  }
0xb7: {  	s30 =	sld [smem:$0x0];
	_ =	sdelay $0x2  }
0xb8: {  	s31 =	sshll.u32 s1, $0xD;
	s1 =	sshrl.u32 s1, $0x2  }
0xb9: {  	s3 =	sand.u32 $0x4000, s31;
	s1 =	sadd.s32 s1, s30  }
0xba: {  	s0 =	sor.u32 s3, s0;
	s1 =	sshll.u32 s1, $0x11  }
0xbb: {  	s0 =	sor.u32 s1, s0  }
0xbc: {  	s0 =	sadd.s32 $0x8F2B, s0  }
0xbd: {  	[sflag:s0] =	ssyncadd.remote.s32 $0x1  }
0xbe: {  	_ =	sfence.sel $0xFFFF  }
0xbf: {  	[dreg:$0x0] =	wrdreg $0xFFFFFFFF;
	(pc) =	sbr.abs _section_cstart, $3  }
0xc0: {  	[dreg:$0x1] =	wrdreg $0xFFFFFFFF  }
0xc1: {  	_ =	task.clear_ibuf [dreg:s6], $0x2FFFF;
	_ =	strace $0x9FFFFFFF  }
0xc2: {  	(tm) =	ssettm $0x7FFFFFFF  }
0xc3: {  	_ =	shalt  }
tec
execute0_lowered:
.L_overlay_start_1:
0x0: {  	(tag) =	ssettag $0x1  }
0x1: {  	s0 =	srdreg.scid  }
0x2: {  	s9 =	stileid.u32;
	s3 =	rddreg [dreg:$0x0]  }
0x3: {  	s2 =	rddreg [dreg:$0x1];
	s4 =	simm.s32 $0x0;
	s11 =	simm.s32 $0xF  }
0x4: {  	s15 =	simm.s32 $0x20;
	s16 =	simm.s32 $0x18780;
	s18 =	simm.s32 $0x19780  }
0x5: {  	s22 =	simm.s32 $0x1B780;
	s29 =	simm.s32 $0x1E780;
	s30 =	simm.s32 $0x1  }
0x6: {  	s31 =	simm.s32 $0x2;
	s12 =	simm.s32 $0xA;
	s17 =	simm.s32 $0x6  }
0x7: {  	s19 =	simm.s32 $0xC;
	s20 =	simm.s32 $0x7;
	s21 =	simm.s32 $0xD  }
0x8: {  	s23 =	simm.s32 $0xE;
	s0 =	sand.u32 $0x1, s0;
	s6 =	smul.u32 $0x271, s9  }
0x9: {  	[smem:$0x7FF] =	sst s4;
	s4 =	sadd.s32 $0x20C00, s3;
	s7 =	smul.u32 $0x4EC, s9  }
0xa: {  	s24 =	smul.u32 $0x4E200, s9;
	s28 =	sshll.u32 s9, $0x6;
	s1 =	sshll.u32 s0, $0x4  }
0xb: {  	s5 =	smul.u32 $0x2710, s0;
	_ =	strace $0x8000004D;
	s0 =	ssub.s32 $0x2, s0  }
0xc: {  	s1 =	sor.u32 s9, s1;
	s7 =	sadd.s32 s7, s3;
	s8 =	sshrl.u32 s0, $0x1  }
0xd: {  	s25 =	sshrl.u32 s24, $0x2;
	s24 =	simm.s32 $0x1C780;
	s1 =	smul.u32 $0x4EC, s1  }
0xe: {  	s5 =	sadd.s32 s6, s5;
	s0 =	ssub.s32 s0, s8;
	s26 =	sadd.s32 $0x1BC00, s7  }
0xf: {  	s8 =	sor.u32 $0x1C0F, s28;
	s5 =	sshll.u32 s5, $0x4;
	[dreg:$0x4] =	wrdreg s26  }
0x10: {  	s0 =	smax.u32 s0, $0x1;
	s1 =	sadd.s32 s1, s3;
	s3 =	sadd.s32 s5, s3  }
.Ltmp0:
0x11: {  	s5 =	sadd.s32 s4, s5;
	[dreg:$0x7] =	wrdreg s0;
	(pc) =	sbr.rel .LBB2_1-.Ltmp0, $4  }
0x12: {  	s26 =	simm.s32 $0x1D780;
	s1 =	sadd.s32 $0x11E00, s1;
	[dreg:$0x5] =	wrdreg s5  }
0x13: {  	s3 =	sadd.s32 $0x6EE00, s3;
	[dreg:$0x3] =	wrdreg s1;
	s1 =	sadd.s32 s25, s2  }
0x14: {  	s0 =	simm.s32 $0x4;
	[dreg:$0x6] =	wrdreg s3;
	s9 =	sshrl.u32 s1, $0x3  }
0x15: {  	s25 =	simm.s32 $0x0;
	s1 =	simm.s32 $0x8;
	[dreg:$0x8] =	wrdreg s9  }
.LBB2_4:
0x16: {  	_ =	swait.ge [sflag:s20], $0x1000  }
0x17: {  	[sflag:s20] =	ssyncset.done $0x0  }
0x18: {  	[sflag:s20] =	ssyncadd.s32 $0xFFFFF000  }
0x19: {  	[spmem:s2] =	stream.indirect.scatter.add.f32 [tilespmem:s29], [sflag:$0xE], $0x80, s5, s15, $0xb8;
	[tilespmem:$0x1F780] =	vst v63  }
0x1a: {  	_ =	swait.ge [sflag:s21], $0x1000  }
0x1b: {  	[sflag:s21] =	ssyncset.done $0x0  }
0x1c: {  	[sflag:s21] =	ssyncadd.s32 $0xFFFFF000  }
0x1d: {  	_ =	swait.ge [sflag:s23], $0x1000  }
0x1e: {  	[sflag:s23] =	ssyncset.done $0x0  }
0x1f: {  	[sflag:s23] =	ssyncadd.s32 $0xFFFFF000  }
0x20: {  	[bflag:$0x0] =	sbarrier.arrive $0xFFFF  }
0x21: {  	s3 =	rddreg [dreg:$0x6]  }
0x22: {  	s9 =	rddreg [dreg:$0x8]  }
0x23: {  	[hbm:s3], [sflag:s14] =	dma.local [spmem:s9], $0x2710  }
0x24: {  	_ =	swait.ge [sflag:s11], $0x2710  }
0x25: {  	s25 =	sadd.s32 $0x1, s25;
	s28 =	rddreg [dreg:$0x7]  }
0x26: {  	p0 =	sne.s32 s25, s28  }
.Ltmp1:
0x27: {  	_ = 	snop;
	(pc) =	sbr.rel @!p0 .LBB2_5-.Ltmp1, $3  }
0x28: {  	_ =	sdelay $0x1  }
0x29: {  	[sflag:s11] =	ssyncset.done $0x0  }
0x2a: {  	s8 =	smov.u32 s14;
	[sflag:s11] =	ssyncadd.s32 $0xFFFFD8F0  }
.LBB2_1:
0x2b: {  	s3 =	simm.s32 $0x0;
	s5 =	rddreg [dreg:$0x3];
	s6 =	simm.s32 $0x138C0  }
0x2c: {  	[tilespmem:s6], [sflag:$0xF] =	stream.linear.gather [hbm4b:s5+s3], $0x2760, $0x38;
	[tilespmem:$0x1F780] =	vst v63  }
0x2d: {  	_ =	swait.ge [sflag:s11], $0x2760  }
0x2e: {  	[sflag:s11] =	ssyncset.done $0x0  }
0x2f: {  	s7 =	simm.s32 $0x16020;
	s10 =	rddreg [dreg:$0x4];
	[sflag:s11] =	ssyncadd.s32 $0xFFFFD8A0  }
0x30: {  	[tilespmem:s7], [sflag:$0xF] =	stream.linear.gather [hbm4b:s10+s3], $0x2760, $0x38;
	[tilespmem:$0x1F780] =	vst v63  }
0x31: {  	_ =	swait.ge [sflag:s11], $0x2760  }
0x32: {  	[sflag:s11] =	ssyncset.done $0x0  }
0x33: {  	s13 =	rddreg [dreg:$0x5];
	[sflag:s11] =	ssyncadd.s32 $0xFFFFD8A0  }
0x34: {  	[spmem:s9], [sflag:s8] =	dma.local [hbm:s13], $0x2710  }
0x35: {  	_ =	swait.ge [sflag:s11], $0x2710  }
0x36: {  	[sflag:s11] =	ssyncset.done $0x0  }
0x37: {  	[sflag:s11] =	ssyncadd.s32 $0xFFFFD8F0  }
0x38: {  	[bflag:$0x0] =	sbarrier.arrive $0xFFFF  }
0x39: {  	[tilespmem:s16], [sflag:$0x1] =	stream.indirect.gather [hbm4b:s4+s15], $0x80, s6, s15, $0xb8;
	[tilespmem:$0x1F780] =	vst v63  }
0x3a: {  	s5 =	simm.s32 $0x138E0  }
0x3b: {  	[tilespmem:s18], [sflag:$0x2] =	stream.indirect.gather [hbm4b:s4+s15], $0x80, s5, s15, $0xb8;
	[tilespmem:$0x1F780] =	vst v63  }
0x3c: {  	s7 =	simm.s32 $0x1A780;
	s6 =	simm.s32 $0x13900  }
0x3d: {  	[tilespmem:s7], [sflag:$0x3] =	stream.indirect.gather [hbm4b:s4+s15], $0x80, s6, s15, $0xb8;
	[tilespmem:$0x1F780] =	vst v63  }
0x3e: {  	s14 =	smov.u32 s8;
	s8 =	simm.s32 $0x13920  }
0x3f: {  	[tilespmem:s22], [sflag:$0x4] =	stream.indirect.gather [hbm4b:s4+s15], $0x80, s8, s15, $0xb8;
	[tilespmem:$0x1F780] =	vst v63  }
0x40: {  	s9 =	simm.s32 $0x13940  }
0x41: {  	[tilespmem:s24], [sflag:$0x5] =	stream.indirect.gather [hbm4b:s4+s15], $0x80, s9, s15, $0xb8;
	[tilespmem:$0x1F780] =	vst v63  }
0x42: {  	s10 =	simm.s32 $0x13960  }
0x43: {  	[tilespmem:s26], [sflag:$0x6] =	stream.indirect.gather [hbm4b:s4+s15], $0x80, s10, s15, $0xb8;
	[tilespmem:$0x1F780] =	vst v63  }
0x44: {  	s28 =	simm.s32 $0x0;
	s13 =	simm.s32 $0x13980  }
0x45: {  	[tilespmem:s29], [sflag:$0x7] =	stream.indirect.gather [hbm4b:s4+s15], $0x80, s13, s15, $0xb8;
	[tilespmem:$0x1F780] =	vst v63  }
.LBB2_2:
0x46: {  	_ =	swait.ge [sflag:s30], $0x1000  }
0x47: {  	s3 =	sshra.s32 s28, $0x2;
	[sflag:s30] =	ssyncset.done $0x0  }
0x48: {  	s5 =	sadd.s32 $0x16020, s3;
	[sflag:s30] =	ssyncadd.s32 $0xFFFFF000  }
0x49: {  	[spmem:s2] =	stream.indirect.scatter.add.f32 [tilespmem:s16], [sflag:$0x8], $0x80, s5, s15, $0xb8;
	[tilespmem:$0x1F780] =	vst v63  }
0x4a: {  	_ =	swait.ge [sflag:s31], $0x1000  }
0x4b: {  	[sflag:s31] =	ssyncset.done $0x0  }
0x4c: {  	s10 =	sadd.s32 $0x16040, s3;
	[sflag:s31] =	ssyncadd.s32 $0xFFFFF000  }
0x4d: {  	[spmem:s2] =	stream.indirect.scatter.add.f32 [tilespmem:s18], [sflag:$0x9], $0x80, s10, s15, $0xb8;
	[tilespmem:$0x1F780] =	vst v63  }
0x4e: {  	_ =	swait.ge [sflag:s1], $0x1000  }
0x4f: {  	p0 =	seq.s32 s28, $0x9A00;
	[sflag:s1] =	ssyncset.done $0x0  }
0x50: {  	s5 =	simm.s32 @p0 $0x3;
	[sflag:s1] =	ssyncadd.s32 $0xFFFFF000  }
0x51: {  	_ =	swait.ge @p0 [sflag:s5], $0x1000  }
0x52: {  	[sflag:s5] =	ssyncset.done @p0 $0x0  }
0x53: {  	[sflag:s5] =	ssyncadd.s32 @p0 $0xFFFFF000;
	s5 =	sshra.s32 @p0 s28, $0x2  }
0x54: {  	s7 =	simm.s32 @p0 $0x1A780;
	s10 =	simm.s32 @p0 $0x20;
	s6 =	sadd.s32 @p0 $0x16060, s5  }
0x55: {  	[spmem:s2] =	stream.indirect.scatter.add.f32 @p0 [tilespmem:s7], [sflag:$0xA], $0x80, s6, s10, $0xb8;
	[tilespmem:$0x1F780] =	vst v63  }
0x56: {  	s6 =	simm.s32 @p0 $0x9  }
0x57: {  	_ =	swait.ge @p0 [sflag:s6], $0x1000  }
0x58: {  	[sflag:s6] =	ssyncset.done @p0 $0x0  }
0x59: {  	[sflag:s6] =	ssyncadd.s32 @p0 $0xFFFFF000;
	s6 =	sshra.s32 @!p0 s28, $0x2  }
0x5a: {  	s8 =	simm.s32 @!p0 $0x20;
	s9 =	simm.s32 @!p0 $0x18780;
	s7 =	sadd.s32 @!p0 $0x139A0, s6  }
0x5b: {  	[tilespmem:s9], [sflag:$0x1] =	stream.indirect.gather @!p0 [hbm4b:s4+s8], $0x80, s7, s8, $0xb8;
	[tilespmem:$0x1F780] =	vst v63  }
0x5c: {  	s7 =	simm.s32 @!p0 $0x3  }
0x5d: {  	_ =	swait.ge @!p0 [sflag:s7], $0x1000  }
0x5e: {  	[sflag:s7] =	ssyncset.done @!p0 $0x0  }
0x5f: {  	s9 =	simm.s32 @!p0 $0x1A780;
	[sflag:s7] =	ssyncadd.s32 @!p0 $0xFFFFF000;
	s7 =	sadd.s32 @!p0 $0x16060, s6  }
0x60: {  	[spmem:s2] =	stream.indirect.scatter.add.f32 @!p0 [tilespmem:s9], [sflag:$0xA], $0x80, s7, s8, $0xb8;
	[tilespmem:$0x1F780] =	vst v63  }
0x61: {  	s7 =	simm.s32 @!p0 $0x9  }
0x62: {  	_ =	swait.ge @!p0 [sflag:s7], $0x1000  }
0x63: {  	[sflag:s7] =	ssyncset.done @!p0 $0x0  }
0x64: {  	s13 =	simm.s32 @!p0 $0x19780;
	[sflag:s7] =	ssyncadd.s32 @!p0 $0xFFFFF000;
	s7 =	sadd.s32 @!p0 $0x139C0, s6  }
0x65: {  	[tilespmem:s13], [sflag:$0x2] =	stream.indirect.gather @!p0 [hbm4b:s4+s8], $0x80, s7, s8, $0xb8;
	[tilespmem:$0x1F780] =	vst v63  }
0x66: {  	_ =	swait.ge [sflag:s0], $0x1000  }
0x67: {  	[sflag:s0] =	ssyncset.done $0x0  }
0x68: {  	s13 =	sadd.s32 $0x16080, s3;
	[sflag:s0] =	ssyncadd.s32 $0xFFFFF000  }
0x69: {  	[spmem:s2] =	stream.indirect.scatter.add.f32 [tilespmem:s22], [sflag:$0xB], $0x80, s13, s15, $0xb8;
	[tilespmem:$0x1F780] =	vst v63  }
0x6a: {  	_ =	swait.ge [sflag:s12], $0x1000  }
0x6b: {  	[sflag:s12] =	ssyncset.done $0x0  }
0x6c: {  	s7 =	simm.s32 @p0 $0x5;
	[sflag:s12] =	ssyncadd.s32 $0xFFFFF000  }
0x6d: {  	_ =	swait.ge @p0 [sflag:s7], $0x1000  }
0x6e: {  	[sflag:s7] =	ssyncset.done @p0 $0x0  }
0x6f: {  	s5 =	sadd.s32 @p0 $0x160A0, s5;
	[sflag:s7] =	ssyncadd.s32 @p0 $0xFFFFF000;
	s7 =	simm.s32 @p0 $0x1C780  }
0x70: {  	[spmem:s2] =	stream.indirect.scatter.add.f32 @p0 [tilespmem:s7], [sflag:$0xC], $0x80, s5, s10, $0xb8;
	[tilespmem:$0x1F780] =	vst v63  }
0x71: {  	s5 =	simm.s32 @p0 $0xB  }
0x72: {  	_ =	swait.ge @p0 [sflag:s5], $0x1000  }
0x73: {  	[sflag:s5] =	ssyncset.done @p0 $0x0  }
0x74: {  	[sflag:s5] =	ssyncadd.s32 @p0 $0xFFFFF000;
	s5 =	sadd.s32 @!p0 $0x139E0, s6  }
0x75: {  	[tilespmem:s9], [sflag:$0x3] =	stream.indirect.gather @!p0 [hbm4b:s4+s8], $0x80, s5, s8, $0xb8;
	[tilespmem:$0x1F780] =	vst v63  }
0x76: {  	s5 =	simm.s32 @!p0 $0x5  }
0x77: {  	_ =	swait.ge @!p0 [sflag:s5], $0x1000  }
0x78: {  	[sflag:s5] =	ssyncset.done @!p0 $0x0  }
0x79: {  	s7 =	simm.s32 @!p0 $0x1C780;
	[sflag:s5] =	ssyncadd.s32 @!p0 $0xFFFFF000;
	s5 =	sadd.s32 @!p0 $0x160A0, s6  }
0x7a: {  	[spmem:s2] =	stream.indirect.scatter.add.f32 @!p0 [tilespmem:s7], [sflag:$0xC], $0x80, s5, s8, $0xb8;
	[tilespmem:$0x1F780] =	vst v63  }
0x7b: {  	s5 =	simm.s32 @!p0 $0xB  }
0x7c: {  	_ =	swait.ge @!p0 [sflag:s5], $0x1000  }
0x7d: {  	[sflag:s5] =	ssyncset.done @!p0 $0x0  }
0x7e: {  	[sflag:s5] =	ssyncadd.s32 @!p0 $0xFFFFF000;
	s5 =	sadd.s32 @!p0 $0x13A00, s6;
	s6 =	simm.s32 @!p0 $0x1B780  }
0x7f: {  	[tilespmem:s6], [sflag:$0x4] =	stream.indirect.gather @!p0 [hbm4b:s4+s8], $0x80, s5, s8, $0xb8;
	[tilespmem:$0x1F780] =	vst v63  }
0x80: {  	_ =	swait.ge [sflag:s17], $0x1000  }
0x81: {  	[sflag:s17] =	ssyncset.done $0x0  }
.Ltmp2:
0x82: {  	s13 =	sadd.s32 $0x160C0, s3;
	[sflag:s17] =	ssyncadd.s32 $0xFFFFF000;
	(pc) =	sbr.rel @p0 .LBB2_4-.Ltmp2, $4  }
0x83: {  	[spmem:s2] =	stream.indirect.scatter.add.f32 [tilespmem:s26], [sflag:$0xD], $0x80, s13, s15, $0xb8;
	[tilespmem:$0x1F780] =	vst v63  }
0x84: {  	_ =	swait.ge [sflag:s19], $0x1000  }
0x85: {  	[sflag:s19] =	ssyncset.done $0x0  }
0x86: {  	s5 =	sadd.s32 $0x160E0, s3;
	[sflag:s19] =	ssyncadd.s32 $0xFFFFF000  }
0x87: {  	s6 =	sadd.s32 $0x13A20, s3  }
0x88: {  	[tilespmem:s24], [sflag:$0x5] =	stream.indirect.gather [hbm4b:s4+s15], $0x80, s6, s15, $0xb8;
	[tilespmem:$0x1F780] =	vst v63  }
0x89: {  	_ =	swait.ge [sflag:s20], $0x1000  }
0x8a: {  	[sflag:s20] =	ssyncset.done $0x0  }
0x8b: {  	[sflag:s20] =	ssyncadd.s32 $0xFFFFF000  }
0x8c: {  	[spmem:s2] =	stream.indirect.scatter.add.f32 [tilespmem:s29], [sflag:$0xE], $0x80, s5, s15, $0xb8;
	[tilespmem:$0x1F780] =	vst v63  }
0x8d: {  	_ =	swait.ge [sflag:s21], $0x1000  }
0x8e: {  	[sflag:s21] =	ssyncset.done $0x0  }
0x8f: {  	s10 =	sadd.s32 $0x13A40, s3;
	[sflag:s21] =	ssyncadd.s32 $0xFFFFF000  }
0x90: {  	[tilespmem:s26], [sflag:$0x6] =	stream.indirect.gather [hbm4b:s4+s15], $0x80, s10, s15, $0xb8;
	[tilespmem:$0x1F780] =	vst v63  }
.Ltmp3:
0x91: {  	_ = 	snop;
	(pc) =	sbr.rel .LBB2_2-.Ltmp3, $4  }
0x92: {  	_ =	swait.ge [sflag:s23], $0x1000  }
0x93: {  	[sflag:s23] =	ssyncset.done $0x0  }
0x94: {  	s13 =	sadd.s32 $0x13A60, s3;
	s28 =	sadd.s32 $0x380, s28;
	[sflag:s23] =	ssyncadd.s32 $0xFFFFF000  }
0x95: {  	[tilespmem:s29], [sflag:$0x7] =	stream.indirect.gather [hbm4b:s4+s15], $0x80, s13, s15, $0xb8;
	[tilespmem:$0x1F780] =	vst v63  }
.LBB2_5:
0x96: {  	_ =	sfence.sel $0x180000  }
0x97: {  	[bflag:$0x0] =	sbarrier.arrive $0xFFFF  }
0x98: {  	_ =	strace $0x9000004D  }
0x99: {  	s0 =	stileid.u32;
	[bflag:$0x2] =	sbarrier.arrive $0xFFFF  }
0x9a: {  	p0 =	sne.s32 s0, $0x0;
	s0 =	rddreg [dreg:$0x2]  }
0x9b: {  	s0 =	sadd.s32 @!p0 $0x100000, s0  }
0x9c: {  	[sflag:s0] =	ssyncadd.tile.s32 @!p0 $0x1;
	_ =	shalt  }
.Lfunc_end2:
_tile_overlayer_lowered:
.L_overlay_start_2:
0x9d: {  	(tag) =	ssettag $0x2  }
0x9e: {  	s0 =	rddreg [dreg:$0x0];
	s2 =	stileid.u32  }
0x9f: {  	s1 =	rddreg [dreg:$0x1];
	p0 =	sne.s32 s2, $0x0  }
0xa0: {  	s3 =	rddreg [dreg:$0x2];
	[bflag:$0x3] =	sbarrier.arrive $0xFFFF;
	s2 =	simm.s32 @!p0 $0x1C0F  }
0xa1: {  	[timem:s3], [sflag:s2] =	dma.local @!p0 [hbm:s0], s1  }
0xa2: {  	s0 =	simm.s32 @!p0 $0xF  }
0xa3: {  	_ =	swait.ge @!p0 [sflag:s0], s1  }
0xa4: {  	s1 =	ssub.s32 @!p0 $0x0, s1;
	[sflag:s0] =	ssyncset.done @!p0 $0x0  }
0xa5: {  	[sflag:s0] =	ssyncadd.s32 @!p0 s1  }
0xa6: {  	[bflag:$0x3] =	sbarrier.arrive $0xFFFF  }
0xa7: {  	_ =	shalt  }

// kernel: kernel.20.cloned.1.call-start
scs
__scs_entry_jumppad:
0x0: {  	(pc) =	sbr.rel $0x88, $3  }
0x1: {  	(tag) =	ssettag $0x0;
	lr =	simm.s32 $0x1  }
0x2: {  	[smem:$0x3F94] =	sst lr;
	_ =	strace $0xD0000000  }
0x3: {  	_ = 	snop  }
0x4: {  	_ = 	snop  }
0x5: {  	_ = 	snop  }
0x6: {  	_ = 	snop  }
0x7: {  	_ = 	snop  }
__scs_overlays_trampoline_lowered:
0x8: {  	[smem:$0x3FA3] =	sst s0  }
0x9: {  	[smem:$0x3FA4] =	sst s1  }
0xa: {  	[smem:$0x3FA5] =	sst s2  }
0xb: {  	[smem:$0x3FA6] =	sst s3  }
0xc: {  	[smem:$0x3FA7] =	sst s4  }
0xd: {  	[smem:$0x3FA8] =	sst s5  }
0xe: {  	[smem:$0x3FA9] =	sst s6  }
0xf: {  	[smem:$0x3FAA] =	sst s7  }
0x10: {  	[smem:$0x3FAB] =	sst s8  }
0x11: {  	[smem:$0x3FAC] =	sst s9;
	s0 =	simm.s32 @!p0 $0x0  }
0x12: {  	s1 =	sld [smem:$0x3F92];
	s0 =	simm.s32 @p0 $0x1  }
0x13: {  	[smem:$0x3FAD] =	sst s0;
	s0 =	simm.s32 @!p1 $0x0  }
0x14: {  	s2 =	sld [smem:$0x3F91];
	s0 =	simm.s32 @p1 $0x1  }
0x15: {  	[smem:$0x3FAE] =	sst s0;
	s0 =	simm.s32 @!p2 $0x0  }
0x16: {  	s3 =	sld [smem:$0x3FDB];
	s0 =	simm.s32 @p2 $0x1  }
0x17: {  	s4 =	simm.s32 $0x1BF5;
	[smem:$0x3FB0] =	sst s0  }
0x18: {  	s0 =	sld [smem:$0x3F93];
	_ =	swait.ge [sflag:s4], $0x0  }
0x19: {  	s7 =	sld [smem:$0x3F94]  }
0x1a: {  	s8 =	sadd.s32 $0xFFFFE003, lr  }
0x1b: {  	s9 =	sadd.s32 $0xFFFFFEF7, lr;
	s5 =	simm.s32 $0xFFFFFFFF;
	p2 =	slt.u32 s8, $0xFFFFF086  }
0x1c: {  	p1 =	slt.u32 s9, $0xF7A;
	s5 =	simm.s32 @!p2 $0x0  }
0x1d: {  	s5 =	simm.s32 @p1 $0x1;
	p0 =	seq.s32 s7, s2  }
0x1e: {  	s7 =	smul.u32 @!p0 $0xF7A, s2;
	p2 =	seq.s32 @!p0 s5, $0x0  }
0x1f: {  	s9 =	smul.u32 $0xF7A, s1;
	s8 =	simm.s32 @!p0 $0x1BF5;
	p2 =	por !p2, p0  }
0x20: {  	[sflag:s8] =	ssyncset.s32 @!p0 $0xFFFFF086;
	s6 =	sadd.s32 @!p0 s3, s7;
	s7 =	simm.s32 @!p0 $0x108  }
0x21: {  	s3 =	sadd.s32 s3, s9;
	s6 =	sadd.s32 @!p0 $0x88, s6;
	s7 =	simm.s32 @p2 $0x1082  }
0x22: {  	[simem:s7], [sflag:s8] =	dma.local @!p0 [hbm:s6], $0xF7A  }
0x23: {  	s9 =	sor.u32 $0xD0000000, s2;
	s6 =	simm.s32 $0x108;
	_ =	swait.ge @!p0 [sflag:s8], $0x0  }
0x24: {  	s3 =	sadd.s32 $0x88, s3;
	s6 =	simm.s32 @!p1 $0x1082;
	[sflag:s4] =	ssyncset.s32 $0xFFFFF086  }
0x25: {  	[simem:s6], [sflag:s4] =	dma.local [hbm:s3], $0xF7A  }
0x26: {  	[smem:$0x3F94] =	sst s1;
	(tag) =	ssettag s2;
	_ =	strace s9  }
0x27: {  	s1 =	sld [smem:$0x3FA4]  }
0x28: {  	s2 =	sld [smem:$0x3FA5]  }
0x29: {  	s4 =	sld [smem:$0x3FA7]  }
0x2a: {  	p0 =	seq.s32 s5, $0x0;
	s5 =	sld [smem:$0x3FA8]  }
0x2b: {  	s6 =	sld [smem:$0x3FA9]  }
0x2c: {  	s7 =	sld [smem:$0x3FAA]  }
0x2d: {  	s3 =	simm.s32 $0x108;
	s8 =	sld [smem:$0x3FAB]  }
0x2e: {  	s3 =	simm.s32 @!p0 $0x1082;
	s9 =	sld [smem:$0x3FAC]  }
0x2f: {  	lr =	sadd.s32 s0, s3;
	s0 =	sld [smem:$0x3FA3]  }
0x30: {  	s3 =	sld [smem:$0x3FA6]  }
0x31: {  	[smem:$0x3FAF] =	sst s10  }
0x32: {  	s10 =	sld [smem:$0x3FAD];
	_ =	sdelay $0x3  }
0x33: {  	p0 =	seq.s32 s10, $0x1;
	s10 =	sld [smem:$0x3FAF];
	_ =	sdelay $0x3  }
0x34: {  	[smem:$0x3FAF] =	sst s10  }
0x35: {  	s10 =	sld [smem:$0x3FAE];
	_ =	sdelay $0x3  }
0x36: {  	p1 =	seq.s32 s10, $0x1;
	s10 =	sld [smem:$0x3FAF];
	_ =	sdelay $0x3  }
0x37: {  	[smem:$0x3FAF] =	sst s10  }
0x38: {  	s10 =	sld [smem:$0x3FB0]  }
0x39: {  	_ = 	snop;
	(pc) =	sbr.ind lr, $3  }
0x3a: {  	_ = 	snop  }
0x3b: {  	_ = 	snop  }
0x3c: {  	p2 =	seq.s32 s10, $0x1;
	s10 =	sld [smem:$0x3FAF]  }
0x3d: {  	_ =	shalt  }
0x3e: {  	_ =	shalt  }
0x3f: {  	_ =	shalt  }
0x40: {  	_ =	shalt  }
0x41: {  	_ =	shalt  }
0x42: {  	_ =	shalt  }
0x43: {  	_ =	shalt  }
0x44: {  	_ =	shalt  }
0x45: {  	_ =	shalt  }
0x46: {  	_ =	shalt  }
0x47: {  	_ =	shalt  }
0x48: {  	_ =	shalt  }
0x49: {  	_ =	shalt  }
0x4a: {  	_ =	shalt  }
0x4b: {  	_ =	shalt  }
0x4c: {  	_ =	shalt  }
0x4d: {  	_ =	shalt  }
0x4e: {  	_ =	shalt  }
0x4f: {  	_ =	shalt  }
0x50: {  	_ =	shalt  }
0x51: {  	_ =	shalt  }
0x52: {  	_ =	shalt  }
0x53: {  	_ =	shalt  }
0x54: {  	_ =	shalt  }
0x55: {  	_ =	shalt  }
0x56: {  	_ =	shalt  }
0x57: {  	_ =	shalt  }
0x58: {  	_ =	shalt  }
0x59: {  	_ =	shalt  }
0x5a: {  	_ =	shalt  }
0x5b: {  	_ =	shalt  }
0x5c: {  	_ =	shalt  }
0x5d: {  	_ =	shalt  }
0x5e: {  	_ =	shalt  }
0x5f: {  	_ =	shalt  }
0x60: {  	_ =	shalt  }
0x61: {  	_ =	shalt  }
0x62: {  	_ =	shalt  }
0x63: {  	_ =	shalt  }
0x64: {  	_ =	shalt  }
0x65: {  	_ =	shalt  }
0x66: {  	_ =	shalt  }
0x67: {  	_ =	shalt  }
0x68: {  	_ =	shalt  }
0x69: {  	_ =	shalt  }
0x6a: {  	_ =	shalt  }
0x6b: {  	_ =	shalt  }
0x6c: {  	_ =	shalt  }
0x6d: {  	_ =	shalt  }
0x6e: {  	_ =	shalt  }
0x6f: {  	_ =	shalt  }
0x70: {  	_ =	shalt  }
0x71: {  	_ =	shalt  }
0x72: {  	_ =	shalt  }
0x73: {  	_ =	shalt  }
0x74: {  	_ =	shalt  }
0x75: {  	_ =	shalt  }
0x76: {  	_ =	shalt  }
0x77: {  	_ =	shalt  }
0x78: {  	_ =	shalt  }
0x79: {  	_ =	shalt  }
0x7a: {  	_ =	shalt  }
0x7b: {  	_ =	shalt  }
0x7c: {  	_ =	shalt  }
0x7d: {  	_ =	shalt  }
0x7e: {  	_ =	shalt  }
0x7f: {  	_ =	shalt  }
0x80: {  	_ =	shalt  }
0x81: {  	_ =	shalt  }
0x82: {  	_ =	shalt  }
0x83: {  	_ =	shalt  }
0x84: {  	_ =	shalt  }
0x85: {  	_ =	shalt  }
0x86: {  	_ =	shalt  }
0x87: {  	_ =	shalt  }
.Lfunc_end0:
.L_simem_size_0:
called_computation.3_lowered:
.L_overlay_start_0:
0x88: {  	s2 =	sld [smem:$0x3FD9]  }
0x89: {  	s3 =	sld [smem:$0x3FFE];
	_ =	sdelay $0x1  }
0x8a: {  	s1 =	srdreg.scid  }
0x8b: {  	s0 =	sand.u32 $0x1, s1  }
0x8c: {  	s16 =	sshll.u32 s0, $0xA;
	s2 =	sadd.s32 s3, s2  }
0x8d: {  	s2 =	sadd.s32 s2, s16  }
0x8e: {  	[smem:$0x3FBB] =	sst s2  }
0x8f: {  	_ = 	snop  }
0x90: {  	(tm) =	ssettm $0x1  }
0x91: {  	s17 =	sld [smem:$0x3FFB];
	_ =	sdelay $0x3  }
0x92: {  	_ =	strace s17  }
0x93: {  	s2 =	sld [smem:$0x3FFC];
	_ =	sdelay $0x3  }
0x94: {  	_ =	strace s2  }
0x95: {  	s2 =	sld [smem:$0x3FFD];
	_ =	sdelay $0x3  }
0x96: {  	_ =	strace s2  }
0x97: {  	_ =	strace $0x8FFFFFFF  }
0x98: {  	s18 =	sld [smem:$0x3FDB];
	_ =	sdelay $0x1  }
0x99: {  	s19 =	simm.s32 $_scs_section_size  }
0x9a: {  	s4 =	simm.s32 $_size__tile_overlayer_lowered;
	s5 =	simm.s32 $_tile_overlayer_lowered  }
0x9b: {  	s22 =	simm.s32 $0x1BFF;
	s21 =	sshll.u32 s5, $0x1;
	s2 =	sadd.s32 s19, s18  }
0x9c: {  	s6 =	simm.s32 $0x0;
	s20 =	sshll.u32 s4, $0x1;
	s4 =	sadd.s32 s21, s2  }
0x9d: {  	[timem:s6], [sflag:s22] =	dma.local [hbm:s4], s20  }
0x9e: {  	_ =	swait.ge [sflag:s22], s20  }
0x9f: {  	s3 =	ssub.s32 $0x0, s20;
	[sflag:s22] =	ssyncset.done $0x0  }
0xa0: {  	[sflag:s22] =	ssyncadd.s32 s3;
	_ =	sdelay $0x1  }
0xa1: {  	s23 =	simm.s32 $0x1B8B  }
0xa2: {  	_ =	swait.ge [sflag:s23], $0x1  }
0xa3: {  	[sflag:s23] =	ssyncset.done $0x0  }
0xa4: {  	s25 =	simm.s32 $0x1B8E;
	s24 =	sld [smem:$0x3FFE];
	[sflag:s23] =	ssyncadd.s32 $0xFFFFFFFF  }
0xa5: {  	s26 =	simm.s32 $execute0_lowered;
	[smem:$0x3FD2] =	sst s25  }
0xa6: {  	s4 =	sshll.u32 s26, $0x1;
	_ =	strace $0x8000004F;
	[dreg:$0x1] =	wrdreg $0xFFFFFFFF  }
0xa7: {  	s28 =	simm.s32 $_size_execute0_lowered;
	s2 =	sadd.s32 s2, s4;
	[dreg:$0x0] =	wrdreg $0x0  }
0xa8: {  	s4 =	sshll.u32 s28, $0x1;
	[dreg:$0x2] =	wrdreg s2  }
0xa9: {  	[dreg:$0x3] =	wrdreg s4  }
0xaa: {  	[dreg:$0x4] =	wrdreg $0xC0  }
0xab: {  	_ =	task [dreg:s6], $0x5FFFF  }
0xac: {  	[dreg:$0x1] =	wrdreg $0xFFFFFFFF  }
0xad: {  	[dreg:$0x0] =	wrdreg $0x60  }
0xae: {  	[dreg:$0x2] =	wrdreg s24  }
0xaf: {  	[dreg:$0x3] =	wrdreg $0x0  }
0xb0: {  	[dreg:$0x4] =	wrdreg $0x9  }
0xb1: {  	_ =	task.clear_ibuf [dreg:s6], $0x5FFFF;
	_ =	strace $0x9000004F  }
0xb2: {  	s29 =	simm.s32 $0x9;
	_ =	strace $0x80000051  }
0xb3: {  	_ =	swait.ge [sflag:s29], $0x1  }
0xb4: {  	[sflag:s29] =	ssyncadd.s32 $0xFFFFFFFF  }
0xb5: {  	_ =	strace $0x90000051  }
0xb6: {  	_ =	sfence  }
0xb7: {  	s30 =	sld [smem:$0x0];
	_ =	sdelay $0x2  }
0xb8: {  	s31 =	sshll.u32 s1, $0xD;
	s1 =	sshrl.u32 s1, $0x2  }
0xb9: {  	s3 =	sand.u32 $0x4000, s31;
	s1 =	sadd.s32 s1, s30  }
0xba: {  	s0 =	sor.u32 s3, s0;
	s1 =	sshll.u32 s1, $0x11  }
0xbb: {  	s0 =	sor.u32 s1, s0  }
0xbc: {  	s0 =	sadd.s32 $0x8F2B, s0  }
0xbd: {  	[sflag:s0] =	ssyncadd.remote.s32 $0x1  }
0xbe: {  	_ =	sfence.sel $0xFFFF  }
0xbf: {  	[dreg:$0x0] =	wrdreg $0xFFFFFFFF;
	(pc) =	sbr.abs _section_cstart, $3  }
0xc0: {  	[dreg:$0x1] =	wrdreg $0xFFFFFFFF  }
0xc1: {  	_ =	task.clear_ibuf [dreg:s6], $0x2FFFF;
	_ =	strace $0x9FFFFFFF  }
0xc2: {  	(tm) =	ssettm $0x7FFFFFFF  }
0xc3: {  	_ =	shalt  }
tec
execute0_lowered:
.L_overlay_start_1:
0x0: {  	(tag) =	ssettag $0x1  }
0x1: {  	s0 =	srdreg.scid  }
0x2: {  	s9 =	stileid.u32;
	s3 =	rddreg [dreg:$0x0]  }
0x3: {  	s2 =	rddreg [dreg:$0x1];
	s4 =	simm.s32 $0x0;
	s11 =	simm.s32 $0xF  }
0x4: {  	s15 =	simm.s32 $0x20;
	s16 =	simm.s32 $0x18780;
	s18 =	simm.s32 $0x19780  }
0x5: {  	s22 =	simm.s32 $0x1B780;
	s29 =	simm.s32 $0x1E780;
	s30 =	simm.s32 $0x1  }
0x6: {  	s31 =	simm.s32 $0x2;
	s12 =	simm.s32 $0xA;
	s17 =	simm.s32 $0x6  }
0x7: {  	s19 =	simm.s32 $0xC;
	s20 =	simm.s32 $0x7;
	s21 =	simm.s32 $0xD  }
0x8: {  	s23 =	simm.s32 $0xE;
	s0 =	sand.u32 $0x1, s0;
	s6 =	smul.u32 $0x271, s9  }
0x9: {  	[smem:$0x7FF] =	sst s4;
	s4 =	sadd.s32 $0x20C00, s3;
	s7 =	smul.u32 $0x4EC, s9  }
0xa: {  	s24 =	smul.u32 $0x4E200, s9;
	s28 =	sshll.u32 s9, $0x6;
	s1 =	sshll.u32 s0, $0x4  }
0xb: {  	s5 =	smul.u32 $0x2710, s0;
	_ =	strace $0x80000050;
	s0 =	ssub.s32 $0x2, s0  }
0xc: {  	s1 =	sor.u32 s9, s1;
	s7 =	sadd.s32 s7, s3;
	s8 =	sshrl.u32 s0, $0x1  }
0xd: {  	s25 =	sshrl.u32 s24, $0x2;
	s24 =	simm.s32 $0x1C780;
	s1 =	smul.u32 $0x4EC, s1  }
0xe: {  	s5 =	sadd.s32 s6, s5;
	s0 =	ssub.s32 s0, s8;
	s26 =	sadd.s32 $0x1BC00, s7  }
0xf: {  	s8 =	sor.u32 $0x1C0F, s28;
	s5 =	sshll.u32 s5, $0x4;
	[dreg:$0x4] =	wrdreg s26  }
0x10: {  	s0 =	smax.u32 s0, $0x1;
	s1 =	sadd.s32 s1, s3;
	s3 =	sadd.s32 s5, s3  }
.Ltmp0:
0x11: {  	s5 =	sadd.s32 s4, s5;
	[dreg:$0x7] =	wrdreg s0;
	(pc) =	sbr.rel .LBB2_1-.Ltmp0, $4  }
0x12: {  	s26 =	simm.s32 $0x1D780;
	s1 =	sadd.s32 $0x11E00, s1;
	[dreg:$0x5] =	wrdreg s5  }
0x13: {  	s3 =	sadd.s32 $0x6EE00, s3;
	[dreg:$0x3] =	wrdreg s1;
	s1 =	sadd.s32 s25, s2  }
0x14: {  	s0 =	simm.s32 $0x4;
	[dreg:$0x6] =	wrdreg s3;
	s9 =	sshrl.u32 s1, $0x3  }
0x15: {  	s25 =	simm.s32 $0x0;
	s1 =	simm.s32 $0x8;
	[dreg:$0x8] =	wrdreg s9  }
.LBB2_4:
0x16: {  	_ =	swait.ge [sflag:s20], $0x1000  }
0x17: {  	[sflag:s20] =	ssyncset.done $0x0  }
0x18: {  	[sflag:s20] =	ssyncadd.s32 $0xFFFFF000  }
0x19: {  	[spmem:s2] =	stream.indirect.scatter.add.f32 [tilespmem:s29], [sflag:$0xE], $0x80, s5, s15, $0xb8;
	[tilespmem:$0x1F780] =	vst v63  }
0x1a: {  	_ =	swait.ge [sflag:s21], $0x1000  }
0x1b: {  	[sflag:s21] =	ssyncset.done $0x0  }
0x1c: {  	[sflag:s21] =	ssyncadd.s32 $0xFFFFF000  }
0x1d: {  	_ =	swait.ge [sflag:s23], $0x1000  }
0x1e: {  	[sflag:s23] =	ssyncset.done $0x0  }
0x1f: {  	[sflag:s23] =	ssyncadd.s32 $0xFFFFF000  }
0x20: {  	[bflag:$0x0] =	sbarrier.arrive $0xFFFF  }
0x21: {  	s3 =	rddreg [dreg:$0x6]  }
0x22: {  	s9 =	rddreg [dreg:$0x8]  }
0x23: {  	[hbm:s3], [sflag:s14] =	dma.local [spmem:s9], $0x2710  }
0x24: {  	_ =	swait.ge [sflag:s11], $0x2710  }
0x25: {  	s25 =	sadd.s32 $0x1, s25;
	s28 =	rddreg [dreg:$0x7]  }
0x26: {  	p0 =	sne.s32 s25, s28  }
.Ltmp1:
0x27: {  	_ = 	snop;
	(pc) =	sbr.rel @!p0 .LBB2_5-.Ltmp1, $3  }
0x28: {  	_ =	sdelay $0x1  }
0x29: {  	[sflag:s11] =	ssyncset.done $0x0  }
0x2a: {  	s8 =	smov.u32 s14;
	[sflag:s11] =	ssyncadd.s32 $0xFFFFD8F0  }
.LBB2_1:
0x2b: {  	s3 =	simm.s32 $0x0;
	s5 =	rddreg [dreg:$0x3];
	s6 =	simm.s32 $0x138C0  }
0x2c: {  	[tilespmem:s6], [sflag:$0xF] =	stream.linear.gather [hbm4b:s5+s3], $0x2760, $0x38;
	[tilespmem:$0x1F780] =	vst v63  }
0x2d: {  	_ =	swait.ge [sflag:s11], $0x2760  }
0x2e: {  	[sflag:s11] =	ssyncset.done $0x0  }
0x2f: {  	s7 =	simm.s32 $0x16020;
	s10 =	rddreg [dreg:$0x4];
	[sflag:s11] =	ssyncadd.s32 $0xFFFFD8A0  }
0x30: {  	[tilespmem:s7], [sflag:$0xF] =	stream.linear.gather [hbm4b:s10+s3], $0x2760, $0x38;
	[tilespmem:$0x1F780] =	vst v63  }
0x31: {  	_ =	swait.ge [sflag:s11], $0x2760  }
0x32: {  	[sflag:s11] =	ssyncset.done $0x0  }
0x33: {  	s13 =	rddreg [dreg:$0x5];
	[sflag:s11] =	ssyncadd.s32 $0xFFFFD8A0  }
0x34: {  	[spmem:s9], [sflag:s8] =	dma.local [hbm:s13], $0x2710  }
0x35: {  	_ =	swait.ge [sflag:s11], $0x2710  }
0x36: {  	[sflag:s11] =	ssyncset.done $0x0  }
0x37: {  	[sflag:s11] =	ssyncadd.s32 $0xFFFFD8F0  }
0x38: {  	[bflag:$0x0] =	sbarrier.arrive $0xFFFF  }
0x39: {  	[tilespmem:s16], [sflag:$0x1] =	stream.indirect.gather [hbm4b:s4+s15], $0x80, s6, s15, $0xb8;
	[tilespmem:$0x1F780] =	vst v63  }
0x3a: {  	s5 =	simm.s32 $0x138E0  }
0x3b: {  	[tilespmem:s18], [sflag:$0x2] =	stream.indirect.gather [hbm4b:s4+s15], $0x80, s5, s15, $0xb8;
	[tilespmem:$0x1F780] =	vst v63  }
0x3c: {  	s7 =	simm.s32 $0x1A780;
	s6 =	simm.s32 $0x13900  }
0x3d: {  	[tilespmem:s7], [sflag:$0x3] =	stream.indirect.gather [hbm4b:s4+s15], $0x80, s6, s15, $0xb8;
	[tilespmem:$0x1F780] =	vst v63  }
0x3e: {  	s14 =	smov.u32 s8;
	s8 =	simm.s32 $0x13920  }
0x3f: {  	[tilespmem:s22], [sflag:$0x4] =	stream.indirect.gather [hbm4b:s4+s15], $0x80, s8, s15, $0xb8;
	[tilespmem:$0x1F780] =	vst v63  }
0x40: {  	s9 =	simm.s32 $0x13940  }
0x41: {  	[tilespmem:s24], [sflag:$0x5] =	stream.indirect.gather [hbm4b:s4+s15], $0x80, s9, s15, $0xb8;
	[tilespmem:$0x1F780] =	vst v63  }
0x42: {  	s10 =	simm.s32 $0x13960  }
0x43: {  	[tilespmem:s26], [sflag:$0x6] =	stream.indirect.gather [hbm4b:s4+s15], $0x80, s10, s15, $0xb8;
	[tilespmem:$0x1F780] =	vst v63  }
0x44: {  	s28 =	simm.s32 $0x0;
	s13 =	simm.s32 $0x13980  }
0x45: {  	[tilespmem:s29], [sflag:$0x7] =	stream.indirect.gather [hbm4b:s4+s15], $0x80, s13, s15, $0xb8;
	[tilespmem:$0x1F780] =	vst v63  }
.LBB2_2:
0x46: {  	_ =	swait.ge [sflag:s30], $0x1000  }
0x47: {  	s3 =	sshra.s32 s28, $0x2;
	[sflag:s30] =	ssyncset.done $0x0  }
0x48: {  	s5 =	sadd.s32 $0x16020, s3;
	[sflag:s30] =	ssyncadd.s32 $0xFFFFF000  }
0x49: {  	[spmem:s2] =	stream.indirect.scatter.add.f32 [tilespmem:s16], [sflag:$0x8], $0x80, s5, s15, $0xb8;
	[tilespmem:$0x1F780] =	vst v63  }
0x4a: {  	_ =	swait.ge [sflag:s31], $0x1000  }
0x4b: {  	[sflag:s31] =	ssyncset.done $0x0  }
0x4c: {  	s10 =	sadd.s32 $0x16040, s3;
	[sflag:s31] =	ssyncadd.s32 $0xFFFFF000  }
0x4d: {  	[spmem:s2] =	stream.indirect.scatter.add.f32 [tilespmem:s18], [sflag:$0x9], $0x80, s10, s15, $0xb8;
	[tilespmem:$0x1F780] =	vst v63  }
0x4e: {  	_ =	swait.ge [sflag:s1], $0x1000  }
0x4f: {  	p0 =	seq.s32 s28, $0x9A00;
	[sflag:s1] =	ssyncset.done $0x0  }
0x50: {  	s5 =	simm.s32 @p0 $0x3;
	[sflag:s1] =	ssyncadd.s32 $0xFFFFF000  }
0x51: {  	_ =	swait.ge @p0 [sflag:s5], $0x1000  }
0x52: {  	[sflag:s5] =	ssyncset.done @p0 $0x0  }
0x53: {  	[sflag:s5] =	ssyncadd.s32 @p0 $0xFFFFF000;
	s5 =	sshra.s32 @p0 s28, $0x2  }
0x54: {  	s7 =	simm.s32 @p0 $0x1A780;
	s10 =	simm.s32 @p0 $0x20;
	s6 =	sadd.s32 @p0 $0x16060, s5  }
0x55: {  	[spmem:s2] =	stream.indirect.scatter.add.f32 @p0 [tilespmem:s7], [sflag:$0xA], $0x80, s6, s10, $0xb8;
	[tilespmem:$0x1F780] =	vst v63  }
0x56: {  	s6 =	simm.s32 @p0 $0x9  }
0x57: {  	_ =	swait.ge @p0 [sflag:s6], $0x1000  }
0x58: {  	[sflag:s6] =	ssyncset.done @p0 $0x0  }
0x59: {  	[sflag:s6] =	ssyncadd.s32 @p0 $0xFFFFF000;
	s6 =	sshra.s32 @!p0 s28, $0x2  }
0x5a: {  	s8 =	simm.s32 @!p0 $0x20;
	s9 =	simm.s32 @!p0 $0x18780;
	s7 =	sadd.s32 @!p0 $0x139A0, s6  }
0x5b: {  	[tilespmem:s9], [sflag:$0x1] =	stream.indirect.gather @!p0 [hbm4b:s4+s8], $0x80, s7, s8, $0xb8;
	[tilespmem:$0x1F780] =	vst v63  }
0x5c: {  	s7 =	simm.s32 @!p0 $0x3  }
0x5d: {  	_ =	swait.ge @!p0 [sflag:s7], $0x1000  }
0x5e: {  	[sflag:s7] =	ssyncset.done @!p0 $0x0  }
0x5f: {  	s9 =	simm.s32 @!p0 $0x1A780;
	[sflag:s7] =	ssyncadd.s32 @!p0 $0xFFFFF000;
	s7 =	sadd.s32 @!p0 $0x16060, s6  }
0x60: {  	[spmem:s2] =	stream.indirect.scatter.add.f32 @!p0 [tilespmem:s9], [sflag:$0xA], $0x80, s7, s8, $0xb8;
	[tilespmem:$0x1F780] =	vst v63  }
0x61: {  	s7 =	simm.s32 @!p0 $0x9  }
0x62: {  	_ =	swait.ge @!p0 [sflag:s7], $0x1000  }
0x63: {  	[sflag:s7] =	ssyncset.done @!p0 $0x0  }
0x64: {  	s13 =	simm.s32 @!p0 $0x19780;
	[sflag:s7] =	ssyncadd.s32 @!p0 $0xFFFFF000;
	s7 =	sadd.s32 @!p0 $0x139C0, s6  }
0x65: {  	[tilespmem:s13], [sflag:$0x2] =	stream.indirect.gather @!p0 [hbm4b:s4+s8], $0x80, s7, s8, $0xb8;
	[tilespmem:$0x1F780] =	vst v63  }
0x66: {  	_ =	swait.ge [sflag:s0], $0x1000  }
0x67: {  	[sflag:s0] =	ssyncset.done $0x0  }
0x68: {  	s13 =	sadd.s32 $0x16080, s3;
	[sflag:s0] =	ssyncadd.s32 $0xFFFFF000  }
0x69: {  	[spmem:s2] =	stream.indirect.scatter.add.f32 [tilespmem:s22], [sflag:$0xB], $0x80, s13, s15, $0xb8;
	[tilespmem:$0x1F780] =	vst v63  }
0x6a: {  	_ =	swait.ge [sflag:s12], $0x1000  }
0x6b: {  	[sflag:s12] =	ssyncset.done $0x0  }
0x6c: {  	s7 =	simm.s32 @p0 $0x5;
	[sflag:s12] =	ssyncadd.s32 $0xFFFFF000  }
0x6d: {  	_ =	swait.ge @p0 [sflag:s7], $0x1000  }
0x6e: {  	[sflag:s7] =	ssyncset.done @p0 $0x0  }
0x6f: {  	s5 =	sadd.s32 @p0 $0x160A0, s5;
	[sflag:s7] =	ssyncadd.s32 @p0 $0xFFFFF000;
	s7 =	simm.s32 @p0 $0x1C780  }
0x70: {  	[spmem:s2] =	stream.indirect.scatter.add.f32 @p0 [tilespmem:s7], [sflag:$0xC], $0x80, s5, s10, $0xb8;
	[tilespmem:$0x1F780] =	vst v63  }
0x71: {  	s5 =	simm.s32 @p0 $0xB  }
0x72: {  	_ =	swait.ge @p0 [sflag:s5], $0x1000  }
0x73: {  	[sflag:s5] =	ssyncset.done @p0 $0x0  }
0x74: {  	[sflag:s5] =	ssyncadd.s32 @p0 $0xFFFFF000;
	s5 =	sadd.s32 @!p0 $0x139E0, s6  }
0x75: {  	[tilespmem:s9], [sflag:$0x3] =	stream.indirect.gather @!p0 [hbm4b:s4+s8], $0x80, s5, s8, $0xb8;
	[tilespmem:$0x1F780] =	vst v63  }
0x76: {  	s5 =	simm.s32 @!p0 $0x5  }
0x77: {  	_ =	swait.ge @!p0 [sflag:s5], $0x1000  }
0x78: {  	[sflag:s5] =	ssyncset.done @!p0 $0x0  }
0x79: {  	s7 =	simm.s32 @!p0 $0x1C780;
	[sflag:s5] =	ssyncadd.s32 @!p0 $0xFFFFF000;
	s5 =	sadd.s32 @!p0 $0x160A0, s6  }
0x7a: {  	[spmem:s2] =	stream.indirect.scatter.add.f32 @!p0 [tilespmem:s7], [sflag:$0xC], $0x80, s5, s8, $0xb8;
	[tilespmem:$0x1F780] =	vst v63  }
0x7b: {  	s5 =	simm.s32 @!p0 $0xB  }
0x7c: {  	_ =	swait.ge @!p0 [sflag:s5], $0x1000  }
0x7d: {  	[sflag:s5] =	ssyncset.done @!p0 $0x0  }
0x7e: {  	[sflag:s5] =	ssyncadd.s32 @!p0 $0xFFFFF000;
	s5 =	sadd.s32 @!p0 $0x13A00, s6;
	s6 =	simm.s32 @!p0 $0x1B780  }
0x7f: {  	[tilespmem:s6], [sflag:$0x4] =	stream.indirect.gather @!p0 [hbm4b:s4+s8], $0x80, s5, s8, $0xb8;
	[tilespmem:$0x1F780] =	vst v63  }
0x80: {  	_ =	swait.ge [sflag:s17], $0x1000  }
0x81: {  	[sflag:s17] =	ssyncset.done $0x0  }
.Ltmp2:
0x82: {  	s13 =	sadd.s32 $0x160C0, s3;
	[sflag:s17] =	ssyncadd.s32 $0xFFFFF000;
	(pc) =	sbr.rel @p0 .LBB2_4-.Ltmp2, $4  }
0x83: {  	[spmem:s2] =	stream.indirect.scatter.add.f32 [tilespmem:s26], [sflag:$0xD], $0x80, s13, s15, $0xb8;
	[tilespmem:$0x1F780] =	vst v63  }
0x84: {  	_ =	swait.ge [sflag:s19], $0x1000  }
0x85: {  	[sflag:s19] =	ssyncset.done $0x0  }
0x86: {  	s5 =	sadd.s32 $0x160E0, s3;
	[sflag:s19] =	ssyncadd.s32 $0xFFFFF000  }
0x87: {  	s6 =	sadd.s32 $0x13A20, s3  }
0x88: {  	[tilespmem:s24], [sflag:$0x5] =	stream.indirect.gather [hbm4b:s4+s15], $0x80, s6, s15, $0xb8;
	[tilespmem:$0x1F780] =	vst v63  }
0x89: {  	_ =	swait.ge [sflag:s20], $0x1000  }
0x8a: {  	[sflag:s20] =	ssyncset.done $0x0  }
0x8b: {  	[sflag:s20] =	ssyncadd.s32 $0xFFFFF000  }
0x8c: {  	[spmem:s2] =	stream.indirect.scatter.add.f32 [tilespmem:s29], [sflag:$0xE], $0x80, s5, s15, $0xb8;
	[tilespmem:$0x1F780] =	vst v63  }
0x8d: {  	_ =	swait.ge [sflag:s21], $0x1000  }
0x8e: {  	[sflag:s21] =	ssyncset.done $0x0  }
0x8f: {  	s10 =	sadd.s32 $0x13A40, s3;
	[sflag:s21] =	ssyncadd.s32 $0xFFFFF000  }
0x90: {  	[tilespmem:s26], [sflag:$0x6] =	stream.indirect.gather [hbm4b:s4+s15], $0x80, s10, s15, $0xb8;
	[tilespmem:$0x1F780] =	vst v63  }
.Ltmp3:
0x91: {  	_ = 	snop;
	(pc) =	sbr.rel .LBB2_2-.Ltmp3, $4  }
0x92: {  	_ =	swait.ge [sflag:s23], $0x1000  }
0x93: {  	[sflag:s23] =	ssyncset.done $0x0  }
0x94: {  	s13 =	sadd.s32 $0x13A60, s3;
	s28 =	sadd.s32 $0x380, s28;
	[sflag:s23] =	ssyncadd.s32 $0xFFFFF000  }
0x95: {  	[tilespmem:s29], [sflag:$0x7] =	stream.indirect.gather [hbm4b:s4+s15], $0x80, s13, s15, $0xb8;
	[tilespmem:$0x1F780] =	vst v63  }
.LBB2_5:
0x96: {  	_ =	sfence.sel $0x180000  }
0x97: {  	[bflag:$0x0] =	sbarrier.arrive $0xFFFF  }
0x98: {  	_ =	strace $0x90000050  }
0x99: {  	s0 =	stileid.u32;
	[bflag:$0x2] =	sbarrier.arrive $0xFFFF  }
0x9a: {  	p0 =	sne.s32 s0, $0x0;
	s0 =	rddreg [dreg:$0x2]  }
0x9b: {  	s0 =	sadd.s32 @!p0 $0x100000, s0  }
0x9c: {  	[sflag:s0] =	ssyncadd.tile.s32 @!p0 $0x1;
	_ =	shalt  }
.Lfunc_end2:
_tile_overlayer_lowered:
.L_overlay_start_2:
0x9d: {  	(tag) =	ssettag $0x2  }
0x9e: {  	s0 =	rddreg [dreg:$0x0];
	s2 =	stileid.u32  }
0x9f: {  	s1 =	rddreg [dreg:$0x1];
	p0 =	sne.s32 s2, $0x0  }
0xa0: {  	s3 =	rddreg [dreg:$0x2];
	[bflag:$0x3] =	sbarrier.arrive $0xFFFF;
	s2 =	simm.s32 @!p0 $0x1C0F  }
0xa1: {  	[timem:s3], [sflag:s2] =	dma.local @!p0 [hbm:s0], s1  }
0xa2: {  	s0 =	simm.s32 @!p0 $0xF  }
0xa3: {  	_ =	swait.ge @!p0 [sflag:s0], s1  }
0xa4: {  	s1 =	ssub.s32 @!p0 $0x0, s1;
	[sflag:s0] =	ssyncset.done @!p0 $0x0  }
0xa5: {  	[sflag:s0] =	ssyncadd.s32 @!p0 s1  }
0xa6: {  	[bflag:$0x3] =	sbarrier.arrive $0xFFFF  }
0xa7: {  	_ =	shalt  }

</sc_bundles>
